<compile_context>
chip_gen: v7x
topology: tpu7x:2x2x1
jax: 0.10.2.dev20260603
libtpu: 0.0.44.dev20260713+nightly
codegen_flags: <defaults>
</compile_context>

<pallas_src>
import functools

import jax
import jax.numpy as jnp
from jax import lax
from jax.experimental import pallas as pl
from jax.experimental.pallas import tpu as pltpu
from jax.experimental.pallas import tpu_sc as plsc

B = 4096
DIM = 32
NN = 8
NREL = 32
ROWS_PER_B = 1 + NN + NN * NN

NC, NS = 2, 16
NW = NC * NS
BPW = B // NW
CH = 128
NCHUNK = ROWS_PER_B * BPW // CH

BB = 256


def _sc_gather(ent_embed, usr_embed, i0, i1, i2, uids):
    mesh = plsc.VectorSubcoreMesh(
        core_axis_name="c", subcore_axis_name="s", num_cores=NC, num_subcores=NS
    )

    @functools.partial(
        pl.kernel,
        out_type=(
            jax.ShapeDtypeStruct((NW * NN * NN, CH, DIM), jnp.float32),
            jax.ShapeDtypeStruct((NW * NN, CH, DIM), jnp.float32),
            jax.ShapeDtypeStruct((NW, CH, DIM), jnp.float32),
            jax.ShapeDtypeStruct((NW, CH, DIM), jnp.float32),
        ),
        mesh=mesh,
        compiler_params=pltpu.CompilerParams(use_tc_tiling_on_sc=False),
        scratch_types=[
            pltpu.VMEM((NN * NN, CH), jnp.int32),
            pltpu.VMEM((NN, CH), jnp.int32),
            pltpu.VMEM((CH,), jnp.int32),
            pltpu.VMEM((CH,), jnp.int32),
            pltpu.VMEM((8, CH, DIM), jnp.float32),
            pltpu.VMEM((NN, CH, DIM), jnp.float32),
            pltpu.VMEM((CH, DIM), jnp.float32),
            pltpu.VMEM((CH, DIM), jnp.float32),
            pltpu.SemaphoreType.DMA,
            pltpu.SemaphoreType.DMA,
            pltpu.SemaphoreType.DMA,
            pltpu.SemaphoreType.DMA,
            pltpu.SemaphoreType.DMA,
            pltpu.SemaphoreType.DMA,
        ],
    )
    def k(ent_hbm, usr_hbm, i0_hbm, i1_hbm, i2_hbm, uid_hbm,
          e2_hbm, e1_hbm, e0_hbm, u_hbm,
          i2_v, i1_v, i0_v, uid_v, bufs, e1b, e0b, ub,
          gsem0, gsem1, wsem0, wsem1, esem, wesem):
        wid = lax.axis_index("s") * NC + lax.axis_index("c")
        pltpu.sync_copy(i2_hbm.at[wid], i2_v)
        pltpu.sync_copy(i1_hbm.at[wid], i1_v)
        pltpu.sync_copy(i0_hbm.at[wid], i0_v)
        pltpu.sync_copy(uid_hbm.at[wid], uid_v)

        for c in range(NN):
            pltpu.async_copy(ent_hbm.at[i1_v.at[c]], e1b.at[c], esem)
        pltpu.async_copy(ent_hbm.at[i0_v], e0b, esem)
        pltpu.async_copy(usr_hbm.at[uid_v], ub, esem)

        def g_start(j, slot, sem):
            pltpu.async_copy(ent_hbm.at[i2_v.at[j]], bufs.at[slot], sem)

        def g_wait(j, slot, sem):
            pltpu.make_async_copy(ent_hbm.at[i2_v.at[j]], bufs.at[slot], sem).wait()

        def w_start(j, slot, sem):
            pltpu.async_copy(bufs.at[slot], e2_hbm.at[wid * NN * NN + j], sem)

        def w_wait(j, slot, sem):
            pltpu.make_async_copy(bufs.at[slot],
                                  e2_hbm.at[wid * NN * NN + j], sem).wait()

        for c in range(4):
            g_start(c, c, gsem0)
        for c in range(4):
            g_start(4 + c, 4 + c, gsem1)

        def body(i, carry):
            j0 = 8 * i
            for c in range(4):
                g_wait(j0 + c, c, gsem0)
            for c in range(4):
                w_start(j0 + c, c, wsem0)
            for c in range(4):
                g_wait(j0 + 4 + c, 4 + c, gsem1)
            for c in range(4):
                w_start(j0 + 4 + c, 4 + c, wsem1)
            for c in range(4):
                w_wait(j0 + c, c, wsem0)
            for c in range(4):
                g_start(j0 + 8 + c, c, gsem0)
            for c in range(4):
                w_wait(j0 + 4 + c, 4 + c, wsem1)
            for c in range(4):
                g_start(j0 + 12 + c, 4 + c, gsem1)
            return carry

        lax.fori_loop(0, 7, body, 0)
        for c in range(4):
            g_wait(56 + c, c, gsem0)
        for c in range(4):
            w_start(56 + c, c, wsem0)
        for c in range(4):
            g_wait(60 + c, 4 + c, gsem1)
        for c in range(4):
            w_start(60 + c, 4 + c, wsem1)
        for c in range(4):
            w_wait(56 + c, c, wsem0)
        for c in range(4):
            w_wait(60 + c, 4 + c, wsem1)

        for c in range(NN):
            pltpu.make_async_copy(ent_hbm.at[i1_v.at[c]], e1b.at[c], esem).wait()
        pltpu.make_async_copy(ent_hbm.at[i0_v], e0b, esem).wait()
        pltpu.make_async_copy(usr_hbm.at[uid_v], ub, esem).wait()
        for c in range(NN):
            pltpu.async_copy(e1b.at[c], e1_hbm.at[wid * NN + c], wesem)
        pltpu.async_copy(e0b, e0_hbm.at[wid], wesem)
        pltpu.async_copy(ub, u_hbm.at[wid], wesem)
        for c in range(NN):
            pltpu.make_async_copy(e1b.at[c], e1_hbm.at[wid * NN + c], wesem).wait()
        pltpu.make_async_copy(e0b, e0_hbm.at[wid], wesem).wait()
        pltpu.make_async_copy(ub, u_hbm.at[wid], wesem).wait()

    return k(ent_embed, usr_embed, i0, i1, i2, uids)


NPOS = NN + NN * NN
NG = 1 + NN
QW = NPOS * DIM
GW = NG * DIM


def _np_consts():
    import numpy as np
    eye32 = np.eye(DIM, dtype=np.float32)
    t32 = np.tile(eye32, (1, NPOS))
    r72 = np.repeat(np.eye(NPOS, dtype=np.float32), DIM, axis=1)
    c72 = r72.T.copy()
    d9 = np.repeat(np.eye(NG, dtype=np.float32), NN, axis=0)
    e9 = np.repeat(np.eye(NG, dtype=np.float32), DIM, axis=1)
    h = np.kron(d9, eye32)
    r8 = np.repeat(np.eye(NN, dtype=np.float32), DIM, axis=1)
    hs = np.tile(eye32, (NN, 1))
    tb = np.tile(eye32, (1, NG))
    tbt = tb.T.copy()
    bd = np.kron(np.eye(NG, dtype=np.float32), np.ones((DIM, DIM), np.float32))
    return t32, r72, c72, d9, e9, h, r8, hs, tb, tbt, bd


def _dot(x, y):
    return lax.dot_general(x, y, (((1,), (0,)), ((), ())),
                           preferred_element_type=jnp.float32)


def _mm(x, w):
    return lax.dot_general(x, w, (((1,), (1,)), ((), ())),
                           preferred_element_type=jnp.float32)


def _tc_body(U_ref, E0_ref, E1_ref, E2_ref, ids_ref, rel_ref, W_ref, b_ref,
             t32_ref, r72_ref, c72_ref, d9_ref, e9_ref, h_ref, r8_ref, hs_ref,
             tb_ref, tbt_ref, bd_ref, out_ref):
    U = U_ref[...]
    E0 = E0_ref[...]
    E1 = E1_ref[...]
    E2 = E2_ref[...]
    idsf = ids_ref[...]
    rel = rel_ref[...]
    W = W_ref[...]
    bvec = b_ref[...]

    S = _mm(U, rel)
    mx = jnp.max(S, axis=1, keepdims=True)
    expS = jnp.exp(S - mx)

    eh = _dot(expS, t32_ref[...])
    idr = _dot(idsf, r72_ref[...])
    lmod = lax.rem(lax.broadcasted_iota(jnp.int32, (BB, QW), 1), DIM)
    eflat = jnp.where(idr.astype(jnp.int32) == lmod, eh, 0.0)

    e = _dot(eflat, c72_ref[...])
    den = _dot(e, d9_ref[...])
    denr = _dot(den, e9_ref[...])
    wrep = _dot(e, r72_ref[...])

    En = jnp.concatenate([E1, E2], axis=1)
    agg = _dot(wrep * En, h_ref[...])
    sv = jnp.concatenate([E0, E1], axis=1)
    pre = sv + agg / denr

    wt = _mm(tbt_ref[...], W)
    bw = _dot(wt, tb_ref[...]) * bd_ref[...]
    btile = _dot(bvec, tb_ref[...])
    o = jax.nn.sigmoid(_dot(pre, bw) + btile)

    o0 = o[:, :DIM]
    o1 = o[:, DIM:]
    p0 = e[:, :NN] / den[:, 0:1]
    w0 = _dot(p0, r8_ref[...])
    aggf = _dot(w0 * o1, hs_ref[...])
    fin = jnp.tanh(_mm(o0 + aggf, W) + bvec)
    out_ref[...] = jax.nn.sigmoid(jnp.sum(U * fin, axis=1))


def _tc_dense(U, E0, E1, E2, idsf, rel, W, bvec, interpret=False):
    consts = _np_consts()
    grid = (B // BB,)
    bcast = lambda shape: pl.BlockSpec(shape, lambda i: tuple(0 for _ in shape))
    blk = lambda shape: pl.BlockSpec(shape, lambda i: (i,) + tuple(0 for _ in shape[1:]))
    return pl.pallas_call(
        _tc_body,
        grid=grid,
        in_specs=[
            blk((BB, DIM)),
            blk((BB, DIM)),
            blk((BB, NN * DIM)),
            blk((BB, NN * NN * DIM)),
            blk((BB, NPOS)),
            bcast((NREL, DIM)),
            bcast((DIM, DIM)),
            bcast((1, DIM)),
        ] + [bcast(c.shape) for c in consts],
        out_specs=pl.BlockSpec((BB,), lambda i: (i,)),
        out_shape=jax.ShapeDtypeStruct((B,), jnp.float32),
        interpret=interpret,
    )(U, E0, E1, E2, idsf, rel, W, bvec, *consts)


def kernel(usr_id, usr_embed, ent_id_0, ent_id_1, ent_id_2, ent_embed,
           rel_id_0, rel_id_1, rel_embed, W, b):
    i0 = ent_id_0.reshape(NW, CH)
    i1 = ent_id_1.reshape(NW, NN, CH)
    i2 = ent_id_2.reshape(NW, NN * NN, CH)
    uids = usr_id.reshape(NW, CH)
    E2o, E1o, E0o, Uo = _sc_gather(ent_embed, usr_embed, i0, i1, i2, uids)
    E2 = E2o.reshape(B, NN * NN * DIM)
    E1 = E1o.reshape(B, NN * DIM)
    E0 = E0o.reshape(B, DIM)
    U = Uo.reshape(B, DIM)
    idsf = jnp.concatenate([rel_id_0, rel_id_1], axis=1).astype(jnp.float32)
    return _tc_dense(U, E0, E1, E2, idsf, rel_embed, W, b.reshape(1, DIM))

# --- scband reference (transcript-rebuilt; emitter-appended) ---
"""Pipeline reference for scband-kgcn-kg-37950331028018 (READ-ONLY COPY).

The authoritative reference and input builder live on the scoring server;
editing this copy changes nothing except your own understanding.
"""

import jax, jax.numpy as jnp
import numpy as np

B = 4096
DIM = 32
NN = 8
N_ITER = 2
NUM_USR = 1000
NUM_ENT = 100000
NUM_REL = 32


def setup_inputs(seed: int = 0) -> dict:
    key = jax.random.key(seed)
    ks = jax.random.split(key, 11)
    return {
        "usr_id": jax.random.randint(ks[0], (B,), 0, NUM_USR),
        "usr_embed": jax.random.normal(ks[1], (NUM_USR, DIM), dtype=jnp.float32),
        "ent_id_0": jax.random.randint(ks[2], (B, 1), 0, NUM_ENT),
        "ent_id_1": jax.random.randint(ks[3], (B, NN), 0, NUM_ENT),
        "ent_id_2": jax.random.randint(ks[4], (B, NN * NN), 0, NUM_ENT),
        "ent_embed": jax.random.normal(ks[5], (NUM_ENT, DIM), dtype=jnp.float32),
        "rel_id_0": jax.random.randint(ks[6], (B, NN), 0, NUM_REL),
        "rel_id_1": jax.random.randint(ks[7], (B, NN * NN), 0, NUM_REL),
        "rel_embed": jax.random.normal(ks[8], (NUM_REL, DIM), dtype=jnp.float32),
        "W": jax.random.normal(ks[9], (DIM, DIM), dtype=jnp.float32) / np.sqrt(DIM),
        "b": jnp.zeros((DIM,), dtype=jnp.float32),
    }


def _mix_neighbor_vectors(neighbor_vectors, neighbor_relations, user_embeddings):
    # user_embeddings: [B, DIM] -> [B, 1, 1, DIM]
    ue = user_embeddings.reshape((user_embeddings.shape[0], 1, 1, DIM))
    user_relation_scores = (ue * neighbor_relations).sum(axis=-1)  # [B, m, NN]
    p = jax.nn.softmax(user_relation_scores, axis=-1)[..., None]    # [B, m, NN, 1]
    return (p * neighbor_vectors).sum(axis=2)                        # [B, m, DIM]


def _aggregate_hop(self_vectors, neighbor_vectors, neighbor_relations, user_embeddings, W, b, act):
    neighbors_agg = _mix_neighbor_vectors(neighbor_vectors, neighbor_relations, user_embeddings)
    # aggregator == 'sum'
    output = (self_vectors + neighbors_agg).reshape((-1, DIM))
    output = output @ W.T + b
    return act(output.reshape((user_embeddings.shape[0], -1, DIM)))


def reference(usr_id, usr_embed, ent_id_0, ent_id_1, ent_id_2, ent_embed, rel_id_0, rel_id_1, rel_embed, W, b):
    user_embeddings = jnp.take(usr_embed, usr_id, axis=0)                 # [B, DIM]
    entity_embeddings = [
        jnp.take(ent_embed, ent_id_0, axis=0),                            # [B, 1, DIM]
        jnp.take(ent_embed, ent_id_1, axis=0),                            # [B, NN, DIM]
        jnp.take(ent_embed, ent_id_2, axis=0),                            # [B, NN*NN, DIM]
    ]
    relation_embeddings = [
        jnp.take(rel_embed, rel_id_0, axis=0),                            # [B, NN, DIM]
        jnp.take(rel_embed, rel_id_1, axis=0),                            # [B, NN*NN, DIM]
    ]
    for i in range(N_ITER):
        act = jnp.tanh if i == N_ITER - 1 else jax.nn.sigmoid
        entity_vectors_next_iter = []
        for hop in range(N_ITER - i):
            nv = entity_embeddings[hop + 1].reshape((B, -1, NN, DIM))
            nr = relation_embeddings[hop].reshape((B, -1, NN, DIM))
            vector = _aggregate_hop(entity_embeddings[hop], nv, nr, user_embeddings, W, b, act)
            entity_vectors_next_iter.append(vector)
        entity_embeddings = entity_vectors_next_iter
    item_embeddings = entity_embeddings[0].reshape((B, DIM))
    scores = (user_embeddings * item_embeddings).sum(axis=1)
    return jax.nn.sigmoid(scores)

if __name__ == "__main__":
    import jax
    _d = setup_inputs()
    print(jax.jit(kernel)(*tuple(_d.values())))

</pallas_src>

<mosaic_0001>
#map = affine_map<(d0, d1) -> (0, 0)>
#map1 = affine_map<(d0, d1) -> (0, 0, 0)>
module attributes {stable_mosaic.version = 14 : i64} {
  func.func @k(%arg0: i32, %arg1: i32, %arg2: memref<100000x32xf32, #tpu.memory_space<hbm>>, %arg3: memref<1000x32xf32, #tpu.memory_space<hbm>>, %arg4: memref<32x128xi32, #tpu.memory_space<hbm>>, %arg5: memref<32x8x128xi32, #tpu.memory_space<hbm>>, %arg6: memref<32x64x128xi32, #tpu.memory_space<hbm>>, %arg7: memref<32x128xi32, #tpu.memory_space<hbm>>, %arg8: memref<2048x128x32xf32, #tpu.memory_space<hbm>>, %arg9: memref<256x128x32xf32, #tpu.memory_space<hbm>>, %arg10: memref<32x128x32xf32, #tpu.memory_space<hbm>>, %arg11: memref<32x128x32xf32, #tpu.memory_space<hbm>>, %arg12: memref<64x128xi32, #tpu.memory_space<vmem>>, %arg13: memref<8x128xi32, #tpu.memory_space<vmem>>, %arg14: memref<128xi32, #tpu.memory_space<vmem>>, %arg15: memref<128xi32, #tpu.memory_space<vmem>>, %arg16: memref<8x128x32xf32, #tpu.memory_space<vmem>>, %arg17: memref<8x128x32xf32, #tpu.memory_space<vmem>>, %arg18: memref<128x32xf32, #tpu.memory_space<vmem>>, %arg19: memref<128x32xf32, #tpu.memory_space<vmem>>, %arg20: memref<!tpu.dma_semaphore, #tpu.memory_space<semaphore_mem>>, %arg21: memref<!tpu.dma_semaphore, #tpu.memory_space<semaphore_mem>>, %arg22: memref<!tpu.dma_semaphore, #tpu.memory_space<semaphore_mem>>, %arg23: memref<!tpu.dma_semaphore, #tpu.memory_space<semaphore_mem>>, %arg24: memref<!tpu.dma_semaphore, #tpu.memory_space<semaphore_mem>>, %arg25: memref<!tpu.dma_semaphore, #tpu.memory_space<semaphore_mem>>) attributes {dimension_semantics = [#tpu.dimension_semantics<core_parallel>, #tpu.dimension_semantics<subcore_parallel>], iteration_bounds = array<i64: 2, 16>, scalar_prefetch = 0 : i64, scratch_operands = 14 : i64, tpu.core_type = #tpu.core_type<sc_vector_subcore>, window_params = [{transform_indices = #map}, {transform_indices = #map}, {transform_indices = #map}, {transform_indices = #map1}, {transform_indices = #map1}, {transform_indices = #map}, {transform_indices = #map1}, {transform_indices = #map1}, {transform_indices = #map1}, {transform_indices = #map1}]} {
    %mul3A = arith.constant 2 : i32
    %mul3A_0 = arith.muli %arg1, %mul3A : i32
    %add3A = arith.addi %mul3A_0, %arg0 : i32
    "tpu.region"() ({
      %run_scoped3A = tpu.sem_alloc : memref<!tpu.dma_semaphore, #tpu.memory_space<semaphore_mem>>
      %dma_start3A_1136 = arith.constant 0 : i32
      %dma_start3A_1137 = arith.constant 0 : i32
      %dma_start3A_1138 = tpu.memref_slice %arg6[%add3A, %dma_start3A_1136, %dma_start3A_1137] : memref<32x64x128xi32, #tpu.memory_space<hbm>> -> memref<1x64x128xi32, #tpu.memory_space<hbm>>
      %dma_start3A_1139 = tpu.memref_squeeze %dma_start3A_1138 : memref<1x64x128xi32, #tpu.memory_space<hbm>> -> memref<64x128xi32, #tpu.memory_space<hbm>>
      %dma_start3A_1140 = arith.constant 0 : i32
      %dma_start3A_1141 = arith.constant 0 : i32
      %dma_start3A_1142 = tpu.memref_slice %arg6[%add3A, %dma_start3A_1140, %dma_start3A_1141] : memref<32x64x128xi32, #tpu.memory_space<hbm>> -> memref<1x64x128xi32, #tpu.memory_space<hbm>>
      %dma_start3A_1143 = tpu.memref_squeeze %dma_start3A_1142 : memref<1x64x128xi32, #tpu.memory_space<hbm>> -> memref<64x128xi32, #tpu.memory_space<hbm>>
      tpu.enqueue_dma source(%dma_start3A_1143 : memref<64x128xi32, #tpu.memory_space<hbm>>) target(%arg12 : memref<64x128xi32, #tpu.memory_space<vmem>>) target_semaphore(%run_scoped3A : memref<!tpu.dma_semaphore, #tpu.memory_space<semaphore_mem>>)
      %dma_wait3A_1144 = arith.constant 0 : i32
      %dma_wait3A_1145 = arith.constant 0 : i32
      %dma_wait3A_1146 = tpu.memref_slice %arg6[%add3A, %dma_wait3A_1144, %dma_wait3A_1145] : memref<32x64x128xi32, #tpu.memory_space<hbm>> -> memref<1x64x128xi32, #tpu.memory_space<hbm>>
      %dma_wait3A_1147 = tpu.memref_squeeze %dma_wait3A_1146 : memref<1x64x128xi32, #tpu.memory_space<hbm>> -> memref<64x128xi32, #tpu.memory_space<hbm>>
      %dma_wait3A_1148 = arith.constant 0 : i32
      %dma_wait3A_1149 = arith.constant 0 : i32
      %dma_wait3A_1150 = tpu.memref_slice %arg6[%add3A, %dma_wait3A_1148, %dma_wait3A_1149] : memref<32x64x128xi32, #tpu.memory_space<hbm>> -> memref<1x64x128xi32, #tpu.memory_space<hbm>>
      %dma_wait3A_1151 = tpu.memref_squeeze %dma_wait3A_1150 : memref<1x64x128xi32, #tpu.memory_space<hbm>> -> memref<64x128xi32, #tpu.memory_space<hbm>>
      tpu.wait_dma2 semaphore(%run_scoped3A : memref<!tpu.dma_semaphore, #tpu.memory_space<semaphore_mem>>) src(%dma_wait3A_1151 : memref<64x128xi32, #tpu.memory_space<hbm>>) dst(%arg12 : memref<64x128xi32, #tpu.memory_space<vmem>>)
      tpu.yield
    }) : () -> ()
    "tpu.region"() ({
      %run_scoped3A = tpu.sem_alloc : memref<!tpu.dma_semaphore, #tpu.memory_space<semaphore_mem>>
      %dma_start3A_1136 = arith.constant 0 : i32
      %dma_start3A_1137 = arith.constant 0 : i32
      %dma_start3A_1138 = tpu.memref_slice %arg5[%add3A, %dma_start3A_1136, %dma_start3A_1137] : memref<32x8x128xi32, #tpu.memory_space<hbm>> -> memref<1x8x128xi32, #tpu.memory_space<hbm>>
      %dma_start3A_1139 = tpu.memref_squeeze %dma_start3A_1138 : memref<1x8x128xi32, #tpu.memory_space<hbm>> -> memref<8x128xi32, #tpu.memory_space<hbm>>
      %dma_start3A_1140 = arith.constant 0 : i32
      %dma_start3A_1141 = arith.constant 0 : i32
      %dma_start3A_1142 = tpu.memref_slice %arg5[%add3A, %dma_start3A_1140, %dma_start3A_1141] : memref<32x8x128xi32, #tpu.memory_space<hbm>> -> memref<1x8x128xi32, #tpu.memory_space<hbm>>
      %dma_start3A_1143 = tpu.memref_squeeze %dma_start3A_1142 : memref<1x8x128xi32, #tpu.memory_space<hbm>> -> memref<8x128xi32, #tpu.memory_space<hbm>>
      tpu.enqueue_dma source(%dma_start3A_1143 : memref<8x128xi32, #tpu.memory_space<hbm>>) target(%arg13 : memref<8x128xi32, #tpu.memory_space<vmem>>) target_semaphore(%run_scoped3A : memref<!tpu.dma_semaphore, #tpu.memory_space<semaphore_mem>>)
      %dma_wait3A_1144 = arith.constant 0 : i32
      %dma_wait3A_1145 = arith.constant 0 : i32
      %dma_wait3A_1146 = tpu.memref_slice %arg5[%add3A, %dma_wait3A_1144, %dma_wait3A_1145] : memref<32x8x128xi32, #tpu.memory_space<hbm>> -> memref<1x8x128xi32, #tpu.memory_space<hbm>>
      %dma_wait3A_1147 = tpu.memref_squeeze %dma_wait3A_1146 : memref<1x8x128xi32, #tpu.memory_space<hbm>> -> memref<8x128xi32, #tpu.memory_space<hbm>>
      %dma_wait3A_1148 = arith.constant 0 : i32
      %dma_wait3A_1149 = arith.constant 0 : i32
      %dma_wait3A_1150 = tpu.memref_slice %arg5[%add3A, %dma_wait3A_1148, %dma_wait3A_1149] : memref<32x8x128xi32, #tpu.memory_space<hbm>> -> memref<1x8x128xi32, #tpu.memory_space<hbm>>
      %dma_wait3A_1151 = tpu.memref_squeeze %dma_wait3A_1150 : memref<1x8x128xi32, #tpu.memory_space<hbm>> -> memref<8x128xi32, #tpu.memory_space<hbm>>
      tpu.wait_dma2 semaphore(%run_scoped3A : memref<!tpu.dma_semaphore, #tpu.memory_space<semaphore_mem>>) src(%dma_wait3A_1151 : memref<8x128xi32, #tpu.memory_space<hbm>>) dst(%arg13 : memref<8x128xi32, #tpu.memory_space<vmem>>)
      tpu.yield
    }) : () -> ()
    "tpu.region"() ({
      %run_scoped3A = tpu.sem_alloc : memref<!tpu.dma_semaphore, #tpu.memory_space<semaphore_mem>>
      %dma_start3A_1136 = arith.constant 0 : i32
      %dma_start3A_1137 = tpu.memref_slice %arg4[%add3A, %dma_start3A_1136] : memref<32x128xi32, #tpu.memory_space<hbm>> -> memref<1x128xi32, #tpu.memory_space<hbm>>
      %dma_start3A_1138 = tpu.memref_squeeze %dma_start3A_1137 : memref<1x128xi32, #tpu.memory_space<hbm>> -> memref<128xi32, #tpu.memory_space<hbm>>
      %dma_start3A_1139 = arith.constant 0 : i32
      %dma_start3A_1140 = tpu.memref_slice %arg4[%add3A, %dma_start3A_1139] : memref<32x128xi32, #tpu.memory_space<hbm>> -> memref<1x128xi32, #tpu.memory_space<hbm>>
      %dma_start3A_1141 = tpu.memref_squeeze %dma_start3A_1140 : memref<1x128xi32, #tpu.memory_space<hbm>> -> memref<128xi32, #tpu.memory_space<hbm>>
      tpu.enqueue_dma source(%dma_start3A_1141 : memref<128xi32, #tpu.memory_space<hbm>>) target(%arg14 : memref<128xi32, #tpu.memory_space<vmem>>) target_semaphore(%run_scoped3A : memref<!tpu.dma_semaphore, #tpu.memory_space<semaphore_mem>>)
      %dma_wait3A_1142 = arith.constant 0 : i32
      %dma_wait3A_1143 = tpu.memref_slice %arg4[%add3A, %dma_wait3A_1142] : memref<32x128xi32, #tpu.memory_space<hbm>> -> memref<1x128xi32, #tpu.memory_space<hbm>>
      %dma_wait3A_1144 = tpu.memref_squeeze %dma_wait3A_1143 : memref<1x128xi32, #tpu.memory_space<hbm>> -> memref<128xi32, #tpu.memory_space<hbm>>
      %dma_wait3A_1145 = arith.constant 0 : i32
      %dma_wait3A_1146 = tpu.memref_slice %arg4[%add3A, %dma_wait3A_1145] : memref<32x128xi32, #tpu.memory_space<hbm>> -> memref<1x128xi32, #tpu.memory_space<hbm>>
      %dma_wait3A_1147 = tpu.memref_squeeze %dma_wait3A_1146 : memref<1x128xi32, #tpu.memory_space<hbm>> -> memref<128xi32, #tpu.memory_space<hbm>>
      tpu.wait_dma2 semaphore(%run_scoped3A : memref<!tpu.dma_semaphore, #tpu.memory_space<semaphore_mem>>) src(%dma_wait3A_1147 : memref<128xi32, #tpu.memory_space<hbm>>) dst(%arg14 : memref<128xi32, #tpu.memory_space<vmem>>)
      tpu.yield
    }) : () -> ()
    "tpu.region"() ({
      %run_scoped3A = tpu.sem_alloc : memref<!tpu.dma_semaphore, #tpu.memory_space<semaphore_mem>>
      %dma_start3A_1136 = arith.constant 0 : i32
      %dma_start3A_1137 = tpu.memref_slice %arg7[%add3A, %dma_start3A_1136] : memref<32x128xi32, #tpu.memory_space<hbm>> -> memref<1x128xi32, #tpu.memory_space<hbm>>
      %dma_start3A_1138 = tpu.memref_squeeze %dma_start3A_1137 : memref<1x128xi32, #tpu.memory_space<hbm>> -> memref<128xi32, #tpu.memory_space<hbm>>
      %dma_start3A_1139 = arith.constant 0 : i32
      %dma_start3A_1140 = tpu.memref_slice %arg7[%add3A, %dma_start3A_1139] : memref<32x128xi32, #tpu.memory_space<hbm>> -> memref<1x128xi32, #tpu.memory_space<hbm>>
      %dma_start3A_1141 = tpu.memref_squeeze %dma_start3A_1140 : memref<1x128xi32, #tpu.memory_space<hbm>> -> memref<128xi32, #tpu.memory_space<hbm>>
      tpu.enqueue_dma source(%dma_start3A_1141 : memref<128xi32, #tpu.memory_space<hbm>>) target(%arg15 : memref<128xi32, #tpu.memory_space<vmem>>) target_semaphore(%run_scoped3A : memref<!tpu.dma_semaphore, #tpu.memory_space<semaphore_mem>>)
      %dma_wait3A_1142 = arith.constant 0 : i32
      %dma_wait3A_1143 = tpu.memref_slice %arg7[%add3A, %dma_wait3A_1142] : memref<32x128xi32, #tpu.memory_space<hbm>> -> memref<1x128xi32, #tpu.memory_space<hbm>>
      %dma_wait3A_1144 = tpu.memref_squeeze %dma_wait3A_1143 : memref<1x128xi32, #tpu.memory_space<hbm>> -> memref<128xi32, #tpu.memory_space<hbm>>
      %dma_wait3A_1145 = arith.constant 0 : i32
      %dma_wait3A_1146 = tpu.memref_slice %arg7[%add3A, %dma_wait3A_1145] : memref<32x128xi32, #tpu.memory_space<hbm>> -> memref<1x128xi32, #tpu.memory_space<hbm>>
      %dma_wait3A_1147 = tpu.memref_squeeze %dma_wait3A_1146 : memref<1x128xi32, #tpu.memory_space<hbm>> -> memref<128xi32, #tpu.memory_space<hbm>>
      tpu.wait_dma2 semaphore(%run_scoped3A : memref<!tpu.dma_semaphore, #tpu.memory_space<semaphore_mem>>) src(%dma_wait3A_1147 : memref<128xi32, #tpu.memory_space<hbm>>) dst(%arg15 : memref<128xi32, #tpu.memory_space<vmem>>)
      tpu.yield
    }) : () -> ()
    %dma_start3A = arith.constant 0 : i32
    %dma_start3A_1 = arith.constant 0 : i32
    %dma_start3A_2 = arith.constant 0 : i32
    %dma_start3A_3 = arith.constant 0 : i32
    %dma_start3A_4 = tpu.memref_slice %arg17[%dma_start3A_1, %dma_start3A_2, %dma_start3A_3] : memref<8x128x32xf32, #tpu.memory_space<vmem>> -> memref<1x128x32xf32, #tpu.memory_space<vmem>>
    %dma_start3A_5 = tpu.memref_squeeze %dma_start3A_4 : memref<1x128x32xf32, #tpu.memory_space<vmem>> -> memref<128x32xf32, #tpu.memory_space<vmem>>
    %dma_start3A_6 = arith.constant 0 : i32
    %dma_start3A_7 = tpu.memref_slice %arg13[%dma_start3A, %dma_start3A_6] : memref<8x128xi32, #tpu.memory_space<vmem>> -> memref<1x128xi32, #tpu.memory_space<vmem>>
    %dma_start3A_8 = tpu.memref_squeeze %dma_start3A_7 : memref<1x128xi32, #tpu.memory_space<vmem>> -> memref<128xi32, #tpu.memory_space<vmem>>
    %dma_start3A_9 = arith.constant 0 : i32
    %dma_start3A_10 = arith.constant 0 : i32
    %dma_start3A_11 = tpu.memref_slice %arg2[%dma_start3A_9, %dma_start3A_10] : memref<100000x32xf32, #tpu.memory_space<hbm>> -> memref<100000x32xf32, #tpu.memory_space<hbm>>
    tpu.enqueue_indirect_dma source(%dma_start3A_11 : memref<100000x32xf32, #tpu.memory_space<hbm>>) target(%dma_start3A_5 : memref<128x32xf32, #tpu.memory_space<vmem>>) offsets(%dma_start3A_8 : memref<128xi32, #tpu.memory_space<vmem>>) semaphore(%arg24 : memref<!tpu.dma_semaphore, #tpu.memory_space<semaphore_mem>>)
    %dma_start3A_12 = arith.constant 1 : i32
    %dma_start3A_13 = arith.constant 1 : i32
    %dma_start3A_14 = arith.constant 0 : i32
    %dma_start3A_15 = arith.constant 0 : i32
    %dma_start3A_16 = tpu.memref_slice %arg17[%dma_start3A_13, %dma_start3A_14, %dma_start3A_15] : memref<8x128x32xf32, #tpu.memory_space<vmem>> -> memref<1x128x32xf32, #tpu.memory_space<vmem>>
    %dma_start3A_17 = tpu.memref_squeeze %dma_start3A_16 : memref<1x128x32xf32, #tpu.memory_space<vmem>> -> memref<128x32xf32, #tpu.memory_space<vmem>>
    %dma_start3A_18 = arith.constant 0 : i32
    %dma_start3A_19 = tpu.memref_slice %arg13[%dma_start3A_12, %dma_start3A_18] : memref<8x128xi32, #tpu.memory_space<vmem>> -> memref<1x128xi32, #tpu.memory_space<vmem>>
    %dma_start3A_20 = tpu.memref_squeeze %dma_start3A_19 : memref<1x128xi32, #tpu.memory_space<vmem>> -> memref<128xi32, #tpu.memory_space<vmem>>
    %dma_start3A_21 = arith.constant 0 : i32
    %dma_start3A_22 = arith.constant 0 : i32
    %dma_start3A_23 = tpu.memref_slice %arg2[%dma_start3A_21, %dma_start3A_22] : memref<100000x32xf32, #tpu.memory_space<hbm>> -> memref<100000x32xf32, #tpu.memory_space<hbm>>
    tpu.enqueue_indirect_dma source(%dma_start3A_23 : memref<100000x32xf32, #tpu.memory_space<hbm>>) target(%dma_start3A_17 : memref<128x32xf32, #tpu.memory_space<vmem>>) offsets(%dma_start3A_20 : memref<128xi32, #tpu.memory_space<vmem>>) semaphore(%arg24 : memref<!tpu.dma_semaphore, #tpu.memory_space<semaphore_mem>>)
    %dma_start3A_24 = arith.constant 2 : i32
    %dma_start3A_25 = arith.constant 2 : i32
    %dma_start3A_26 = arith.constant 0 : i32
    %dma_start3A_27 = arith.constant 0 : i32
    %dma_start3A_28 = tpu.memref_slice %arg17[%dma_start3A_25, %dma_start3A_26, %dma_start3A_27] : memref<8x128x32xf32, #tpu.memory_space<vmem>> -> memref<1x128x32xf32, #tpu.memory_space<vmem>>
    %dma_start3A_29 = tpu.memref_squeeze %dma_start3A_28 : memref<1x128x32xf32, #tpu.memory_space<vmem>> -> memref<128x32xf32, #tpu.memory_space<vmem>>
    %dma_start3A_30 = arith.constant 0 : i32
    %dma_start3A_31 = tpu.memref_slice %arg13[%dma_start3A_24, %dma_start3A_30] : memref<8x128xi32, #tpu.memory_space<vmem>> -> memref<1x128xi32, #tpu.memory_space<vmem>>
    %dma_start3A_32 = tpu.memref_squeeze %dma_start3A_31 : memref<1x128xi32, #tpu.memory_space<vmem>> -> memref<128xi32, #tpu.memory_space<vmem>>
    %dma_start3A_33 = arith.constant 0 : i32
    %dma_start3A_34 = arith.constant 0 : i32
    %dma_start3A_35 = tpu.memref_slice %arg2[%dma_start3A_33, %dma_start3A_34] : memref<100000x32xf32, #tpu.memory_space<hbm>> -> memref<100000x32xf32, #tpu.memory_space<hbm>>
    tpu.enqueue_indirect_dma source(%dma_start3A_35 : memref<100000x32xf32, #tpu.memory_space<hbm>>) target(%dma_start3A_29 : memref<128x32xf32, #tpu.memory_space<vmem>>) offsets(%dma_start3A_32 : memref<128xi32, #tpu.memory_space<vmem>>) semaphore(%arg24 : memref<!tpu.dma_semaphore, #tpu.memory_space<semaphore_mem>>)
    %dma_start3A_36 = arith.constant 3 : i32
    %dma_start3A_37 = arith.constant 3 : i32
    %dma_start3A_38 = arith.constant 0 : i32
    %dma_start3A_39 = arith.constant 0 : i32
    %dma_start3A_40 = tpu.memref_slice %arg17[%dma_start3A_37, %dma_start3A_38, %dma_start3A_39] : memref<8x128x32xf32, #tpu.memory_space<vmem>> -> memref<1x128x32xf32, #tpu.memory_space<vmem>>
    %dma_start3A_41 = tpu.memref_squeeze %dma_start3A_40 : memref<1x128x32xf32, #tpu.memory_space<vmem>> -> memref<128x32xf32, #tpu.memory_space<vmem>>
    %dma_start3A_42 = arith.constant 0 : i32
    %dma_start3A_43 = tpu.memref_slice %arg13[%dma_start3A_36, %dma_start3A_42] : memref<8x128xi32, #tpu.memory_space<vmem>> -> memref<1x128xi32, #tpu.memory_space<vmem>>
    %dma_start3A_44 = tpu.memref_squeeze %dma_start3A_43 : memref<1x128xi32, #tpu.memory_space<vmem>> -> memref<128xi32, #tpu.memory_space<vmem>>
    %dma_start3A_45 = arith.constant 0 : i32
    %dma_start3A_46 = arith.constant 0 : i32
    %dma_start3A_47 = tpu.memref_slice %arg2[%dma_start3A_45, %dma_start3A_46] : memref<100000x32xf32, #tpu.memory_space<hbm>> -> memref<100000x32xf32, #tpu.memory_space<hbm>>
    tpu.enqueue_indirect_dma source(%dma_start3A_47 : memref<100000x32xf32, #tpu.memory_space<hbm>>) target(%dma_start3A_41 : memref<128x32xf32, #tpu.memory_space<vmem>>) offsets(%dma_start3A_44 : memref<128xi32, #tpu.memory_space<vmem>>) semaphore(%arg24 : memref<!tpu.dma_semaphore, #tpu.memory_space<semaphore_mem>>)
    %dma_start3A_48 = arith.constant 4 : i32
    %dma_start3A_49 = arith.constant 4 : i32
    %dma_start3A_50 = arith.constant 0 : i32
    %dma_start3A_51 = arith.constant 0 : i32
    %dma_start3A_52 = tpu.memref_slice %arg17[%dma_start3A_49, %dma_start3A_50, %dma_start3A_51] : memref<8x128x32xf32, #tpu.memory_space<vmem>> -> memref<1x128x32xf32, #tpu.memory_space<vmem>>
    %dma_start3A_53 = tpu.memref_squeeze %dma_start3A_52 : memref<1x128x32xf32, #tpu.memory_space<vmem>> -> memref<128x32xf32, #tpu.memory_space<vmem>>
    %dma_start3A_54 = arith.constant 0 : i32
    %dma_start3A_55 = tpu.memref_slice %arg13[%dma_start3A_48, %dma_start3A_54] : memref<8x128xi32, #tpu.memory_space<vmem>> -> memref<1x128xi32, #tpu.memory_space<vmem>>
    %dma_start3A_56 = tpu.memref_squeeze %dma_start3A_55 : memref<1x128xi32, #tpu.memory_space<vmem>> -> memref<128xi32, #tpu.memory_space<vmem>>
    %dma_start3A_57 = arith.constant 0 : i32
    %dma_start3A_58 = arith.constant 0 : i32
    %dma_start3A_59 = tpu.memref_slice %arg2[%dma_start3A_57, %dma_start3A_58] : memref<100000x32xf32, #tpu.memory_space<hbm>> -> memref<100000x32xf32, #tpu.memory_space<hbm>>
    tpu.enqueue_indirect_dma source(%dma_start3A_59 : memref<100000x32xf32, #tpu.memory_space<hbm>>) target(%dma_start3A_53 : memref<128x32xf32, #tpu.memory_space<vmem>>) offsets(%dma_start3A_56 : memref<128xi32, #tpu.memory_space<vmem>>) semaphore(%arg24 : memref<!tpu.dma_semaphore, #tpu.memory_space<semaphore_mem>>)
    %dma_start3A_60 = arith.constant 5 : i32
    %dma_start3A_61 = arith.constant 5 : i32
    %dma_start3A_62 = arith.constant 0 : i32
    %dma_start3A_63 = arith.constant 0 : i32
    %dma_start3A_64 = tpu.memref_slice %arg17[%dma_start3A_61, %dma_start3A_62, %dma_start3A_63] : memref<8x128x32xf32, #tpu.memory_space<vmem>> -> memref<1x128x32xf32, #tpu.memory_space<vmem>>
    %dma_start3A_65 = tpu.memref_squeeze %dma_start3A_64 : memref<1x128x32xf32, #tpu.memory_space<vmem>> -> memref<128x32xf32, #tpu.memory_space<vmem>>
    %dma_start3A_66 = arith.constant 0 : i32
    %dma_start3A_67 = tpu.memref_slice %arg13[%dma_start3A_60, %dma_start3A_66] : memref<8x128xi32, #tpu.memory_space<vmem>> -> memref<1x128xi32, #tpu.memory_space<vmem>>
    %dma_start3A_68 = tpu.memref_squeeze %dma_start3A_67 : memref<1x128xi32, #tpu.memory_space<vmem>> -> memref<128xi32, #tpu.memory_space<vmem>>
    %dma_start3A_69 = arith.constant 0 : i32
    %dma_start3A_70 = arith.constant 0 : i32
    %dma_start3A_71 = tpu.memref_slice %arg2[%dma_start3A_69, %dma_start3A_70] : memref<100000x32xf32, #tpu.memory_space<hbm>> -> memref<100000x32xf32, #tpu.memory_space<hbm>>
    tpu.enqueue_indirect_dma source(%dma_start3A_71 : memref<100000x32xf32, #tpu.memory_space<hbm>>) target(%dma_start3A_65 : memref<128x32xf32, #tpu.memory_space<vmem>>) offsets(%dma_start3A_68 : memref<128xi32, #tpu.memory_space<vmem>>) semaphore(%arg24 : memref<!tpu.dma_semaphore, #tpu.memory_space<semaphore_mem>>)
    %dma_start3A_72 = arith.constant 6 : i32
    %dma_start3A_73 = arith.constant 6 : i32
    %dma_start3A_74 = arith.constant 0 : i32
    %dma_start3A_75 = arith.constant 0 : i32
    %dma_start3A_76 = tpu.memref_slice %arg17[%dma_start3A_73, %dma_start3A_74, %dma_start3A_75] : memref<8x128x32xf32, #tpu.memory_space<vmem>> -> memref<1x128x32xf32, #tpu.memory_space<vmem>>
    %dma_start3A_77 = tpu.memref_squeeze %dma_start3A_76 : memref<1x128x32xf32, #tpu.memory_space<vmem>> -> memref<128x32xf32, #tpu.memory_space<vmem>>
    %dma_start3A_78 = arith.constant 0 : i32
    %dma_start3A_79 = tpu.memref_slice %arg13[%dma_start3A_72, %dma_start3A_78] : memref<8x128xi32, #tpu.memory_space<vmem>> -> memref<1x128xi32, #tpu.memory_space<vmem>>
    %dma_start3A_80 = tpu.memref_squeeze %dma_start3A_79 : memref<1x128xi32, #tpu.memory_space<vmem>> -> memref<128xi32, #tpu.memory_space<vmem>>
    %dma_start3A_81 = arith.constant 0 : i32
    %dma_start3A_82 = arith.constant 0 : i32
    %dma_start3A_83 = tpu.memref_slice %arg2[%dma_start3A_81, %dma_start3A_82] : memref<100000x32xf32, #tpu.memory_space<hbm>> -> memref<100000x32xf32, #tpu.memory_space<hbm>>
    tpu.enqueue_indirect_dma source(%dma_start3A_83 : memref<100000x32xf32, #tpu.memory_space<hbm>>) target(%dma_start3A_77 : memref<128x32xf32, #tpu.memory_space<vmem>>) offsets(%dma_start3A_80 : memref<128xi32, #tpu.memory_space<vmem>>) semaphore(%arg24 : memref<!tpu.dma_semaphore, #tpu.memory_space<semaphore_mem>>)
    %dma_start3A_84 = arith.constant 7 : i32
    %dma_start3A_85 = arith.constant 7 : i32
    %dma_start3A_86 = arith.constant 0 : i32
    %dma_start3A_87 = arith.constant 0 : i32
    %dma_start3A_88 = tpu.memref_slice %arg17[%dma_start3A_85, %dma_start3A_86, %dma_start3A_87] : memref<8x128x32xf32, #tpu.memory_space<vmem>> -> memref<1x128x32xf32, #tpu.memory_space<vmem>>
    %dma_start3A_89 = tpu.memref_squeeze %dma_start3A_88 : memref<1x128x32xf32, #tpu.memory_space<vmem>> -> memref<128x32xf32, #tpu.memory_space<vmem>>
    %dma_start3A_90 = arith.constant 0 : i32
    %dma_start3A_91 = tpu.memref_slice %arg13[%dma_start3A_84, %dma_start3A_90] : memref<8x128xi32, #tpu.memory_space<vmem>> -> memref<1x128xi32, #tpu.memory_space<vmem>>
    %dma_start3A_92 = tpu.memref_squeeze %dma_start3A_91 : memref<1x128xi32, #tpu.memory_space<vmem>> -> memref<128xi32, #tpu.memory_space<vmem>>
    %dma_start3A_93 = arith.constant 0 : i32
    %dma_start3A_94 = arith.constant 0 : i32
    %dma_start3A_95 = tpu.memref_slice %arg2[%dma_start3A_93, %dma_start3A_94] : memref<100000x32xf32, #tpu.memory_space<hbm>> -> memref<100000x32xf32, #tpu.memory_space<hbm>>
    tpu.enqueue_indirect_dma source(%dma_start3A_95 : memref<100000x32xf32, #tpu.memory_space<hbm>>) target(%dma_start3A_89 : memref<128x32xf32, #tpu.memory_space<vmem>>) offsets(%dma_start3A_92 : memref<128xi32, #tpu.memory_space<vmem>>) semaphore(%arg24 : memref<!tpu.dma_semaphore, #tpu.memory_space<semaphore_mem>>)
    %dma_start3A_96 = arith.constant 0 : i32
    %dma_start3A_97 = arith.constant 0 : i32
    %dma_start3A_98 = tpu.memref_slice %arg2[%dma_start3A_96, %dma_start3A_97] : memref<100000x32xf32, #tpu.memory_space<hbm>> -> memref<100000x32xf32, #tpu.memory_space<hbm>>
    tpu.enqueue_indirect_dma source(%dma_start3A_98 : memref<100000x32xf32, #tpu.memory_space<hbm>>) target(%arg18 : memref<128x32xf32, #tpu.memory_space<vmem>>) offsets(%arg14 : memref<128xi32, #tpu.memory_space<vmem>>) semaphore(%arg24 : memref<!tpu.dma_semaphore, #tpu.memory_space<semaphore_mem>>)
    %dma_start3A_99 = arith.constant 0 : i32
    %dma_start3A_100 = arith.constant 0 : i32
    %dma_start3A_101 = tpu.memref_slice %arg3[%dma_start3A_99, %dma_start3A_100] : memref<1000x32xf32, #tpu.memory_space<hbm>> -> memref<1000x32xf32, #tpu.memory_space<hbm>>
    tpu.enqueue_indirect_dma source(%dma_start3A_101 : memref<1000x32xf32, #tpu.memory_space<hbm>>) target(%arg19 : memref<128x32xf32, #tpu.memory_space<vmem>>) offsets(%arg15 : memref<128xi32, #tpu.memory_space<vmem>>) semaphore(%arg24 : memref<!tpu.dma_semaphore, #tpu.memory_space<semaphore_mem>>)
    %dma_start3A_102 = arith.constant 0 : i32
    %dma_start3A_103 = arith.constant 0 : i32
    %dma_start3A_104 = arith.constant 0 : i32
    %dma_start3A_105 = arith.constant 0 : i32
    %dma_start3A_106 = tpu.memref_slice %arg16[%dma_start3A_103, %dma_start3A_104, %dma_start3A_105] : memref<8x128x32xf32, #tpu.memory_space<vmem>> -> memref<1x128x32xf32, #tpu.memory_space<vmem>>
    %dma_start3A_107 = tpu.memref_squeeze %dma_start3A_106 : memref<1x128x32xf32, #tpu.memory_space<vmem>> -> memref<128x32xf32, #tpu.memory_space<vmem>>
    %dma_start3A_108 = arith.constant 0 : i32
    %dma_start3A_109 = tpu.memref_slice %arg12[%dma_start3A_102, %dma_start3A_108] : memref<64x128xi32, #tpu.memory_space<vmem>> -> memref<1x128xi32, #tpu.memory_space<vmem>>
    %dma_start3A_110 = tpu.memref_squeeze %dma_start3A_109 : memref<1x128xi32, #tpu.memory_space<vmem>> -> memref<128xi32, #tpu.memory_space<vmem>>
    %dma_start3A_111 = arith.constant 0 : i32
    %dma_start3A_112 = arith.constant 0 : i32
    %dma_start3A_113 = tpu.memref_slice %arg2[%dma_start3A_111, %dma_start3A_112] : memref<100000x32xf32, #tpu.memory_space<hbm>> -> memref<100000x32xf32, #tpu.memory_space<hbm>>
    tpu.enqueue_indirect_dma source(%dma_start3A_113 : memref<100000x32xf32, #tpu.memory_space<hbm>>) target(%dma_start3A_107 : memref<128x32xf32, #tpu.memory_space<vmem>>) offsets(%dma_start3A_110 : memref<128xi32, #tpu.memory_space<vmem>>) semaphore(%arg20 : memref<!tpu.dma_semaphore, #tpu.memory_space<semaphore_mem>>)
    %dma_start3A_114 = arith.constant 1 : i32
    %dma_start3A_115 = arith.constant 1 : i32
    %dma_start3A_116 = arith.constant 0 : i32
    %dma_start3A_117 = arith.constant 0 : i32
    %dma_start3A_118 = tpu.memref_slice %arg16[%dma_start3A_115, %dma_start3A_116, %dma_start3A_117] : memref<8x128x32xf32, #tpu.memory_space<vmem>> -> memref<1x128x32xf32, #tpu.memory_space<vmem>>
    %dma_start3A_119 = tpu.memref_squeeze %dma_start3A_118 : memref<1x128x32xf32, #tpu.memory_space<vmem>> -> memref<128x32xf32, #tpu.memory_space<vmem>>
    %dma_start3A_120 = arith.constant 0 : i32
    %dma_start3A_121 = tpu.memref_slice %arg12[%dma_start3A_114, %dma_start3A_120] : memref<64x128xi32, #tpu.memory_space<vmem>> -> memref<1x128xi32, #tpu.memory_space<vmem>>
    %dma_start3A_122 = tpu.memref_squeeze %dma_start3A_121 : memref<1x128xi32, #tpu.memory_space<vmem>> -> memref<128xi32, #tpu.memory_space<vmem>>
    %dma_start3A_123 = arith.constant 0 : i32
    %dma_start3A_124 = arith.constant 0 : i32
    %dma_start3A_125 = tpu.memref_slice %arg2[%dma_start3A_123, %dma_start3A_124] : memref<100000x32xf32, #tpu.memory_space<hbm>> -> memref<100000x32xf32, #tpu.memory_space<hbm>>
    tpu.enqueue_indirect_dma source(%dma_start3A_125 : memref<100000x32xf32, #tpu.memory_space<hbm>>) target(%dma_start3A_119 : memref<128x32xf32, #tpu.memory_space<vmem>>) offsets(%dma_start3A_122 : memref<128xi32, #tpu.memory_space<vmem>>) semaphore(%arg20 : memref<!tpu.dma_semaphore, #tpu.memory_space<semaphore_mem>>)
    %dma_start3A_126 = arith.constant 2 : i32
    %dma_start3A_127 = arith.constant 2 : i32
    %dma_start3A_128 = arith.constant 0 : i32
    %dma_start3A_129 = arith.constant 0 : i32
    %dma_start3A_130 = tpu.memref_slice %arg16[%dma_start3A_127, %dma_start3A_128, %dma_start3A_129] : memref<8x128x32xf32, #tpu.memory_space<vmem>> -> memref<1x128x32xf32, #tpu.memory_space<vmem>>
    %dma_start3A_131 = tpu.memref_squeeze %dma_start3A_130 : memref<1x128x32xf32, #tpu.memory_space<vmem>> -> memref<128x32xf32, #tpu.memory_space<vmem>>
    %dma_start3A_132 = arith.constant 0 : i32
    %dma_start3A_133 = tpu.memref_slice %arg12[%dma_start3A_126, %dma_start3A_132] : memref<64x128xi32, #tpu.memory_space<vmem>> -> memref<1x128xi32, #tpu.memory_space<vmem>>
    %dma_start3A_134 = tpu.memref_squeeze %dma_start3A_133 : memref<1x128xi32, #tpu.memory_space<vmem>> -> memref<128xi32, #tpu.memory_space<vmem>>
    %dma_start3A_135 = arith.constant 0 : i32
    %dma_start3A_136 = arith.constant 0 : i32
    %dma_start3A_137 = tpu.memref_slice %arg2[%dma_start3A_135, %dma_start3A_136] : memref<100000x32xf32, #tpu.memory_space<hbm>> -> memref<100000x32xf32, #tpu.memory_space<hbm>>
    tpu.enqueue_indirect_dma source(%dma_start3A_137 : memref<100000x32xf32, #tpu.memory_space<hbm>>) target(%dma_start3A_131 : memref<128x32xf32, #tpu.memory_space<vmem>>) offsets(%dma_start3A_134 : memref<128xi32, #tpu.memory_space<vmem>>) semaphore(%arg20 : memref<!tpu.dma_semaphore, #tpu.memory_space<semaphore_mem>>)
    %dma_start3A_138 = arith.constant 3 : i32
    %dma_start3A_139 = arith.constant 3 : i32
    %dma_start3A_140 = arith.constant 0 : i32
    %dma_start3A_141 = arith.constant 0 : i32
    %dma_start3A_142 = tpu.memref_slice %arg16[%dma_start3A_139, %dma_start3A_140, %dma_start3A_141] : memref<8x128x32xf32, #tpu.memory_space<vmem>> -> memref<1x128x32xf32, #tpu.memory_space<vmem>>
    %dma_start3A_143 = tpu.memref_squeeze %dma_start3A_142 : memref<1x128x32xf32, #tpu.memory_space<vmem>> -> memref<128x32xf32, #tpu.memory_space<vmem>>
    %dma_start3A_144 = arith.constant 0 : i32
    %dma_start3A_145 = tpu.memref_slice %arg12[%dma_start3A_138, %dma_start3A_144] : memref<64x128xi32, #tpu.memory_space<vmem>> -> memref<1x128xi32, #tpu.memory_space<vmem>>
    %dma_start3A_146 = tpu.memref_squeeze %dma_start3A_145 : memref<1x128xi32, #tpu.memory_space<vmem>> -> memref<128xi32, #tpu.memory_space<vmem>>
    %dma_start3A_147 = arith.constant 0 : i32
    %dma_start3A_148 = arith.constant 0 : i32
    %dma_start3A_149 = tpu.memref_slice %arg2[%dma_start3A_147, %dma_start3A_148] : memref<100000x32xf32, #tpu.memory_space<hbm>> -> memref<100000x32xf32, #tpu.memory_space<hbm>>
    tpu.enqueue_indirect_dma source(%dma_start3A_149 : memref<100000x32xf32, #tpu.memory_space<hbm>>) target(%dma_start3A_143 : memref<128x32xf32, #tpu.memory_space<vmem>>) offsets(%dma_start3A_146 : memref<128xi32, #tpu.memory_space<vmem>>) semaphore(%arg20 : memref<!tpu.dma_semaphore, #tpu.memory_space<semaphore_mem>>)
    %dma_start3A_150 = arith.constant 4 : i32
    %dma_start3A_151 = arith.constant 4 : i32
    %dma_start3A_152 = arith.constant 0 : i32
    %dma_start3A_153 = arith.constant 0 : i32
    %dma_start3A_154 = tpu.memref_slice %arg16[%dma_start3A_151, %dma_start3A_152, %dma_start3A_153] : memref<8x128x32xf32, #tpu.memory_space<vmem>> -> memref<1x128x32xf32, #tpu.memory_space<vmem>>
    %dma_start3A_155 = tpu.memref_squeeze %dma_start3A_154 : memref<1x128x32xf32, #tpu.memory_space<vmem>> -> memref<128x32xf32, #tpu.memory_space<vmem>>
    %dma_start3A_156 = arith.constant 0 : i32
    %dma_start3A_157 = tpu.memref_slice %arg12[%dma_start3A_150, %dma_start3A_156] : memref<64x128xi32, #tpu.memory_space<vmem>> -> memref<1x128xi32, #tpu.memory_space<vmem>>
    %dma_start3A_158 = tpu.memref_squeeze %dma_start3A_157 : memref<1x128xi32, #tpu.memory_space<vmem>> -> memref<128xi32, #tpu.memory_space<vmem>>
    %dma_start3A_159 = arith.constant 0 : i32
    %dma_start3A_160 = arith.constant 0 : i32
    %dma_start3A_161 = tpu.memref_slice %arg2[%dma_start3A_159, %dma_start3A_160] : memref<100000x32xf32, #tpu.memory_space<hbm>> -> memref<100000x32xf32, #tpu.memory_space<hbm>>
    tpu.enqueue_indirect_dma source(%dma_start3A_161 : memref<100000x32xf32, #tpu.memory_space<hbm>>) target(%dma_start3A_155 : memref<128x32xf32, #tpu.memory_space<vmem>>) offsets(%dma_start3A_158 : memref<128xi32, #tpu.memory_space<vmem>>) semaphore(%arg21 : memref<!tpu.dma_semaphore, #tpu.memory_space<semaphore_mem>>)
    %dma_start3A_162 = arith.constant 5 : i32
    %dma_start3A_163 = arith.constant 5 : i32
    %dma_start3A_164 = arith.constant 0 : i32
    %dma_start3A_165 = arith.constant 0 : i32
    %dma_start3A_166 = tpu.memref_slice %arg16[%dma_start3A_163, %dma_start3A_164, %dma_start3A_165] : memref<8x128x32xf32, #tpu.memory_space<vmem>> -> memref<1x128x32xf32, #tpu.memory_space<vmem>>
    %dma_start3A_167 = tpu.memref_squeeze %dma_start3A_166 : memref<1x128x32xf32, #tpu.memory_space<vmem>> -> memref<128x32xf32, #tpu.memory_space<vmem>>
    %dma_start3A_168 = arith.constant 0 : i32
    %dma_start3A_169 = tpu.memref_slice %arg12[%dma_start3A_162, %dma_start3A_168] : memref<64x128xi32, #tpu.memory_space<vmem>> -> memref<1x128xi32, #tpu.memory_space<vmem>>
    %dma_start3A_170 = tpu.memref_squeeze %dma_start3A_169 : memref<1x128xi32, #tpu.memory_space<vmem>> -> memref<128xi32, #tpu.memory_space<vmem>>
    %dma_start3A_171 = arith.constant 0 : i32
    %dma_start3A_172 = arith.constant 0 : i32
    %dma_start3A_173 = tpu.memref_slice %arg2[%dma_start3A_171, %dma_start3A_172] : memref<100000x32xf32, #tpu.memory_space<hbm>> -> memref<100000x32xf32, #tpu.memory_space<hbm>>
    tpu.enqueue_indirect_dma source(%dma_start3A_173 : memref<100000x32xf32, #tpu.memory_space<hbm>>) target(%dma_start3A_167 : memref<128x32xf32, #tpu.memory_space<vmem>>) offsets(%dma_start3A_170 : memref<128xi32, #tpu.memory_space<vmem>>) semaphore(%arg21 : memref<!tpu.dma_semaphore, #tpu.memory_space<semaphore_mem>>)
    %dma_start3A_174 = arith.constant 6 : i32
    %dma_start3A_175 = arith.constant 6 : i32
    %dma_start3A_176 = arith.constant 0 : i32
    %dma_start3A_177 = arith.constant 0 : i32
    %dma_start3A_178 = tpu.memref_slice %arg16[%dma_start3A_175, %dma_start3A_176, %dma_start3A_177] : memref<8x128x32xf32, #tpu.memory_space<vmem>> -> memref<1x128x32xf32, #tpu.memory_space<vmem>>
    %dma_start3A_179 = tpu.memref_squeeze %dma_start3A_178 : memref<1x128x32xf32, #tpu.memory_space<vmem>> -> memref<128x32xf32, #tpu.memory_space<vmem>>
    %dma_start3A_180 = arith.constant 0 : i32
    %dma_start3A_181 = tpu.memref_slice %arg12[%dma_start3A_174, %dma_start3A_180] : memref<64x128xi32, #tpu.memory_space<vmem>> -> memref<1x128xi32, #tpu.memory_space<vmem>>
    %dma_start3A_182 = tpu.memref_squeeze %dma_start3A_181 : memref<1x128xi32, #tpu.memory_space<vmem>> -> memref<128xi32, #tpu.memory_space<vmem>>
    %dma_start3A_183 = arith.constant 0 : i32
    %dma_start3A_184 = arith.constant 0 : i32
    %dma_start3A_185 = tpu.memref_slice %arg2[%dma_start3A_183, %dma_start3A_184] : memref<100000x32xf32, #tpu.memory_space<hbm>> -> memref<100000x32xf32, #tpu.memory_space<hbm>>
    tpu.enqueue_indirect_dma source(%dma_start3A_185 : memref<100000x32xf32, #tpu.memory_space<hbm>>) target(%dma_start3A_179 : memref<128x32xf32, #tpu.memory_space<vmem>>) offsets(%dma_start3A_182 : memref<128xi32, #tpu.memory_space<vmem>>) semaphore(%arg21 : memref<!tpu.dma_semaphore, #tpu.memory_space<semaphore_mem>>)
    %dma_start3A_186 = arith.constant 7 : i32
    %dma_start3A_187 = arith.constant 7 : i32
    %dma_start3A_188 = arith.constant 0 : i32
    %dma_start3A_189 = arith.constant 0 : i32
    %dma_start3A_190 = tpu.memref_slice %arg16[%dma_start3A_187, %dma_start3A_188, %dma_start3A_189] : memref<8x128x32xf32, #tpu.memory_space<vmem>> -> memref<1x128x32xf32, #tpu.memory_space<vmem>>
    %dma_start3A_191 = tpu.memref_squeeze %dma_start3A_190 : memref<1x128x32xf32, #tpu.memory_space<vmem>> -> memref<128x32xf32, #tpu.memory_space<vmem>>
    %dma_start3A_192 = arith.constant 0 : i32
    %dma_start3A_193 = tpu.memref_slice %arg12[%dma_start3A_186, %dma_start3A_192] : memref<64x128xi32, #tpu.memory_space<vmem>> -> memref<1x128xi32, #tpu.memory_space<vmem>>
    %dma_start3A_194 = tpu.memref_squeeze %dma_start3A_193 : memref<1x128xi32, #tpu.memory_space<vmem>> -> memref<128xi32, #tpu.memory_space<vmem>>
    %dma_start3A_195 = arith.constant 0 : i32
    %dma_start3A_196 = arith.constant 0 : i32
    %dma_start3A_197 = tpu.memref_slice %arg2[%dma_start3A_195, %dma_start3A_196] : memref<100000x32xf32, #tpu.memory_space<hbm>> -> memref<100000x32xf32, #tpu.memory_space<hbm>>
    tpu.enqueue_indirect_dma source(%dma_start3A_197 : memref<100000x32xf32, #tpu.memory_space<hbm>>) target(%dma_start3A_191 : memref<128x32xf32, #tpu.memory_space<vmem>>) offsets(%dma_start3A_194 : memref<128xi32, #tpu.memory_space<vmem>>) semaphore(%arg21 : memref<!tpu.dma_semaphore, #tpu.memory_space<semaphore_mem>>)
    %scan3A = arith.constant 0 : i32
    %scan3A_198 = arith.constant 0 : i32
    %scan3A_199 = arith.constant 7 : i32
    %scan3A_200 = arith.addi %scan3A_198, %scan3A_199 : i32
    %scan3A_201 = arith.constant 1 : i32
    scf.for %scan3A_1136 = %scan3A_198 to %scan3A_200 step %scan3A_201  : i32 {
      %mul3A_1137 = arith.constant 8 : i32
      %mul3A_1138 = arith.muli %mul3A_1137, %scan3A_1136 : i32
      %add3A_1139 = arith.constant 0 : i32
      %add3A_1140 = arith.addi %mul3A_1138, %add3A_1139 : i32
      %dma_wait3A_1141 = arith.constant 0 : i32
      %dma_wait3A_1142 = arith.constant 0 : i32
      %dma_wait3A_1143 = arith.constant 0 : i32
      %dma_wait3A_1144 = tpu.memref_slice %arg16[%dma_wait3A_1141, %dma_wait3A_1142, %dma_wait3A_1143] : memref<8x128x32xf32, #tpu.memory_space<vmem>> -> memref<1x128x32xf32, #tpu.memory_space<vmem>>
      %dma_wait3A_1145 = tpu.memref_squeeze %dma_wait3A_1144 : memref<1x128x32xf32, #tpu.memory_space<vmem>> -> memref<128x32xf32, #tpu.memory_space<vmem>>
      %dma_wait3A_1146 = arith.constant 0 : i32
      %dma_wait3A_1147 = tpu.memref_slice %arg12[%add3A_1140, %dma_wait3A_1146] : memref<64x128xi32, #tpu.memory_space<vmem>> -> memref<1x128xi32, #tpu.memory_space<vmem>>
      %dma_wait3A_1148 = tpu.memref_squeeze %dma_wait3A_1147 : memref<1x128xi32, #tpu.memory_space<vmem>> -> memref<128xi32, #tpu.memory_space<vmem>>
      %dma_wait3A_1149 = arith.constant 0 : i32
      %dma_wait3A_1150 = arith.constant 0 : i32
      %dma_wait3A_1151 = tpu.memref_slice %arg2[%dma_wait3A_1149, %dma_wait3A_1150] : memref<100000x32xf32, #tpu.memory_space<hbm>> -> memref<100000x32xf32, #tpu.memory_space<hbm>>
      tpu.wait_indirect_dma semaphore(%arg20 : memref<!tpu.dma_semaphore, #tpu.memory_space<semaphore_mem>>) src(%dma_wait3A_1151 : memref<100000x32xf32, #tpu.memory_space<hbm>>) dst(%dma_wait3A_1145 : memref<128x32xf32, #tpu.memory_space<vmem>>)
      %add3A_1152 = arith.constant 1 : i32
      %add3A_1153 = arith.addi %mul3A_1138, %add3A_1152 : i32
      %dma_wait3A_1154 = arith.constant 1 : i32
      %dma_wait3A_1155 = arith.constant 0 : i32
      %dma_wait3A_1156 = arith.constant 0 : i32
      %dma_wait3A_1157 = tpu.memref_slice %arg16[%dma_wait3A_1154, %dma_wait3A_1155, %dma_wait3A_1156] : memref<8x128x32xf32, #tpu.memory_space<vmem>> -> memref<1x128x32xf32, #tpu.memory_space<vmem>>
      %dma_wait3A_1158 = tpu.memref_squeeze %dma_wait3A_1157 : memref<1x128x32xf32, #tpu.memory_space<vmem>> -> memref<128x32xf32, #tpu.memory_space<vmem>>
      %dma_wait3A_1159 = arith.constant 0 : i32
      %dma_wait3A_1160 = tpu.memref_slice %arg12[%add3A_1153, %dma_wait3A_1159] : memref<64x128xi32, #tpu.memory_space<vmem>> -> memref<1x128xi32, #tpu.memory_space<vmem>>
      %dma_wait3A_1161 = tpu.memref_squeeze %dma_wait3A_1160 : memref<1x128xi32, #tpu.memory_space<vmem>> -> memref<128xi32, #tpu.memory_space<vmem>>
      %dma_wait3A_1162 = arith.constant 0 : i32
      %dma_wait3A_1163 = arith.constant 0 : i32
      %dma_wait3A_1164 = tpu.memref_slice %arg2[%dma_wait3A_1162, %dma_wait3A_1163] : memref<100000x32xf32, #tpu.memory_space<hbm>> -> memref<100000x32xf32, #tpu.memory_space<hbm>>
      tpu.wait_indirect_dma semaphore(%arg20 : memref<!tpu.dma_semaphore, #tpu.memory_space<semaphore_mem>>) src(%dma_wait3A_1164 : memref<100000x32xf32, #tpu.memory_space<hbm>>) dst(%dma_wait3A_1158 : memref<128x32xf32, #tpu.memory_space<vmem>>)
      %add3A_1165 = arith.constant 2 : i32
      %add3A_1166 = arith.addi %mul3A_1138, %add3A_1165 : i32
      %dma_wait3A_1167 = arith.constant 2 : i32
      %dma_wait3A_1168 = arith.constant 0 : i32
      %dma_wait3A_1169 = arith.constant 0 : i32
      %dma_wait3A_1170 = tpu.memref_slice %arg16[%dma_wait3A_1167, %dma_wait3A_1168, %dma_wait3A_1169] : memref<8x128x32xf32, #tpu.memory_space<vmem>> -> memref<1x128x32xf32, #tpu.memory_space<vmem>>
      %dma_wait3A_1171 = tpu.memref_squeeze %dma_wait3A_1170 : memref<1x128x32xf32, #tpu.memory_space<vmem>> -> memref<128x32xf32, #tpu.memory_space<vmem>>
      %dma_wait3A_1172 = arith.constant 0 : i32
      %dma_wait3A_1173 = tpu.memref_slice %arg12[%add3A_1166, %dma_wait3A_1172] : memref<64x128xi32, #tpu.memory_space<vmem>> -> memref<1x128xi32, #tpu.memory_space<vmem>>
      %dma_wait3A_1174 = tpu.memref_squeeze %dma_wait3A_1173 : memref<1x128xi32, #tpu.memory_space<vmem>> -> memref<128xi32, #tpu.memory_space<vmem>>
      %dma_wait3A_1175 = arith.constant 0 : i32
      %dma_wait3A_1176 = arith.constant 0 : i32
      %dma_wait3A_1177 = tpu.memref_slice %arg2[%dma_wait3A_1175, %dma_wait3A_1176] : memref<100000x32xf32, #tpu.memory_space<hbm>> -> memref<100000x32xf32, #tpu.memory_space<hbm>>
      tpu.wait_indirect_dma semaphore(%arg20 : memref<!tpu.dma_semaphore, #tpu.memory_space<semaphore_mem>>) src(%dma_wait3A_1177 : memref<100000x32xf32, #tpu.memory_space<hbm>>) dst(%dma_wait3A_1171 : memref<128x32xf32, #tpu.memory_space<vmem>>)
      %add3A_1178 = arith.constant 3 : i32
      %add3A_1179 = arith.addi %mul3A_1138, %add3A_1178 : i32
      %dma_wait3A_1180 = arith.constant 3 : i32
      %dma_wait3A_1181 = arith.constant 0 : i32
      %dma_wait3A_1182 = arith.constant 0 : i32
      %dma_wait3A_1183 = tpu.memref_slice %arg16[%dma_wait3A_1180, %dma_wait3A_1181, %dma_wait3A_1182] : memref<8x128x32xf32, #tpu.memory_space<vmem>> -> memref<1x128x32xf32, #tpu.memory_space<vmem>>
      %dma_wait3A_1184 = tpu.memref_squeeze %dma_wait3A_1183 : memref<1x128x32xf32, #tpu.memory_space<vmem>> -> memref<128x32xf32, #tpu.memory_space<vmem>>
      %dma_wait3A_1185 = arith.constant 0 : i32
      %dma_wait3A_1186 = tpu.memref_slice %arg12[%add3A_1179, %dma_wait3A_1185] : memref<64x128xi32, #tpu.memory_space<vmem>> -> memref<1x128xi32, #tpu.memory_space<vmem>>
      %dma_wait3A_1187 = tpu.memref_squeeze %dma_wait3A_1186 : memref<1x128xi32, #tpu.memory_space<vmem>> -> memref<128xi32, #tpu.memory_space<vmem>>
      %dma_wait3A_1188 = arith.constant 0 : i32
      %dma_wait3A_1189 = arith.constant 0 : i32
      %dma_wait3A_1190 = tpu.memref_slice %arg2[%dma_wait3A_1188, %dma_wait3A_1189] : memref<100000x32xf32, #tpu.memory_space<hbm>> -> memref<100000x32xf32, #tpu.memory_space<hbm>>
      tpu.wait_indirect_dma semaphore(%arg20 : memref<!tpu.dma_semaphore, #tpu.memory_space<semaphore_mem>>) src(%dma_wait3A_1190 : memref<100000x32xf32, #tpu.memory_space<hbm>>) dst(%dma_wait3A_1184 : memref<128x32xf32, #tpu.memory_space<vmem>>)
      %add3A_1191 = arith.constant 0 : i32
      %add3A_1192 = arith.addi %mul3A_1138, %add3A_1191 : i32
      %mul3A_1193 = arith.constant 8 : i32
      %mul3A_1194 = arith.muli %add3A, %mul3A_1193 : i32
      %mul3A_1195 = arith.constant 8 : i32
      %mul3A_1196 = arith.muli %mul3A_1194, %mul3A_1195 : i32
      %add3A_1197 = arith.addi %mul3A_1196, %add3A_1192 : i32
      %dma_start3A_1198 = arith.constant 0 : i32
      %dma_start3A_1199 = arith.constant 0 : i32
      %dma_start3A_1200 = arith.constant 0 : i32
      %dma_start3A_1201 = tpu.memref_slice %arg16[%dma_start3A_1198, %dma_start3A_1199, %dma_start3A_1200] : memref<8x128x32xf32, #tpu.memory_space<vmem>> -> memref<1x128x32xf32, #tpu.memory_space<vmem>>
      %dma_start3A_1202 = tpu.memref_squeeze %dma_start3A_1201 : memref<1x128x32xf32, #tpu.memory_space<vmem>> -> memref<128x32xf32, #tpu.memory_space<vmem>>
      %dma_start3A_1203 = arith.constant 0 : i32
      %dma_start3A_1204 = arith.constant 0 : i32
      %dma_start3A_1205 = tpu.memref_slice %arg8[%add3A_1197, %dma_start3A_1203, %dma_start3A_1204] : memref<2048x128x32xf32, #tpu.memory_space<hbm>> -> memref<1x128x32xf32, #tpu.memory_space<hbm>>
      %dma_start3A_1206 = tpu.memref_squeeze %dma_start3A_1205 : memref<1x128x32xf32, #tpu.memory_space<hbm>> -> memref<128x32xf32, #tpu.memory_space<hbm>>
      %dma_start3A_1207 = arith.constant 0 : i32
      %dma_start3A_1208 = arith.constant 0 : i32
      %dma_start3A_1209 = tpu.memref_slice %arg8[%add3A_1197, %dma_start3A_1207, %dma_start3A_1208] : memref<2048x128x32xf32, #tpu.memory_space<hbm>> -> memref<1x128x32xf32, #tpu.memory_space<hbm>>
      %dma_start3A_1210 = tpu.memref_squeeze %dma_start3A_1209 : memref<1x128x32xf32, #tpu.memory_space<hbm>> -> memref<128x32xf32, #tpu.memory_space<hbm>>
      %dma_start3A_1211 = arith.constant 0 : i32
      %dma_start3A_1212 = arith.constant 0 : i32
      %dma_start3A_1213 = tpu.memref_slice %arg16[%dma_start3A_1198, %dma_start3A_1211, %dma_start3A_1212] : memref<8x128x32xf32, #tpu.memory_space<vmem>> -> memref<1x128x32xf32, #tpu.memory_space<vmem>>
      %dma_start3A_1214 = tpu.memref_squeeze %dma_start3A_1213 : memref<1x128x32xf32, #tpu.memory_space<vmem>> -> memref<128x32xf32, #tpu.memory_space<vmem>>
      tpu.enqueue_dma source(%dma_start3A_1214 : memref<128x32xf32, #tpu.memory_space<vmem>>) target(%dma_start3A_1210 : memref<128x32xf32, #tpu.memory_space<hbm>>) target_semaphore(%arg22 : memref<!tpu.dma_semaphore, #tpu.memory_space<semaphore_mem>>)
      %add3A_1215 = arith.constant 1 : i32
      %add3A_1216 = arith.addi %mul3A_1138, %add3A_1215 : i32
      %mul3A_1217 = arith.constant 8 : i32
      %mul3A_1218 = arith.muli %add3A, %mul3A_1217 : i32
      %mul3A_1219 = arith.constant 8 : i32
      %mul3A_1220 = arith.muli %mul3A_1218, %mul3A_1219 : i32
      %add3A_1221 = arith.addi %mul3A_1220, %add3A_1216 : i32
      %dma_start3A_1222 = arith.constant 1 : i32
      %dma_start3A_1223 = arith.constant 0 : i32
      %dma_start3A_1224 = arith.constant 0 : i32
      %dma_start3A_1225 = tpu.memref_slice %arg16[%dma_start3A_1222, %dma_start3A_1223, %dma_start3A_1224] : memref<8x128x32xf32, #tpu.memory_space<vmem>> -> memref<1x128x32xf32, #tpu.memory_space<vmem>>
      %dma_start3A_1226 = tpu.memref_squeeze %dma_start3A_1225 : memref<1x128x32xf32, #tpu.memory_space<vmem>> -> memref<128x32xf32, #tpu.memory_space<vmem>>
      %dma_start3A_1227 = arith.constant 0 : i32
      %dma_start3A_1228 = arith.constant 0 : i32
      %dma_start3A_1229 = tpu.memref_slice %arg8[%add3A_1221, %dma_start3A_1227, %dma_start3A_1228] : memref<2048x128x32xf32, #tpu.memory_space<hbm>> -> memref<1x128x32xf32, #tpu.memory_space<hbm>>
      %dma_start3A_1230 = tpu.memref_squeeze %dma_start3A_1229 : memref<1x128x32xf32, #tpu.memory_space<hbm>> -> memref<128x32xf32, #tpu.memory_space<hbm>>
      %dma_start3A_1231 = arith.constant 0 : i32
      %dma_start3A_1232 = arith.constant 0 : i32
      %dma_start3A_1233 = tpu.memref_slice %arg8[%add3A_1221, %dma_start3A_1231, %dma_start3A_1232] : memref<2048x128x32xf32, #tpu.memory_space<hbm>> -> memref<1x128x32xf32, #tpu.memory_space<hbm>>
      %dma_start3A_1234 = tpu.memref_squeeze %dma_start3A_1233 : memref<1x128x32xf32, #tpu.memory_space<hbm>> -> memref<128x32xf32, #tpu.memory_space<hbm>>
      %dma_start3A_1235 = arith.constant 0 : i32
      %dma_start3A_1236 = arith.constant 0 : i32
      %dma_start3A_1237 = tpu.memref_slice %arg16[%dma_start3A_1222, %dma_start3A_1235, %dma_start3A_1236] : memref<8x128x32xf32, #tpu.memory_space<vmem>> -> memref<1x128x32xf32, #tpu.memory_space<vmem>>
      %dma_start3A_1238 = tpu.memref_squeeze %dma_start3A_1237 : memref<1x128x32xf32, #tpu.memory_space<vmem>> -> memref<128x32xf32, #tpu.memory_space<vmem>>
      tpu.enqueue_dma source(%dma_start3A_1238 : memref<128x32xf32, #tpu.memory_space<vmem>>) target(%dma_start3A_1234 : memref<128x32xf32, #tpu.memory_space<hbm>>) target_semaphore(%arg22 : memref<!tpu.dma_semaphore, #tpu.memory_space<semaphore_mem>>)
      %add3A_1239 = arith.constant 2 : i32
      %add3A_1240 = arith.addi %mul3A_1138, %add3A_1239 : i32
      %mul3A_1241 = arith.constant 8 : i32
      %mul3A_1242 = arith.muli %add3A, %mul3A_1241 : i32
      %mul3A_1243 = arith.constant 8 : i32
      %mul3A_1244 = arith.muli %mul3A_1242, %mul3A_1243 : i32
      %add3A_1245 = arith.addi %mul3A_1244, %add3A_1240 : i32
      %dma_start3A_1246 = arith.constant 2 : i32
      %dma_start3A_1247 = arith.constant 0 : i32
      %dma_start3A_1248 = arith.constant 0 : i32
      %dma_start3A_1249 = tpu.memref_slice %arg16[%dma_start3A_1246, %dma_start3A_1247, %dma_start3A_1248] : memref<8x128x32xf32, #tpu.memory_space<vmem>> -> memref<1x128x32xf32, #tpu.memory_space<vmem>>
      %dma_start3A_1250 = tpu.memref_squeeze %dma_start3A_1249 : memref<1x128x32xf32, #tpu.memory_space<vmem>> -> memref<128x32xf32, #tpu.memory_space<vmem>>
      %dma_start3A_1251 = arith.constant 0 : i32
      %dma_start3A_1252 = arith.constant 0 : i32
      %dma_start3A_1253 = tpu.memref_slice %arg8[%add3A_1245, %dma_start3A_1251, %dma_start3A_1252] : memref<2048x128x32xf32, #tpu.memory_space<hbm>> -> memref<1x128x32xf32, #tpu.memory_space<hbm>>
      %dma_start3A_1254 = tpu.memref_squeeze %dma_start3A_1253 : memref<1x128x32xf32, #tpu.memory_space<hbm>> -> memref<128x32xf32, #tpu.memory_space<hbm>>
      %dma_start3A_1255 = arith.constant 0 : i32
      %dma_start3A_1256 = arith.constant 0 : i32
      %dma_start3A_1257 = tpu.memref_slice %arg8[%add3A_1245, %dma_start3A_1255, %dma_start3A_1256] : memref<2048x128x32xf32, #tpu.memory_space<hbm>> -> memref<1x128x32xf32, #tpu.memory_space<hbm>>
      %dma_start3A_1258 = tpu.memref_squeeze %dma_start3A_1257 : memref<1x128x32xf32, #tpu.memory_space<hbm>> -> memref<128x32xf32, #tpu.memory_space<hbm>>
      %dma_start3A_1259 = arith.constant 0 : i32
      %dma_start3A_1260 = arith.constant 0 : i32
      %dma_start3A_1261 = tpu.memref_slice %arg16[%dma_start3A_1246, %dma_start3A_1259, %dma_start3A_1260] : memref<8x128x32xf32, #tpu.memory_space<vmem>> -> memref<1x128x32xf32, #tpu.memory_space<vmem>>
      %dma_start3A_1262 = tpu.memref_squeeze %dma_start3A_1261 : memref<1x128x32xf32, #tpu.memory_space<vmem>> -> memref<128x32xf32, #tpu.memory_space<vmem>>
      tpu.enqueue_dma source(%dma_start3A_1262 : memref<128x32xf32, #tpu.memory_space<vmem>>) target(%dma_start3A_1258 : memref<128x32xf32, #tpu.memory_space<hbm>>) target_semaphore(%arg22 : memref<!tpu.dma_semaphore, #tpu.memory_space<semaphore_mem>>)
      %add3A_1263 = arith.constant 3 : i32
      %add3A_1264 = arith.addi %mul3A_1138, %add3A_1263 : i32
      %mul3A_1265 = arith.constant 8 : i32
      %mul3A_1266 = arith.muli %add3A, %mul3A_1265 : i32
      %mul3A_1267 = arith.constant 8 : i32
      %mul3A_1268 = arith.muli %mul3A_1266, %mul3A_1267 : i32
      %add3A_1269 = arith.addi %mul3A_1268, %add3A_1264 : i32
      %dma_start3A_1270 = arith.constant 3 : i32
      %dma_start3A_1271 = arith.constant 0 : i32
      %dma_start3A_1272 = arith.constant 0 : i32
      %dma_start3A_1273 = tpu.memref_slice %arg16[%dma_start3A_1270, %dma_start3A_1271, %dma_start3A_1272] : memref<8x128x32xf32, #tpu.memory_space<vmem>> -> memref<1x128x32xf32, #tpu.memory_space<vmem>>
      %dma_start3A_1274 = tpu.memref_squeeze %dma_start3A_1273 : memref<1x128x32xf32, #tpu.memory_space<vmem>> -> memref<128x32xf32, #tpu.memory_space<vmem>>
      %dma_start3A_1275 = arith.constant 0 : i32
      %dma_start3A_1276 = arith.constant 0 : i32
      %dma_start3A_1277 = tpu.memref_slice %arg8[%add3A_1269, %dma_start3A_1275, %dma_start3A_1276] : memref<2048x128x32xf32, #tpu.memory_space<hbm>> -> memref<1x128x32xf32, #tpu.memory_space<hbm>>
      %dma_start3A_1278 = tpu.memref_squeeze %dma_start3A_1277 : memref<1x128x32xf32, #tpu.memory_space<hbm>> -> memref<128x32xf32, #tpu.memory_space<hbm>>
      %dma_start3A_1279 = arith.constant 0 : i32
      %dma_start3A_1280 = arith.constant 0 : i32
      %dma_start3A_1281 = tpu.memref_slice %arg8[%add3A_1269, %dma_start3A_1279, %dma_start3A_1280] : memref<2048x128x32xf32, #tpu.memory_space<hbm>> -> memref<1x128x32xf32, #tpu.memory_space<hbm>>
      %dma_start3A_1282 = tpu.memref_squeeze %dma_start3A_1281 : memref<1x128x32xf32, #tpu.memory_space<hbm>> -> memref<128x32xf32, #tpu.memory_space<hbm>>
      %dma_start3A_1283 = arith.constant 0 : i32
      %dma_start3A_1284 = arith.constant 0 : i32
      %dma_start3A_1285 = tpu.memref_slice %arg16[%dma_start3A_1270, %dma_start3A_1283, %dma_start3A_1284] : memref<8x128x32xf32, #tpu.memory_space<vmem>> -> memref<1x128x32xf32, #tpu.memory_space<vmem>>
      %dma_start3A_1286 = tpu.memref_squeeze %dma_start3A_1285 : memref<1x128x32xf32, #tpu.memory_space<vmem>> -> memref<128x32xf32, #tpu.memory_space<vmem>>
      tpu.enqueue_dma source(%dma_start3A_1286 : memref<128x32xf32, #tpu.memory_space<vmem>>) target(%dma_start3A_1282 : memref<128x32xf32, #tpu.memory_space<hbm>>) target_semaphore(%arg22 : memref<!tpu.dma_semaphore, #tpu.memory_space<semaphore_mem>>)
      %add3A_1287 = arith.constant 4 : i32
      %add3A_1288 = arith.addi %mul3A_1138, %add3A_1287 : i32
      %add3A_1289 = arith.constant 0 : i32
      %add3A_1290 = arith.addi %add3A_1288, %add3A_1289 : i32
      %dma_wait3A_1291 = arith.constant 4 : i32
      %dma_wait3A_1292 = arith.constant 0 : i32
      %dma_wait3A_1293 = arith.constant 0 : i32
      %dma_wait3A_1294 = tpu.memref_slice %arg16[%dma_wait3A_1291, %dma_wait3A_1292, %dma_wait3A_1293] : memref<8x128x32xf32, #tpu.memory_space<vmem>> -> memref<1x128x32xf32, #tpu.memory_space<vmem>>
      %dma_wait3A_1295 = tpu.memref_squeeze %dma_wait3A_1294 : memref<1x128x32xf32, #tpu.memory_space<vmem>> -> memref<128x32xf32, #tpu.memory_space<vmem>>
      %dma_wait3A_1296 = arith.constant 0 : i32
      %dma_wait3A_1297 = tpu.memref_slice %arg12[%add3A_1290, %dma_wait3A_1296] : memref<64x128xi32, #tpu.memory_space<vmem>> -> memref<1x128xi32, #tpu.memory_space<vmem>>
      %dma_wait3A_1298 = tpu.memref_squeeze %dma_wait3A_1297 : memref<1x128xi32, #tpu.memory_space<vmem>> -> memref<128xi32, #tpu.memory_space<vmem>>
      %dma_wait3A_1299 = arith.constant 0 : i32
      %dma_wait3A_1300 = arith.constant 0 : i32
      %dma_wait3A_1301 = tpu.memref_slice %arg2[%dma_wait3A_1299, %dma_wait3A_1300] : memref<100000x32xf32, #tpu.memory_space<hbm>> -> memref<100000x32xf32, #tpu.memory_space<hbm>>
      tpu.wait_indirect_dma semaphore(%arg21 : memref<!tpu.dma_semaphore, #tpu.memory_space<semaphore_mem>>) src(%dma_wait3A_1301 : memref<100000x32xf32, #tpu.memory_space<hbm>>) dst(%dma_wait3A_1295 : memref<128x32xf32, #tpu.memory_space<vmem>>)
      %add3A_1302 = arith.constant 4 : i32
      %add3A_1303 = arith.addi %mul3A_1138, %add3A_1302 : i32
      %add3A_1304 = arith.constant 1 : i32
      %add3A_1305 = arith.addi %add3A_1303, %add3A_1304 : i32
      %dma_wait3A_1306 = arith.constant 5 : i32
      %dma_wait3A_1307 = arith.constant 0 : i32
      %dma_wait3A_1308 = arith.constant 0 : i32
      %dma_wait3A_1309 = tpu.memref_slice %arg16[%dma_wait3A_1306, %dma_wait3A_1307, %dma_wait3A_1308] : memref<8x128x32xf32, #tpu.memory_space<vmem>> -> memref<1x128x32xf32, #tpu.memory_space<vmem>>
      %dma_wait3A_1310 = tpu.memref_squeeze %dma_wait3A_1309 : memref<1x128x32xf32, #tpu.memory_space<vmem>> -> memref<128x32xf32, #tpu.memory_space<vmem>>
      %dma_wait3A_1311 = arith.constant 0 : i32
      %dma_wait3A_1312 = tpu.memref_slice %arg12[%add3A_1305, %dma_wait3A_1311] : memref<64x128xi32, #tpu.memory_space<vmem>> -> memref<1x128xi32, #tpu.memory_space<vmem>>
      %dma_wait3A_1313 = tpu.memref_squeeze %dma_wait3A_1312 : memref<1x128xi32, #tpu.memory_space<vmem>> -> memref<128xi32, #tpu.memory_space<vmem>>
      %dma_wait3A_1314 = arith.constant 0 : i32
      %dma_wait3A_1315 = arith.constant 0 : i32
      %dma_wait3A_1316 = tpu.memref_slice %arg2[%dma_wait3A_1314, %dma_wait3A_1315] : memref<100000x32xf32, #tpu.memory_space<hbm>> -> memref<100000x32xf32, #tpu.memory_space<hbm>>
      tpu.wait_indirect_dma semaphore(%arg21 : memref<!tpu.dma_semaphore, #tpu.memory_space<semaphore_mem>>) src(%dma_wait3A_1316 : memref<100000x32xf32, #tpu.memory_space<hbm>>) dst(%dma_wait3A_1310 : memref<128x32xf32, #tpu.memory_space<vmem>>)
      %add3A_1317 = arith.constant 4 : i32
      %add3A_1318 = arith.addi %mul3A_1138, %add3A_1317 : i32
      %add3A_1319 = arith.constant 2 : i32
      %add3A_1320 = arith.addi %add3A_1318, %add3A_1319 : i32
      %dma_wait3A_1321 = arith.constant 6 : i32
      %dma_wait3A_1322 = arith.constant 0 : i32
      %dma_wait3A_1323 = arith.constant 0 : i32
      %dma_wait3A_1324 = tpu.memref_slice %arg16[%dma_wait3A_1321, %dma_wait3A_1322, %dma_wait3A_1323] : memref<8x128x32xf32, #tpu.memory_space<vmem>> -> memref<1x128x32xf32, #tpu.memory_space<vmem>>
      %dma_wait3A_1325 = tpu.memref_squeeze %dma_wait3A_1324 : memref<1x128x32xf32, #tpu.memory_space<vmem>> -> memref<128x32xf32, #tpu.memory_space<vmem>>
      %dma_wait3A_1326 = arith.constant 0 : i32
      %dma_wait3A_1327 = tpu.memref_slice %arg12[%add3A_1320, %dma_wait3A_1326] : memref<64x128xi32, #tpu.memory_space<vmem>> -> memref<1x128xi32, #tpu.memory_space<vmem>>
      %dma_wait3A_1328 = tpu.memref_squeeze %dma_wait3A_1327 : memref<1x128xi32, #tpu.memory_space<vmem>> -> memref<128xi32, #tpu.memory_space<vmem>>
      %dma_wait3A_1329 = arith.constant 0 : i32
      %dma_wait3A_1330 = arith.constant 0 : i32
      %dma_wait3A_1331 = tpu.memref_slice %arg2[%dma_wait3A_1329, %dma_wait3A_1330] : memref<100000x32xf32, #tpu.memory_space<hbm>> -> memref<100000x32xf32, #tpu.memory_space<hbm>>
      tpu.wait_indirect_dma semaphore(%arg21 : memref<!tpu.dma_semaphore, #tpu.memory_space<semaphore_mem>>) src(%dma_wait3A_1331 : memref<100000x32xf32, #tpu.memory_space<hbm>>) dst(%dma_wait3A_1325 : memref<128x32xf32, #tpu.memory_space<vmem>>)
      %add3A_1332 = arith.constant 4 : i32
      %add3A_1333 = arith.addi %mul3A_1138, %add3A_1332 : i32
      %add3A_1334 = arith.constant 3 : i32
      %add3A_1335 = arith.addi %add3A_1333, %add3A_1334 : i32
      %dma_wait3A_1336 = arith.constant 7 : i32
      %dma_wait3A_1337 = arith.constant 0 : i32
      %dma_wait3A_1338 = arith.constant 0 : i32
      %dma_wait3A_1339 = tpu.memref_slice %arg16[%dma_wait3A_1336, %dma_wait3A_1337, %dma_wait3A_1338] : memref<8x128x32xf32, #tpu.memory_space<vmem>> -> memref<1x128x32xf32, #tpu.memory_space<vmem>>
      %dma_wait3A_1340 = tpu.memref_squeeze %dma_wait3A_1339 : memref<1x128x32xf32, #tpu.memory_space<vmem>> -> memref<128x32xf32, #tpu.memory_space<vmem>>
      %dma_wait3A_1341 = arith.constant 0 : i32
      %dma_wait3A_1342 = tpu.memref_slice %arg12[%add3A_1335, %dma_wait3A_1341] : memref<64x128xi32, #tpu.memory_space<vmem>> -> memref<1x128xi32, #tpu.memory_space<vmem>>
      %dma_wait3A_1343 = tpu.memref_squeeze %dma_wait3A_1342 : memref<1x128xi32, #tpu.memory_space<vmem>> -> memref<128xi32, #tpu.memory_space<vmem>>
      %dma_wait3A_1344 = arith.constant 0 : i32
      %dma_wait3A_1345 = arith.constant 0 : i32
      %dma_wait3A_1346 = tpu.memref_slice %arg2[%dma_wait3A_1344, %dma_wait3A_1345] : memref<100000x32xf32, #tpu.memory_space<hbm>> -> memref<100000x32xf32, #tpu.memory_space<hbm>>
      tpu.wait_indirect_dma semaphore(%arg21 : memref<!tpu.dma_semaphore, #tpu.memory_space<semaphore_mem>>) src(%dma_wait3A_1346 : memref<100000x32xf32, #tpu.memory_space<hbm>>) dst(%dma_wait3A_1340 : memref<128x32xf32, #tpu.memory_space<vmem>>)
      %add3A_1347 = arith.constant 4 : i32
      %add3A_1348 = arith.addi %mul3A_1138, %add3A_1347 : i32
      %add3A_1349 = arith.constant 0 : i32
      %add3A_1350 = arith.addi %add3A_1348, %add3A_1349 : i32
      %mul3A_1351 = arith.constant 8 : i32
      %mul3A_1352 = arith.muli %add3A, %mul3A_1351 : i32
      %mul3A_1353 = arith.constant 8 : i32
      %mul3A_1354 = arith.muli %mul3A_1352, %mul3A_1353 : i32
      %add3A_1355 = arith.addi %mul3A_1354, %add3A_1350 : i32
      %dma_start3A_1356 = arith.constant 4 : i32
      %dma_start3A_1357 = arith.constant 0 : i32
      %dma_start3A_1358 = arith.constant 0 : i32
      %dma_start3A_1359 = tpu.memref_slice %arg16[%dma_start3A_1356, %dma_start3A_1357, %dma_start3A_1358] : memref<8x128x32xf32, #tpu.memory_space<vmem>> -> memref<1x128x32xf32, #tpu.memory_space<vmem>>
      %dma_start3A_1360 = tpu.memref_squeeze %dma_start3A_1359 : memref<1x128x32xf32, #tpu.memory_space<vmem>> -> memref<128x32xf32, #tpu.memory_space<vmem>>
      %dma_start3A_1361 = arith.constant 0 : i32
      %dma_start3A_1362 = arith.constant 0 : i32
      %dma_start3A_1363 = tpu.memref_slice %arg8[%add3A_1355, %dma_start3A_1361, %dma_start3A_1362] : memref<2048x128x32xf32, #tpu.memory_space<hbm>> -> memref<1x128x32xf32, #tpu.memory_space<hbm>>
      %dma_start3A_1364 = tpu.memref_squeeze %dma_start3A_1363 : memref<1x128x32xf32, #tpu.memory_space<hbm>> -> memref<128x32xf32, #tpu.memory_space<hbm>>
      %dma_start3A_1365 = arith.constant 0 : i32
      %dma_start3A_1366 = arith.constant 0 : i32
      %dma_start3A_1367 = tpu.memref_slice %arg8[%add3A_1355, %dma_start3A_1365, %dma_start3A_1366] : memref<2048x128x32xf32, #tpu.memory_space<hbm>> -> memref<1x128x32xf32, #tpu.memory_space<hbm>>
      %dma_start3A_1368 = tpu.memref_squeeze %dma_start3A_1367 : memref<1x128x32xf32, #tpu.memory_space<hbm>> -> memref<128x32xf32, #tpu.memory_space<hbm>>
      %dma_start3A_1369 = arith.constant 0 : i32
      %dma_start3A_1370 = arith.constant 0 : i32
      %dma_start3A_1371 = tpu.memref_slice %arg16[%dma_start3A_1356, %dma_start3A_1369, %dma_start3A_1370] : memref<8x128x32xf32, #tpu.memory_space<vmem>> -> memref<1x128x32xf32, #tpu.memory_space<vmem>>
      %dma_start3A_1372 = tpu.memref_squeeze %dma_start3A_1371 : memref<1x128x32xf32, #tpu.memory_space<vmem>> -> memref<128x32xf32, #tpu.memory_space<vmem>>
      tpu.enqueue_dma source(%dma_start3A_1372 : memref<128x32xf32, #tpu.memory_space<vmem>>) target(%dma_start3A_1368 : memref<128x32xf32, #tpu.memory_space<hbm>>) target_semaphore(%arg23 : memref<!tpu.dma_semaphore, #tpu.memory_space<semaphore_mem>>)
      %add3A_1373 = arith.constant 4 : i32
      %add3A_1374 = arith.addi %mul3A_1138, %add3A_1373 : i32
      %add3A_1375 = arith.constant 1 : i32
      %add3A_1376 = arith.addi %add3A_1374, %add3A_1375 : i32
      %mul3A_1377 = arith.constant 8 : i32
      %mul3A_1378 = arith.muli %add3A, %mul3A_1377 : i32
      %mul3A_1379 = arith.constant 8 : i32
      %mul3A_1380 = arith.muli %mul3A_1378, %mul3A_1379 : i32
      %add3A_1381 = arith.addi %mul3A_1380, %add3A_1376 : i32
      %dma_start3A_1382 = arith.constant 5 : i32
      %dma_start3A_1383 = arith.constant 0 : i32
      %dma_start3A_1384 = arith.constant 0 : i32
      %dma_start3A_1385 = tpu.memref_slice %arg16[%dma_start3A_1382, %dma_start3A_1383, %dma_start3A_1384] : memref<8x128x32xf32, #tpu.memory_space<vmem>> -> memref<1x128x32xf32, #tpu.memory_space<vmem>>
      %dma_start3A_1386 = tpu.memref_squeeze %dma_start3A_1385 : memref<1x128x32xf32, #tpu.memory_space<vmem>> -> memref<128x32xf32, #tpu.memory_space<vmem>>
      %dma_start3A_1387 = arith.constant 0 : i32
      %dma_start3A_1388 = arith.constant 0 : i32
      %dma_start3A_1389 = tpu.memref_slice %arg8[%add3A_1381, %dma_start3A_1387, %dma_start3A_1388] : memref<2048x128x32xf32, #tpu.memory_space<hbm>> -> memref<1x128x32xf32, #tpu.memory_space<hbm>>
      %dma_start3A_1390 = tpu.memref_squeeze %dma_start3A_1389 : memref<1x128x32xf32, #tpu.memory_space<hbm>> -> memref<128x32xf32, #tpu.memory_space<hbm>>
      %dma_start3A_1391 = arith.constant 0 : i32
      %dma_start3A_1392 = arith.constant 0 : i32
      %dma_start3A_1393 = tpu.memref_slice %arg8[%add3A_1381, %dma_start3A_1391, %dma_start3A_1392] : memref<2048x128x32xf32, #tpu.memory_space<hbm>> -> memref<1x128x32xf32, #tpu.memory_space<hbm>>
      %dma_start3A_1394 = tpu.memref_squeeze %dma_start3A_1393 : memref<1x128x32xf32, #tpu.memory_space<hbm>> -> memref<128x32xf32, #tpu.memory_space<hbm>>
      %dma_start3A_1395 = arith.constant 0 : i32
      %dma_start3A_1396 = arith.constant 0 : i32
      %dma_start3A_1397 = tpu.memref_slice %arg16[%dma_start3A_1382, %dma_start3A_1395, %dma_start3A_1396] : memref<8x128x32xf32, #tpu.memory_space<vmem>> -> memref<1x128x32xf32, #tpu.memory_space<vmem>>
      %dma_start3A_1398 = tpu.memref_squeeze %dma_start3A_1397 : memref<1x128x32xf32, #tpu.memory_space<vmem>> -> memref<128x32xf32, #tpu.memory_space<vmem>>
      tpu.enqueue_dma source(%dma_start3A_1398 : memref<128x32xf32, #tpu.memory_space<vmem>>) target(%dma_start3A_1394 : memref<128x32xf32, #tpu.memory_space<hbm>>) target_semaphore(%arg23 : memref<!tpu.dma_semaphore, #tpu.memory_space<semaphore_mem>>)
      %add3A_1399 = arith.constant 4 : i32
      %add3A_1400 = arith.addi %mul3A_1138, %add3A_1399 : i32
      %add3A_1401 = arith.constant 2 : i32
      %add3A_1402 = arith.addi %add3A_1400, %add3A_1401 : i32
      %mul3A_1403 = arith.constant 8 : i32
      %mul3A_1404 = arith.muli %add3A, %mul3A_1403 : i32
      %mul3A_1405 = arith.constant 8 : i32
      %mul3A_1406 = arith.muli %mul3A_1404, %mul3A_1405 : i32
      %add3A_1407 = arith.addi %mul3A_1406, %add3A_1402 : i32
      %dma_start3A_1408 = arith.constant 6 : i32
      %dma_start3A_1409 = arith.constant 0 : i32
      %dma_start3A_1410 = arith.constant 0 : i32
      %dma_start3A_1411 = tpu.memref_slice %arg16[%dma_start3A_1408, %dma_start3A_1409, %dma_start3A_1410] : memref<8x128x32xf32, #tpu.memory_space<vmem>> -> memref<1x128x32xf32, #tpu.memory_space<vmem>>
      %dma_start3A_1412 = tpu.memref_squeeze %dma_start3A_1411 : memref<1x128x32xf32, #tpu.memory_space<vmem>> -> memref<128x32xf32, #tpu.memory_space<vmem>>
      %dma_start3A_1413 = arith.constant 0 : i32
      %dma_start3A_1414 = arith.constant 0 : i32
      %dma_start3A_1415 = tpu.memref_slice %arg8[%add3A_1407, %dma_start3A_1413, %dma_start3A_1414] : memref<2048x128x32xf32, #tpu.memory_space<hbm>> -> memref<1x128x32xf32, #tpu.memory_space<hbm>>
      %dma_start3A_1416 = tpu.memref_squeeze %dma_start3A_1415 : memref<1x128x32xf32, #tpu.memory_space<hbm>> -> memref<128x32xf32, #tpu.memory_space<hbm>>
      %dma_start3A_1417 = arith.constant 0 : i32
      %dma_start3A_1418 = arith.constant 0 : i32
      %dma_start3A_1419 = tpu.memref_slice %arg8[%add3A_1407, %dma_start3A_1417, %dma_start3A_1418] : memref<2048x128x32xf32, #tpu.memory_space<hbm>> -> memref<1x128x32xf32, #tpu.memory_space<hbm>>
      %dma_start3A_1420 = tpu.memref_squeeze %dma_start3A_1419 : memref<1x128x32xf32, #tpu.memory_space<hbm>> -> memref<128x32xf32, #tpu.memory_space<hbm>>
      %dma_start3A_1421 = arith.constant 0 : i32
      %dma_start3A_1422 = arith.constant 0 : i32
      %dma_start3A_1423 = tpu.memref_slice %arg16[%dma_start3A_1408, %dma_start3A_1421, %dma_start3A_1422] : memref<8x128x32xf32, #tpu.memory_space<vmem>> -> memref<1x128x32xf32, #tpu.memory_space<vmem>>
      %dma_start3A_1424 = tpu.memref_squeeze %dma_start3A_1423 : memref<1x128x32xf32, #tpu.memory_space<vmem>> -> memref<128x32xf32, #tpu.memory_space<vmem>>
      tpu.enqueue_dma source(%dma_start3A_1424 : memref<128x32xf32, #tpu.memory_space<vmem>>) target(%dma_start3A_1420 : memref<128x32xf32, #tpu.memory_space<hbm>>) target_semaphore(%arg23 : memref<!tpu.dma_semaphore, #tpu.memory_space<semaphore_mem>>)
      %add3A_1425 = arith.constant 4 : i32
      %add3A_1426 = arith.addi %mul3A_1138, %add3A_1425 : i32
      %add3A_1427 = arith.constant 3 : i32
      %add3A_1428 = arith.addi %add3A_1426, %add3A_1427 : i32
      %mul3A_1429 = arith.constant 8 : i32
      %mul3A_1430 = arith.muli %add3A, %mul3A_1429 : i32
      %mul3A_1431 = arith.constant 8 : i32
      %mul3A_1432 = arith.muli %mul3A_1430, %mul3A_1431 : i32
      %add3A_1433 = arith.addi %mul3A_1432, %add3A_1428 : i32
      %dma_start3A_1434 = arith.constant 7 : i32
      %dma_start3A_1435 = arith.constant 0 : i32
      %dma_start3A_1436 = arith.constant 0 : i32
      %dma_start3A_1437 = tpu.memref_slice %arg16[%dma_start3A_1434, %dma_start3A_1435, %dma_start3A_1436] : memref<8x128x32xf32, #tpu.memory_space<vmem>> -> memref<1x128x32xf32, #tpu.memory_space<vmem>>
      %dma_start3A_1438 = tpu.memref_squeeze %dma_start3A_1437 : memref<1x128x32xf32, #tpu.memory_space<vmem>> -> memref<128x32xf32, #tpu.memory_space<vmem>>
      %dma_start3A_1439 = arith.constant 0 : i32
      %dma_start3A_1440 = arith.constant 0 : i32
      %dma_start3A_1441 = tpu.memref_slice %arg8[%add3A_1433, %dma_start3A_1439, %dma_start3A_1440] : memref<2048x128x32xf32, #tpu.memory_space<hbm>> -> memref<1x128x32xf32, #tpu.memory_space<hbm>>
      %dma_start3A_1442 = tpu.memref_squeeze %dma_start3A_1441 : memref<1x128x32xf32, #tpu.memory_space<hbm>> -> memref<128x32xf32, #tpu.memory_space<hbm>>
      %dma_start3A_1443 = arith.constant 0 : i32
      %dma_start3A_1444 = arith.constant 0 : i32
      %dma_start3A_1445 = tpu.memref_slice %arg8[%add3A_1433, %dma_start3A_1443, %dma_start3A_1444] : memref<2048x128x32xf32, #tpu.memory_space<hbm>> -> memref<1x128x32xf32, #tpu.memory_space<hbm>>
      %dma_start3A_1446 = tpu.memref_squeeze %dma_start3A_1445 : memref<1x128x32xf32, #tpu.memory_space<hbm>> -> memref<128x32xf32, #tpu.memory_space<hbm>>
      %dma_start3A_1447 = arith.constant 0 : i32
      %dma_start3A_1448 = arith.constant 0 : i32
      %dma_start3A_1449 = tpu.memref_slice %arg16[%dma_start3A_1434, %dma_start3A_1447, %dma_start3A_1448] : memref<8x128x32xf32, #tpu.memory_space<vmem>> -> memref<1x128x32xf32, #tpu.memory_space<vmem>>
      %dma_start3A_1450 = tpu.memref_squeeze %dma_start3A_1449 : memref<1x128x32xf32, #tpu.memory_space<vmem>> -> memref<128x32xf32, #tpu.memory_space<vmem>>
      tpu.enqueue_dma source(%dma_start3A_1450 : memref<128x32xf32, #tpu.memory_space<vmem>>) target(%dma_start3A_1446 : memref<128x32xf32, #tpu.memory_space<hbm>>) target_semaphore(%arg23 : memref<!tpu.dma_semaphore, #tpu.memory_space<semaphore_mem>>)
      %add3A_1451 = arith.constant 0 : i32
      %add3A_1452 = arith.addi %mul3A_1138, %add3A_1451 : i32
      %mul3A_1453 = arith.constant 8 : i32
      %mul3A_1454 = arith.muli %add3A, %mul3A_1453 : i32
      %mul3A_1455 = arith.constant 8 : i32
      %mul3A_1456 = arith.muli %mul3A_1454, %mul3A_1455 : i32
      %add3A_1457 = arith.addi %mul3A_1456, %add3A_1452 : i32
      %dma_wait3A_1458 = arith.constant 0 : i32
      %dma_wait3A_1459 = arith.constant 0 : i32
      %dma_wait3A_1460 = arith.constant 0 : i32
      %dma_wait3A_1461 = tpu.memref_slice %arg16[%dma_wait3A_1458, %dma_wait3A_1459, %dma_wait3A_1460] : memref<8x128x32xf32, #tpu.memory_space<vmem>> -> memref<1x128x32xf32, #tpu.memory_space<vmem>>
      %dma_wait3A_1462 = tpu.memref_squeeze %dma_wait3A_1461 : memref<1x128x32xf32, #tpu.memory_space<vmem>> -> memref<128x32xf32, #tpu.memory_space<vmem>>
      %dma_wait3A_1463 = arith.constant 0 : i32
      %dma_wait3A_1464 = arith.constant 0 : i32
      %dma_wait3A_1465 = tpu.memref_slice %arg8[%add3A_1457, %dma_wait3A_1463, %dma_wait3A_1464] : memref<2048x128x32xf32, #tpu.memory_space<hbm>> -> memref<1x128x32xf32, #tpu.memory_space<hbm>>
      %dma_wait3A_1466 = tpu.memref_squeeze %dma_wait3A_1465 : memref<1x128x32xf32, #tpu.memory_space<hbm>> -> memref<128x32xf32, #tpu.memory_space<hbm>>
      %dma_wait3A_1467 = arith.constant 0 : i32
      %dma_wait3A_1468 = arith.constant 0 : i32
      %dma_wait3A_1469 = tpu.memref_slice %arg8[%add3A_1457, %dma_wait3A_1467, %dma_wait3A_1468] : memref<2048x128x32xf32, #tpu.memory_space<hbm>> -> memref<1x128x32xf32, #tpu.memory_space<hbm>>
      %dma_wait3A_1470 = tpu.memref_squeeze %dma_wait3A_1469 : memref<1x128x32xf32, #tpu.memory_space<hbm>> -> memref<128x32xf32, #tpu.memory_space<hbm>>
      %dma_wait3A_1471 = arith.constant 0 : i32
      %dma_wait3A_1472 = arith.constant 0 : i32
      %dma_wait3A_1473 = tpu.memref_slice %arg16[%dma_wait3A_1458, %dma_wait3A_1471, %dma_wait3A_1472] : memref<8x128x32xf32, #tpu.memory_space<vmem>> -> memref<1x128x32xf32, #tpu.memory_space<vmem>>
      %dma_wait3A_1474 = tpu.memref_squeeze %dma_wait3A_1473 : memref<1x128x32xf32, #tpu.memory_space<vmem>> -> memref<128x32xf32, #tpu.memory_space<vmem>>
      tpu.wait_dma2 semaphore(%arg22 : memref<!tpu.dma_semaphore, #tpu.memory_space<semaphore_mem>>) src(%dma_wait3A_1474 : memref<128x32xf32, #tpu.memory_space<vmem>>) dst(%dma_wait3A_1470 : memref<128x32xf32, #tpu.memory_space<hbm>>)
      %add3A_1475 = arith.constant 1 : i32
      %add3A_1476 = arith.addi %mul3A_1138, %add3A_1475 : i32
      %mul3A_1477 = arith.constant 8 : i32
      %mul3A_1478 = arith.muli %add3A, %mul3A_1477 : i32
      %mul3A_1479 = arith.constant 8 : i32
      %mul3A_1480 = arith.muli %mul3A_1478, %mul3A_1479 : i32
      %add3A_1481 = arith.addi %mul3A_1480, %add3A_1476 : i32
      %dma_wait3A_1482 = arith.constant 1 : i32
      %dma_wait3A_1483 = arith.constant 0 : i32
      %dma_wait3A_1484 = arith.constant 0 : i32
      %dma_wait3A_1485 = tpu.memref_slice %arg16[%dma_wait3A_1482, %dma_wait3A_1483, %dma_wait3A_1484] : memref<8x128x32xf32, #tpu.memory_space<vmem>> -> memref<1x128x32xf32, #tpu.memory_space<vmem>>
      %dma_wait3A_1486 = tpu.memref_squeeze %dma_wait3A_1485 : memref<1x128x32xf32, #tpu.memory_space<vmem>> -> memref<128x32xf32, #tpu.memory_space<vmem>>
      %dma_wait3A_1487 = arith.constant 0 : i32
      %dma_wait3A_1488 = arith.constant 0 : i32
      %dma_wait3A_1489 = tpu.memref_slice %arg8[%add3A_1481, %dma_wait3A_1487, %dma_wait3A_1488] : memref<2048x128x32xf32, #tpu.memory_space<hbm>> -> memref<1x128x32xf32, #tpu.memory_space<hbm>>
      %dma_wait3A_1490 = tpu.memref_squeeze %dma_wait3A_1489 : memref<1x128x32xf32, #tpu.memory_space<hbm>> -> memref<128x32xf32, #tpu.memory_space<hbm>>
      %dma_wait3A_1491 = arith.constant 0 : i32
      %dma_wait3A_1492 = arith.constant 0 : i32
      %dma_wait3A_1493 = tpu.memref_slice %arg8[%add3A_1481, %dma_wait3A_1491, %dma_wait3A_1492] : memref<2048x128x32xf32, #tpu.memory_space<hbm>> -> memref<1x128x32xf32, #tpu.memory_space<hbm>>
      %dma_wait3A_1494 = tpu.memref_squeeze %dma_wait3A_1493 : memref<1x128x32xf32, #tpu.memory_space<hbm>> -> memref<128x32xf32, #tpu.memory_space<hbm>>
      %dma_wait3A_1495 = arith.constant 0 : i32
      %dma_wait3A_1496 = arith.constant 0 : i32
      %dma_wait3A_1497 = tpu.memref_slice %arg16[%dma_wait3A_1482, %dma_wait3A_1495, %dma_wait3A_1496] : memref<8x128x32xf32, #tpu.memory_space<vmem>> -> memref<1x128x32xf32, #tpu.memory_space<vmem>>
      %dma_wait3A_1498 = tpu.memref_squeeze %dma_wait3A_1497 : memref<1x128x32xf32, #tpu.memory_space<vmem>> -> memref<128x32xf32, #tpu.memory_space<vmem>>
      tpu.wait_dma2 semaphore(%arg22 : memref<!tpu.dma_semaphore, #tpu.memory_space<semaphore_mem>>) src(%dma_wait3A_1498 : memref<128x32xf32, #tpu.memory_space<vmem>>) dst(%dma_wait3A_1494 : memref<128x32xf32, #tpu.memory_space<hbm>>)
      %add3A_1499 = arith.constant 2 : i32
      %add3A_1500 = arith.addi %mul3A_1138, %add3A_1499 : i32
      %mul3A_1501 = arith.constant 8 : i32
      %mul3A_1502 = arith.muli %add3A, %mul3A_1501 : i32
      %mul3A_1503 = arith.constant 8 : i32
      %mul3A_1504 = arith.muli %mul3A_1502, %mul3A_1503 : i32
      %add3A_1505 = arith.addi %mul3A_1504, %add3A_1500 : i32
      %dma_wait3A_1506 = arith.constant 2 : i32
      %dma_wait3A_1507 = arith.constant 0 : i32
      %dma_wait3A_1508 = arith.constant 0 : i32
      %dma_wait3A_1509 = tpu.memref_slice %arg16[%dma_wait3A_1506, %dma_wait3A_1507, %dma_wait3A_1508] : memref<8x128x32xf32, #tpu.memory_space<vmem>> -> memref<1x128x32xf32, #tpu.memory_space<vmem>>
      %dma_wait3A_1510 = tpu.memref_squeeze %dma_wait3A_1509 : memref<1x128x32xf32, #tpu.memory_space<vmem>> -> memref<128x32xf32, #tpu.memory_space<vmem>>
      %dma_wait3A_1511 = arith.constant 0 : i32
      %dma_wait3A_1512 = arith.constant 0 : i32
      %dma_wait3A_1513 = tpu.memref_slice %arg8[%add3A_1505, %dma_wait3A_1511, %dma_wait3A_1512] : memref<2048x128x32xf32, #tpu.memory_space<hbm>> -> memref<1x128x32xf32, #tpu.memory_space<hbm>>
      %dma_wait3A_1514 = tpu.memref_squeeze %dma_wait3A_1513 : memref<1x128x32xf32, #tpu.memory_space<hbm>> -> memref<128x32xf32, #tpu.memory_space<hbm>>
      %dma_wait3A_1515 = arith.constant 0 : i32
      %dma_wait3A_1516 = arith.constant 0 : i32
      %dma_wait3A_1517 = tpu.memref_slice %arg8[%add3A_1505, %dma_wait3A_1515, %dma_wait3A_1516] : memref<2048x128x32xf32, #tpu.memory_space<hbm>> -> memref<1x128x32xf32, #tpu.memory_space<hbm>>
      %dma_wait3A_1518 = tpu.memref_squeeze %dma_wait3A_1517 : memref<1x128x32xf32, #tpu.memory_space<hbm>> -> memref<128x32xf32, #tpu.memory_space<hbm>>
      %dma_wait3A_1519 = arith.constant 0 : i32
      %dma_wait3A_1520 = arith.constant 0 : i32
      %dma_wait3A_1521 = tpu.memref_slice %arg16[%dma_wait3A_1506, %dma_wait3A_1519, %dma_wait3A_1520] : memref<8x128x32xf32, #tpu.memory_space<vmem>> -> memref<1x128x32xf32, #tpu.memory_space<vmem>>
      %dma_wait3A_1522 = tpu.memref_squeeze %dma_wait3A_1521 : memref<1x128x32xf32, #tpu.memory_space<vmem>> -> memref<128x32xf32, #tpu.memory_space<vmem>>
      tpu.wait_dma2 semaphore(%arg22 : memref<!tpu.dma_semaphore, #tpu.memory_space<semaphore_mem>>) src(%dma_wait3A_1522 : memref<128x32xf32, #tpu.memory_space<vmem>>) dst(%dma_wait3A_1518 : memref<128x32xf32, #tpu.memory_space<hbm>>)
      %add3A_1523 = arith.constant 3 : i32
      %add3A_1524 = arith.addi %mul3A_1138, %add3A_1523 : i32
      %mul3A_1525 = arith.constant 8 : i32
      %mul3A_1526 = arith.muli %add3A, %mul3A_1525 : i32
      %mul3A_1527 = arith.constant 8 : i32
      %mul3A_1528 = arith.muli %mul3A_1526, %mul3A_1527 : i32
      %add3A_1529 = arith.addi %mul3A_1528, %add3A_1524 : i32
      %dma_wait3A_1530 = arith.constant 3 : i32
      %dma_wait3A_1531 = arith.constant 0 : i32
      %dma_wait3A_1532 = arith.constant 0 : i32
      %dma_wait3A_1533 = tpu.memref_slice %arg16[%dma_wait3A_1530, %dma_wait3A_1531, %dma_wait3A_1532] : memref<8x128x32xf32, #tpu.memory_space<vmem>> -> memref<1x128x32xf32, #tpu.memory_space<vmem>>
      %dma_wait3A_1534 = tpu.memref_squeeze %dma_wait3A_1533 : memref<1x128x32xf32, #tpu.memory_space<vmem>> -> memref<128x32xf32, #tpu.memory_space<vmem>>
      %dma_wait3A_1535 = arith.constant 0 : i32
      %dma_wait3A_1536 = arith.constant 0 : i32
      %dma_wait3A_1537 = tpu.memref_slice %arg8[%add3A_1529, %dma_wait3A_1535, %dma_wait3A_1536] : memref<2048x128x32xf32, #tpu.memory_space<hbm>> -> memref<1x128x32xf32, #tpu.memory_space<hbm>>
      %dma_wait3A_1538 = tpu.memref_squeeze %dma_wait3A_1537 : memref<1x128x32xf32, #tpu.memory_space<hbm>> -> memref<128x32xf32, #tpu.memory_space<hbm>>
      %dma_wait3A_1539 = arith.constant 0 : i32
      %dma_wait3A_1540 = arith.constant 0 : i32
      %dma_wait3A_1541 = tpu.memref_slice %arg8[%add3A_1529, %dma_wait3A_1539, %dma_wait3A_1540] : memref<2048x128x32xf32, #tpu.memory_space<hbm>> -> memref<1x128x32xf32, #tpu.memory_space<hbm>>
      %dma_wait3A_1542 = tpu.memref_squeeze %dma_wait3A_1541 : memref<1x128x32xf32, #tpu.memory_space<hbm>> -> memref<128x32xf32, #tpu.memory_space<hbm>>
      %dma_wait3A_1543 = arith.constant 0 : i32
      %dma_wait3A_1544 = arith.constant 0 : i32
      %dma_wait3A_1545 = tpu.memref_slice %arg16[%dma_wait3A_1530, %dma_wait3A_1543, %dma_wait3A_1544] : memref<8x128x32xf32, #tpu.memory_space<vmem>> -> memref<1x128x32xf32, #tpu.memory_space<vmem>>
      %dma_wait3A_1546 = tpu.memref_squeeze %dma_wait3A_1545 : memref<1x128x32xf32, #tpu.memory_space<vmem>> -> memref<128x32xf32, #tpu.memory_space<vmem>>
      tpu.wait_dma2 semaphore(%arg22 : memref<!tpu.dma_semaphore, #tpu.memory_space<semaphore_mem>>) src(%dma_wait3A_1546 : memref<128x32xf32, #tpu.memory_space<vmem>>) dst(%dma_wait3A_1542 : memref<128x32xf32, #tpu.memory_space<hbm>>)
      %add3A_1547 = arith.constant 8 : i32
      %add3A_1548 = arith.addi %mul3A_1138, %add3A_1547 : i32
      %add3A_1549 = arith.constant 0 : i32
      %add3A_1550 = arith.addi %add3A_1548, %add3A_1549 : i32
      %dma_start3A_1551 = arith.constant 0 : i32
      %dma_start3A_1552 = arith.constant 0 : i32
      %dma_start3A_1553 = arith.constant 0 : i32
      %dma_start3A_1554 = tpu.memref_slice %arg16[%dma_start3A_1551, %dma_start3A_1552, %dma_start3A_1553] : memref<8x128x32xf32, #tpu.memory_space<vmem>> -> memref<1x128x32xf32, #tpu.memory_space<vmem>>
      %dma_start3A_1555 = tpu.memref_squeeze %dma_start3A_1554 : memref<1x128x32xf32, #tpu.memory_space<vmem>> -> memref<128x32xf32, #tpu.memory_space<vmem>>
      %dma_start3A_1556 = arith.constant 0 : i32
      %dma_start3A_1557 = tpu.memref_slice %arg12[%add3A_1550, %dma_start3A_1556] : memref<64x128xi32, #tpu.memory_space<vmem>> -> memref<1x128xi32, #tpu.memory_space<vmem>>
      %dma_start3A_1558 = tpu.memref_squeeze %dma_start3A_1557 : memref<1x128xi32, #tpu.memory_space<vmem>> -> memref<128xi32, #tpu.memory_space<vmem>>
      %dma_start3A_1559 = arith.constant 0 : i32
      %dma_start3A_1560 = arith.constant 0 : i32
      %dma_start3A_1561 = tpu.memref_slice %arg2[%dma_start3A_1559, %dma_start3A_1560] : memref<100000x32xf32, #tpu.memory_space<hbm>> -> memref<100000x32xf32, #tpu.memory_space<hbm>>
      tpu.enqueue_indirect_dma source(%dma_start3A_1561 : memref<100000x32xf32, #tpu.memory_space<hbm>>) target(%dma_start3A_1555 : memref<128x32xf32, #tpu.memory_space<vmem>>) offsets(%dma_start3A_1558 : memref<128xi32, #tpu.memory_space<vmem>>) semaphore(%arg20 : memref<!tpu.dma_semaphore, #tpu.memory_space<semaphore_mem>>)
      %add3A_1562 = arith.constant 8 : i32
      %add3A_1563 = arith.addi %mul3A_1138, %add3A_1562 : i32
      %add3A_1564 = arith.constant 1 : i32
      %add3A_1565 = arith.addi %add3A_1563, %add3A_1564 : i32
      %dma_start3A_1566 = arith.constant 1 : i32
      %dma_start3A_1567 = arith.constant 0 : i32
      %dma_start3A_1568 = arith.constant 0 : i32
      %dma_start3A_1569 = tpu.memref_slice %arg16[%dma_start3A_1566, %dma_start3A_1567, %dma_start3A_1568] : memref<8x128x32xf32, #tpu.memory_space<vmem>> -> memref<1x128x32xf32, #tpu.memory_space<vmem>>
      %dma_start3A_1570 = tpu.memref_squeeze %dma_start3A_1569 : memref<1x128x32xf32, #tpu.memory_space<vmem>> -> memref<128x32xf32, #tpu.memory_space<vmem>>
      %dma_start3A_1571 = arith.constant 0 : i32
      %dma_start3A_1572 = tpu.memref_slice %arg12[%add3A_1565, %dma_start3A_1571] : memref<64x128xi32, #tpu.memory_space<vmem>> -> memref<1x128xi32, #tpu.memory_space<vmem>>
      %dma_start3A_1573 = tpu.memref_squeeze %dma_start3A_1572 : memref<1x128xi32, #tpu.memory_space<vmem>> -> memref<128xi32, #tpu.memory_space<vmem>>
      %dma_start3A_1574 = arith.constant 0 : i32
      %dma_start3A_1575 = arith.constant 0 : i32
      %dma_start3A_1576 = tpu.memref_slice %arg2[%dma_start3A_1574, %dma_start3A_1575] : memref<100000x32xf32, #tpu.memory_space<hbm>> -> memref<100000x32xf32, #tpu.memory_space<hbm>>
      tpu.enqueue_indirect_dma source(%dma_start3A_1576 : memref<100000x32xf32, #tpu.memory_space<hbm>>) target(%dma_start3A_1570 : memref<128x32xf32, #tpu.memory_space<vmem>>) offsets(%dma_start3A_1573 : memref<128xi32, #tpu.memory_space<vmem>>) semaphore(%arg20 : memref<!tpu.dma_semaphore, #tpu.memory_space<semaphore_mem>>)
      %add3A_1577 = arith.constant 8 : i32
      %add3A_1578 = arith.addi %mul3A_1138, %add3A_1577 : i32
      %add3A_1579 = arith.constant 2 : i32
      %add3A_1580 = arith.addi %add3A_1578, %add3A_1579 : i32
      %dma_start3A_1581 = arith.constant 2 : i32
      %dma_start3A_1582 = arith.constant 0 : i32
      %dma_start3A_1583 = arith.constant 0 : i32
      %dma_start3A_1584 = tpu.memref_slice %arg16[%dma_start3A_1581, %dma_start3A_1582, %dma_start3A_1583] : memref<8x128x32xf32, #tpu.memory_space<vmem>> -> memref<1x128x32xf32, #tpu.memory_space<vmem>>
      %dma_start3A_1585 = tpu.memref_squeeze %dma_start3A_1584 : memref<1x128x32xf32, #tpu.memory_space<vmem>> -> memref<128x32xf32, #tpu.memory_space<vmem>>
      %dma_start3A_1586 = arith.constant 0 : i32
      %dma_start3A_1587 = tpu.memref_slice %arg12[%add3A_1580, %dma_start3A_1586] : memref<64x128xi32, #tpu.memory_space<vmem>> -> memref<1x128xi32, #tpu.memory_space<vmem>>
      %dma_start3A_1588 = tpu.memref_squeeze %dma_start3A_1587 : memref<1x128xi32, #tpu.memory_space<vmem>> -> memref<128xi32, #tpu.memory_space<vmem>>
      %dma_start3A_1589 = arith.constant 0 : i32
      %dma_start3A_1590 = arith.constant 0 : i32
      %dma_start3A_1591 = tpu.memref_slice %arg2[%dma_start3A_1589, %dma_start3A_1590] : memref<100000x32xf32, #tpu.memory_space<hbm>> -> memref<100000x32xf32, #tpu.memory_space<hbm>>
      tpu.enqueue_indirect_dma source(%dma_start3A_1591 : memref<100000x32xf32, #tpu.memory_space<hbm>>) target(%dma_start3A_1585 : memref<128x32xf32, #tpu.memory_space<vmem>>) offsets(%dma_start3A_1588 : memref<128xi32, #tpu.memory_space<vmem>>) semaphore(%arg20 : memref<!tpu.dma_semaphore, #tpu.memory_space<semaphore_mem>>)
      %add3A_1592 = arith.constant 8 : i32
      %add3A_1593 = arith.addi %mul3A_1138, %add3A_1592 : i32
      %add3A_1594 = arith.constant 3 : i32
      %add3A_1595 = arith.addi %add3A_1593, %add3A_1594 : i32
      %dma_start3A_1596 = arith.constant 3 : i32
      %dma_start3A_1597 = arith.constant 0 : i32
      %dma_start3A_1598 = arith.constant 0 : i32
      %dma_start3A_1599 = tpu.memref_slice %arg16[%dma_start3A_1596, %dma_start3A_1597, %dma_start3A_1598] : memref<8x128x32xf32, #tpu.memory_space<vmem>> -> memref<1x128x32xf32, #tpu.memory_space<vmem>>
      %dma_start3A_1600 = tpu.memref_squeeze %dma_start3A_1599 : memref<1x128x32xf32, #tpu.memory_space<vmem>> -> memref<128x32xf32, #tpu.memory_space<vmem>>
      %dma_start3A_1601 = arith.constant 0 : i32
      %dma_start3A_1602 = tpu.memref_slice %arg12[%add3A_1595, %dma_start3A_1601] : memref<64x128xi32, #tpu.memory_space<vmem>> -> memref<1x128xi32, #tpu.memory_space<vmem>>
      %dma_start3A_1603 = tpu.memref_squeeze %dma_start3A_1602 : memref<1x128xi32, #tpu.memory_space<vmem>> -> memref<128xi32, #tpu.memory_space<vmem>>
      %dma_start3A_1604 = arith.constant 0 : i32
      %dma_start3A_1605 = arith.constant 0 : i32
      %dma_start3A_1606 = tpu.memref_slice %arg2[%dma_start3A_1604, %dma_start3A_1605] : memref<100000x32xf32, #tpu.memory_space<hbm>> -> memref<100000x32xf32, #tpu.memory_space<hbm>>
      tpu.enqueue_indirect_dma source(%dma_start3A_1606 : memref<100000x32xf32, #tpu.memory_space<hbm>>) target(%dma_start3A_1600 : memref<128x32xf32, #tpu.memory_space<vmem>>) offsets(%dma_start3A_1603 : memref<128xi32, #tpu.memory_space<vmem>>) semaphore(%arg20 : memref<!tpu.dma_semaphore, #tpu.memory_space<semaphore_mem>>)
      %add3A_1607 = arith.constant 4 : i32
      %add3A_1608 = arith.addi %mul3A_1138, %add3A_1607 : i32
      %add3A_1609 = arith.constant 0 : i32
      %add3A_1610 = arith.addi %add3A_1608, %add3A_1609 : i32
      %mul3A_1611 = arith.constant 8 : i32
      %mul3A_1612 = arith.muli %add3A, %mul3A_1611 : i32
      %mul3A_1613 = arith.constant 8 : i32
      %mul3A_1614 = arith.muli %mul3A_1612, %mul3A_1613 : i32
      %add3A_1615 = arith.addi %mul3A_1614, %add3A_1610 : i32
      %dma_wait3A_1616 = arith.constant 4 : i32
      %dma_wait3A_1617 = arith.constant 0 : i32
      %dma_wait3A_1618 = arith.constant 0 : i32
      %dma_wait3A_1619 = tpu.memref_slice %arg16[%dma_wait3A_1616, %dma_wait3A_1617, %dma_wait3A_1618] : memref<8x128x32xf32, #tpu.memory_space<vmem>> -> memref<1x128x32xf32, #tpu.memory_space<vmem>>
      %dma_wait3A_1620 = tpu.memref_squeeze %dma_wait3A_1619 : memref<1x128x32xf32, #tpu.memory_space<vmem>> -> memref<128x32xf32, #tpu.memory_space<vmem>>
      %dma_wait3A_1621 = arith.constant 0 : i32
      %dma_wait3A_1622 = arith.constant 0 : i32
      %dma_wait3A_1623 = tpu.memref_slice %arg8[%add3A_1615, %dma_wait3A_1621, %dma_wait3A_1622] : memref<2048x128x32xf32, #tpu.memory_space<hbm>> -> memref<1x128x32xf32, #tpu.memory_space<hbm>>
      %dma_wait3A_1624 = tpu.memref_squeeze %dma_wait3A_1623 : memref<1x128x32xf32, #tpu.memory_space<hbm>> -> memref<128x32xf32, #tpu.memory_space<hbm>>
      %dma_wait3A_1625 = arith.constant 0 : i32
      %dma_wait3A_1626 = arith.constant 0 : i32
      %dma_wait3A_1627 = tpu.memref_slice %arg8[%add3A_1615, %dma_wait3A_1625, %dma_wait3A_1626] : memref<2048x128x32xf32, #tpu.memory_space<hbm>> -> memref<1x128x32xf32, #tpu.memory_space<hbm>>
      %dma_wait3A_1628 = tpu.memref_squeeze %dma_wait3A_1627 : memref<1x128x32xf32, #tpu.memory_space<hbm>> -> memref<128x32xf32, #tpu.memory_space<hbm>>
      %dma_wait3A_1629 = arith.constant 0 : i32
      %dma_wait3A_1630 = arith.constant 0 : i32
      %dma_wait3A_1631 = tpu.memref_slice %arg16[%dma_wait3A_1616, %dma_wait3A_1629, %dma_wait3A_1630] : memref<8x128x32xf32, #tpu.memory_space<vmem>> -> memref<1x128x32xf32, #tpu.memory_space<vmem>>
      %dma_wait3A_1632 = tpu.memref_squeeze %dma_wait3A_1631 : memref<1x128x32xf32, #tpu.memory_space<vmem>> -> memref<128x32xf32, #tpu.memory_space<vmem>>
      tpu.wait_dma2 semaphore(%arg23 : memref<!tpu.dma_semaphore, #tpu.memory_space<semaphore_mem>>) src(%dma_wait3A_1632 : memref<128x32xf32, #tpu.memory_space<vmem>>) dst(%dma_wait3A_1628 : memref<128x32xf32, #tpu.memory_space<hbm>>)
      %add3A_1633 = arith.constant 4 : i32
      %add3A_1634 = arith.addi %mul3A_1138, %add3A_1633 : i32
      %add3A_1635 = arith.constant 1 : i32
      %add3A_1636 = arith.addi %add3A_1634, %add3A_1635 : i32
      %mul3A_1637 = arith.constant 8 : i32
      %mul3A_1638 = arith.muli %add3A, %mul3A_1637 : i32
      %mul3A_1639 = arith.constant 8 : i32
      %mul3A_1640 = arith.muli %mul3A_1638, %mul3A_1639 : i32
      %add3A_1641 = arith.addi %mul3A_1640, %add3A_1636 : i32
      %dma_wait3A_1642 = arith.constant 5 : i32
      %dma_wait3A_1643 = arith.constant 0 : i32
      %dma_wait3A_1644 = arith.constant 0 : i32
      %dma_wait3A_1645 = tpu.memref_slice %arg16[%dma_wait3A_1642, %dma_wait3A_1643, %dma_wait3A_1644] : memref<8x128x32xf32, #tpu.memory_space<vmem>> -> memref<1x128x32xf32, #tpu.memory_space<vmem>>
      %dma_wait3A_1646 = tpu.memref_squeeze %dma_wait3A_1645 : memref<1x128x32xf32, #tpu.memory_space<vmem>> -> memref<128x32xf32, #tpu.memory_space<vmem>>
      %dma_wait3A_1647 = arith.constant 0 : i32
      %dma_wait3A_1648 = arith.constant 0 : i32
      %dma_wait3A_1649 = tpu.memref_slice %arg8[%add3A_1641, %dma_wait3A_1647, %dma_wait3A_1648] : memref<2048x128x32xf32, #tpu.memory_space<hbm>> -> memref<1x128x32xf32, #tpu.memory_space<hbm>>
      %dma_wait3A_1650 = tpu.memref_squeeze %dma_wait3A_1649 : memref<1x128x32xf32, #tpu.memory_space<hbm>> -> memref<128x32xf32, #tpu.memory_space<hbm>>
      %dma_wait3A_1651 = arith.constant 0 : i32
      %dma_wait3A_1652 = arith.constant 0 : i32
      %dma_wait3A_1653 = tpu.memref_slice %arg8[%add3A_1641, %dma_wait3A_1651, %dma_wait3A_1652] : memref<2048x128x32xf32, #tpu.memory_space<hbm>> -> memref<1x128x32xf32, #tpu.memory_space<hbm>>
      %dma_wait3A_1654 = tpu.memref_squeeze %dma_wait3A_1653 : memref<1x128x32xf32, #tpu.memory_space<hbm>> -> memref<128x32xf32, #tpu.memory_space<hbm>>
      %dma_wait3A_1655 = arith.constant 0 : i32
      %dma_wait3A_1656 = arith.constant 0 : i32
      %dma_wait3A_1657 = tpu.memref_slice %arg16[%dma_wait3A_1642, %dma_wait3A_1655, %dma_wait3A_1656] : memref<8x128x32xf32, #tpu.memory_space<vmem>> -> memref<1x128x32xf32, #tpu.memory_space<vmem>>
      %dma_wait3A_1658 = tpu.memref_squeeze %dma_wait3A_1657 : memref<1x128x32xf32, #tpu.memory_space<vmem>> -> memref<128x32xf32, #tpu.memory_space<vmem>>
      tpu.wait_dma2 semaphore(%arg23 : memref<!tpu.dma_semaphore, #tpu.memory_space<semaphore_mem>>) src(%dma_wait3A_1658 : memref<128x32xf32, #tpu.memory_space<vmem>>) dst(%dma_wait3A_1654 : memref<128x32xf32, #tpu.memory_space<hbm>>)
      %add3A_1659 = arith.constant 4 : i32
      %add3A_1660 = arith.addi %mul3A_1138, %add3A_1659 : i32
      %add3A_1661 = arith.constant 2 : i32
      %add3A_1662 = arith.addi %add3A_1660, %add3A_1661 : i32
      %mul3A_1663 = arith.constant 8 : i32
      %mul3A_1664 = arith.muli %add3A, %mul3A_1663 : i32
      %mul3A_1665 = arith.constant 8 : i32
      %mul3A_1666 = arith.muli %mul3A_1664, %mul3A_1665 : i32
      %add3A_1667 = arith.addi %mul3A_1666, %add3A_1662 : i32
      %dma_wait3A_1668 = arith.constant 6 : i32
      %dma_wait3A_1669 = arith.constant 0 : i32
      %dma_wait3A_1670 = arith.constant 0 : i32
      %dma_wait3A_1671 = tpu.memref_slice %arg16[%dma_wait3A_1668, %dma_wait3A_1669, %dma_wait3A_1670] : memref<8x128x32xf32, #tpu.memory_space<vmem>> -> memref<1x128x32xf32, #tpu.memory_space<vmem>>
      %dma_wait3A_1672 = tpu.memref_squeeze %dma_wait3A_1671 : memref<1x128x32xf32, #tpu.memory_space<vmem>> -> memref<128x32xf32, #tpu.memory_space<vmem>>
      %dma_wait3A_1673 = arith.constant 0 : i32
      %dma_wait3A_1674 = arith.constant 0 : i32
      %dma_wait3A_1675 = tpu.memref_slice %arg8[%add3A_1667, %dma_wait3A_1673, %dma_wait3A_1674] : memref<2048x128x32xf32, #tpu.memory_space<hbm>> -> memref<1x128x32xf32, #tpu.memory_space<hbm>>
      %dma_wait3A_1676 = tpu.memref_squeeze %dma_wait3A_1675 : memref<1x128x32xf32, #tpu.memory_space<hbm>> -> memref<128x32xf32, #tpu.memory_space<hbm>>
      %dma_wait3A_1677 = arith.constant 0 : i32
      %dma_wait3A_1678 = arith.constant 0 : i32
      %dma_wait3A_1679 = tpu.memref_slice %arg8[%add3A_1667, %dma_wait3A_1677, %dma_wait3A_1678] : memref<2048x128x32xf32, #tpu.memory_space<hbm>> -> memref<1x128x32xf32, #tpu.memory_space<hbm>>
      %dma_wait3A_1680 = tpu.memref_squeeze %dma_wait3A_1679 : memref<1x128x32xf32, #tpu.memory_space<hbm>> -> memref<128x32xf32, #tpu.memory_space<hbm>>
      %dma_wait3A_1681 = arith.constant 0 : i32
      %dma_wait3A_1682 = arith.constant 0 : i32
      %dma_wait3A_1683 = tpu.memref_slice %arg16[%dma_wait3A_1668, %dma_wait3A_1681, %dma_wait3A_1682] : memref<8x128x32xf32, #tpu.memory_space<vmem>> -> memref<1x128x32xf32, #tpu.memory_space<vmem>>
      %dma_wait3A_1684 = tpu.memref_squeeze %dma_wait3A_1683 : memref<1x128x32xf32, #tpu.memory_space<vmem>> -> memref<128x32xf32, #tpu.memory_space<vmem>>
      tpu.wait_dma2 semaphore(%arg23 : memref<!tpu.dma_semaphore, #tpu.memory_space<semaphore_mem>>) src(%dma_wait3A_1684 : memref<128x32xf32, #tpu.memory_space<vmem>>) dst(%dma_wait3A_1680 : memref<128x32xf32, #tpu.memory_space<hbm>>)
      %add3A_1685 = arith.constant 4 : i32
      %add3A_1686 = arith.addi %mul3A_1138, %add3A_1685 : i32
      %add3A_1687 = arith.constant 3 : i32
      %add3A_1688 = arith.addi %add3A_1686, %add3A_1687 : i32
      %mul3A_1689 = arith.constant 8 : i32
      %mul3A_1690 = arith.muli %add3A, %mul3A_1689 : i32
      %mul3A_1691 = arith.constant 8 : i32
      %mul3A_1692 = arith.muli %mul3A_1690, %mul3A_1691 : i32
      %add3A_1693 = arith.addi %mul3A_1692, %add3A_1688 : i32
      %dma_wait3A_1694 = arith.constant 7 : i32
      %dma_wait3A_1695 = arith.constant 0 : i32
      %dma_wait3A_1696 = arith.constant 0 : i32
      %dma_wait3A_1697 = tpu.memref_slice %arg16[%dma_wait3A_1694, %dma_wait3A_1695, %dma_wait3A_1696] : memref<8x128x32xf32, #tpu.memory_space<vmem>> -> memref<1x128x32xf32, #tpu.memory_space<vmem>>
      %dma_wait3A_1698 = tpu.memref_squeeze %dma_wait3A_1697 : memref<1x128x32xf32, #tpu.memory_space<vmem>> -> memref<128x32xf32, #tpu.memory_space<vmem>>
      %dma_wait3A_1699 = arith.constant 0 : i32
      %dma_wait3A_1700 = arith.constant 0 : i32
      %dma_wait3A_1701 = tpu.memref_slice %arg8[%add3A_1693, %dma_wait3A_1699, %dma_wait3A_1700] : memref<2048x128x32xf32, #tpu.memory_space<hbm>> -> memref<1x128x32xf32, #tpu.memory_space<hbm>>
      %dma_wait3A_1702 = tpu.memref_squeeze %dma_wait3A_1701 : memref<1x128x32xf32, #tpu.memory_space<hbm>> -> memref<128x32xf32, #tpu.memory_space<hbm>>
      %dma_wait3A_1703 = arith.constant 0 : i32
      %dma_wait3A_1704 = arith.constant 0 : i32
      %dma_wait3A_1705 = tpu.memref_slice %arg8[%add3A_1693, %dma_wait3A_1703, %dma_wait3A_1704] : memref<2048x128x32xf32, #tpu.memory_space<hbm>> -> memref<1x128x32xf32, #tpu.memory_space<hbm>>
      %dma_wait3A_1706 = tpu.memref_squeeze %dma_wait3A_1705 : memref<1x128x32xf32, #tpu.memory_space<hbm>> -> memref<128x32xf32, #tpu.memory_space<hbm>>
      %dma_wait3A_1707 = arith.constant 0 : i32
      %dma_wait3A_1708 = arith.constant 0 : i32
      %dma_wait3A_1709 = tpu.memref_slice %arg16[%dma_wait3A_1694, %dma_wait3A_1707, %dma_wait3A_1708] : memref<8x128x32xf32, #tpu.memory_space<vmem>> -> memref<1x128x32xf32, #tpu.memory_space<vmem>>
      %dma_wait3A_1710 = tpu.memref_squeeze %dma_wait3A_1709 : memref<1x128x32xf32, #tpu.memory_space<vmem>> -> memref<128x32xf32, #tpu.memory_space<vmem>>
      tpu.wait_dma2 semaphore(%arg23 : memref<!tpu.dma_semaphore, #tpu.memory_space<semaphore_mem>>) src(%dma_wait3A_1710 : memref<128x32xf32, #tpu.memory_space<vmem>>) dst(%dma_wait3A_1706 : memref<128x32xf32, #tpu.memory_space<hbm>>)
      %add3A_1711 = arith.constant 12 : i32
      %add3A_1712 = arith.addi %mul3A_1138, %add3A_1711 : i32
      %add3A_1713 = arith.constant 0 : i32
      %add3A_1714 = arith.addi %add3A_1712, %add3A_1713 : i32
      %dma_start3A_1715 = arith.constant 4 : i32
      %dma_start3A_1716 = arith.constant 0 : i32
      %dma_start3A_1717 = arith.constant 0 : i32
      %dma_start3A_1718 = tpu.memref_slice %arg16[%dma_start3A_1715, %dma_start3A_1716, %dma_start3A_1717] : memref<8x128x32xf32, #tpu.memory_space<vmem>> -> memref<1x128x32xf32, #tpu.memory_space<vmem>>
      %dma_start3A_1719 = tpu.memref_squeeze %dma_start3A_1718 : memref<1x128x32xf32, #tpu.memory_space<vmem>> -> memref<128x32xf32, #tpu.memory_space<vmem>>
      %dma_start3A_1720 = arith.constant 0 : i32
      %dma_start3A_1721 = tpu.memref_slice %arg12[%add3A_1714, %dma_start3A_1720] : memref<64x128xi32, #tpu.memory_space<vmem>> -> memref<1x128xi32, #tpu.memory_space<vmem>>
      %dma_start3A_1722 = tpu.memref_squeeze %dma_start3A_1721 : memref<1x128xi32, #tpu.memory_space<vmem>> -> memref<128xi32, #tpu.memory_space<vmem>>
      %dma_start3A_1723 = arith.constant 0 : i32
      %dma_start3A_1724 = arith.constant 0 : i32
      %dma_start3A_1725 = tpu.memref_slice %arg2[%dma_start3A_1723, %dma_start3A_1724] : memref<100000x32xf32, #tpu.memory_space<hbm>> -> memref<100000x32xf32, #tpu.memory_space<hbm>>
      tpu.enqueue_indirect_dma source(%dma_start3A_1725 : memref<100000x32xf32, #tpu.memory_space<hbm>>) target(%dma_start3A_1719 : memref<128x32xf32, #tpu.memory_space<vmem>>) offsets(%dma_start3A_1722 : memref<128xi32, #tpu.memory_space<vmem>>) semaphore(%arg21 : memref<!tpu.dma_semaphore, #tpu.memory_space<semaphore_mem>>)
      %add3A_1726 = arith.constant 12 : i32
      %add3A_1727 = arith.addi %mul3A_1138, %add3A_1726 : i32
      %add3A_1728 = arith.constant 1 : i32
      %add3A_1729 = arith.addi %add3A_1727, %add3A_1728 : i32
      %dma_start3A_1730 = arith.constant 5 : i32
      %dma_start3A_1731 = arith.constant 0 : i32
      %dma_start3A_1732 = arith.constant 0 : i32
      %dma_start3A_1733 = tpu.memref_slice %arg16[%dma_start3A_1730, %dma_start3A_1731, %dma_start3A_1732] : memref<8x128x32xf32, #tpu.memory_space<vmem>> -> memref<1x128x32xf32, #tpu.memory_space<vmem>>
      %dma_start3A_1734 = tpu.memref_squeeze %dma_start3A_1733 : memref<1x128x32xf32, #tpu.memory_space<vmem>> -> memref<128x32xf32, #tpu.memory_space<vmem>>
      %dma_start3A_1735 = arith.constant 0 : i32
      %dma_start3A_1736 = tpu.memref_slice %arg12[%add3A_1729, %dma_start3A_1735] : memref<64x128xi32, #tpu.memory_space<vmem>> -> memref<1x128xi32, #tpu.memory_space<vmem>>
      %dma_start3A_1737 = tpu.memref_squeeze %dma_start3A_1736 : memref<1x128xi32, #tpu.memory_space<vmem>> -> memref<128xi32, #tpu.memory_space<vmem>>
      %dma_start3A_1738 = arith.constant 0 : i32
      %dma_start3A_1739 = arith.constant 0 : i32
      %dma_start3A_1740 = tpu.memref_slice %arg2[%dma_start3A_1738, %dma_start3A_1739] : memref<100000x32xf32, #tpu.memory_space<hbm>> -> memref<100000x32xf32, #tpu.memory_space<hbm>>
      tpu.enqueue_indirect_dma source(%dma_start3A_1740 : memref<100000x32xf32, #tpu.memory_space<hbm>>) target(%dma_start3A_1734 : memref<128x32xf32, #tpu.memory_space<vmem>>) offsets(%dma_start3A_1737 : memref<128xi32, #tpu.memory_space<vmem>>) semaphore(%arg21 : memref<!tpu.dma_semaphore, #tpu.memory_space<semaphore_mem>>)
      %add3A_1741 = arith.constant 12 : i32
      %add3A_1742 = arith.addi %mul3A_1138, %add3A_1741 : i32
      %add3A_1743 = arith.constant 2 : i32
      %add3A_1744 = arith.addi %add3A_1742, %add3A_1743 : i32
      %dma_start3A_1745 = arith.constant 6 : i32
      %dma_start3A_1746 = arith.constant 0 : i32
      %dma_start3A_1747 = arith.constant 0 : i32
      %dma_start3A_1748 = tpu.memref_slice %arg16[%dma_start3A_1745, %dma_start3A_1746, %dma_start3A_1747] : memref<8x128x32xf32, #tpu.memory_space<vmem>> -> memref<1x128x32xf32, #tpu.memory_space<vmem>>
      %dma_start3A_1749 = tpu.memref_squeeze %dma_start3A_1748 : memref<1x128x32xf32, #tpu.memory_space<vmem>> -> memref<128x32xf32, #tpu.memory_space<vmem>>
      %dma_start3A_1750 = arith.constant 0 : i32
      %dma_start3A_1751 = tpu.memref_slice %arg12[%add3A_1744, %dma_start3A_1750] : memref<64x128xi32, #tpu.memory_space<vmem>> -> memref<1x128xi32, #tpu.memory_space<vmem>>
      %dma_start3A_1752 = tpu.memref_squeeze %dma_start3A_1751 : memref<1x128xi32, #tpu.memory_space<vmem>> -> memref<128xi32, #tpu.memory_space<vmem>>
      %dma_start3A_1753 = arith.constant 0 : i32
      %dma_start3A_1754 = arith.constant 0 : i32
      %dma_start3A_1755 = tpu.memref_slice %arg2[%dma_start3A_1753, %dma_start3A_1754] : memref<100000x32xf32, #tpu.memory_space<hbm>> -> memref<100000x32xf32, #tpu.memory_space<hbm>>
      tpu.enqueue_indirect_dma source(%dma_start3A_1755 : memref<100000x32xf32, #tpu.memory_space<hbm>>) target(%dma_start3A_1749 : memref<128x32xf32, #tpu.memory_space<vmem>>) offsets(%dma_start3A_1752 : memref<128xi32, #tpu.memory_space<vmem>>) semaphore(%arg21 : memref<!tpu.dma_semaphore, #tpu.memory_space<semaphore_mem>>)
      %add3A_1756 = arith.constant 12 : i32
      %add3A_1757 = arith.addi %mul3A_1138, %add3A_1756 : i32
      %add3A_1758 = arith.constant 3 : i32
      %add3A_1759 = arith.addi %add3A_1757, %add3A_1758 : i32
      %dma_start3A_1760 = arith.constant 7 : i32
      %dma_start3A_1761 = arith.constant 0 : i32
      %dma_start3A_1762 = arith.constant 0 : i32
      %dma_start3A_1763 = tpu.memref_slice %arg16[%dma_start3A_1760, %dma_start3A_1761, %dma_start3A_1762] : memref<8x128x32xf32, #tpu.memory_space<vmem>> -> memref<1x128x32xf32, #tpu.memory_space<vmem>>
      %dma_start3A_1764 = tpu.memref_squeeze %dma_start3A_1763 : memref<1x128x32xf32, #tpu.memory_space<vmem>> -> memref<128x32xf32, #tpu.memory_space<vmem>>
      %dma_start3A_1765 = arith.constant 0 : i32
      %dma_start3A_1766 = tpu.memref_slice %arg12[%add3A_1759, %dma_start3A_1765] : memref<64x128xi32, #tpu.memory_space<vmem>> -> memref<1x128xi32, #tpu.memory_space<vmem>>
      %dma_start3A_1767 = tpu.memref_squeeze %dma_start3A_1766 : memref<1x128xi32, #tpu.memory_space<vmem>> -> memref<128xi32, #tpu.memory_space<vmem>>
      %dma_start3A_1768 = arith.constant 0 : i32
      %dma_start3A_1769 = arith.constant 0 : i32
      %dma_start3A_1770 = tpu.memref_slice %arg2[%dma_start3A_1768, %dma_start3A_1769] : memref<100000x32xf32, #tpu.memory_space<hbm>> -> memref<100000x32xf32, #tpu.memory_space<hbm>>
      tpu.enqueue_indirect_dma source(%dma_start3A_1770 : memref<100000x32xf32, #tpu.memory_space<hbm>>) target(%dma_start3A_1764 : memref<128x32xf32, #tpu.memory_space<vmem>>) offsets(%dma_start3A_1767 : memref<128xi32, #tpu.memory_space<vmem>>) semaphore(%arg21 : memref<!tpu.dma_semaphore, #tpu.memory_space<semaphore_mem>>)
    }
    %scan3A_202 = arith.constant 7 : i32
    %dma_wait3A = arith.constant 56 : i32
    %dma_wait3A_203 = arith.constant 0 : i32
    %dma_wait3A_204 = arith.constant 0 : i32
    %dma_wait3A_205 = arith.constant 0 : i32
    %dma_wait3A_206 = tpu.memref_slice %arg16[%dma_wait3A_203, %dma_wait3A_204, %dma_wait3A_205] : memref<8x128x32xf32, #tpu.memory_space<vmem>> -> memref<1x128x32xf32, #tpu.memory_space<vmem>>
    %dma_wait3A_207 = tpu.memref_squeeze %dma_wait3A_206 : memref<1x128x32xf32, #tpu.memory_space<vmem>> -> memref<128x32xf32, #tpu.memory_space<vmem>>
    %dma_wait3A_208 = arith.constant 0 : i32
    %dma_wait3A_209 = tpu.memref_slice %arg12[%dma_wait3A, %dma_wait3A_208] : memref<64x128xi32, #tpu.memory_space<vmem>> -> memref<1x128xi32, #tpu.memory_space<vmem>>
    %dma_wait3A_210 = tpu.memref_squeeze %dma_wait3A_209 : memref<1x128xi32, #tpu.memory_space<vmem>> -> memref<128xi32, #tpu.memory_space<vmem>>
    %dma_wait3A_211 = arith.constant 0 : i32
    %dma_wait3A_212 = arith.constant 0 : i32
    %dma_wait3A_213 = tpu.memref_slice %arg2[%dma_wait3A_211, %dma_wait3A_212] : memref<100000x32xf32, #tpu.memory_space<hbm>> -> memref<100000x32xf32, #tpu.memory_space<hbm>>
    tpu.wait_indirect_dma semaphore(%arg20 : memref<!tpu.dma_semaphore, #tpu.memory_space<semaphore_mem>>) src(%dma_wait3A_213 : memref<100000x32xf32, #tpu.memory_space<hbm>>) dst(%dma_wait3A_207 : memref<128x32xf32, #tpu.memory_space<vmem>>)
    %dma_wait3A_214 = arith.constant 57 : i32
    %dma_wait3A_215 = arith.constant 1 : i32
    %dma_wait3A_216 = arith.constant 0 : i32
    %dma_wait3A_217 = arith.constant 0 : i32
    %dma_wait3A_218 = tpu.memref_slice %arg16[%dma_wait3A_215, %dma_wait3A_216, %dma_wait3A_217] : memref<8x128x32xf32, #tpu.memory_space<vmem>> -> memref<1x128x32xf32, #tpu.memory_space<vmem>>
    %dma_wait3A_219 = tpu.memref_squeeze %dma_wait3A_218 : memref<1x128x32xf32, #tpu.memory_space<vmem>> -> memref<128x32xf32, #tpu.memory_space<vmem>>
    %dma_wait3A_220 = arith.constant 0 : i32
    %dma_wait3A_221 = tpu.memref_slice %arg12[%dma_wait3A_214, %dma_wait3A_220] : memref<64x128xi32, #tpu.memory_space<vmem>> -> memref<1x128xi32, #tpu.memory_space<vmem>>
    %dma_wait3A_222 = tpu.memref_squeeze %dma_wait3A_221 : memref<1x128xi32, #tpu.memory_space<vmem>> -> memref<128xi32, #tpu.memory_space<vmem>>
    %dma_wait3A_223 = arith.constant 0 : i32
    %dma_wait3A_224 = arith.constant 0 : i32
    %dma_wait3A_225 = tpu.memref_slice %arg2[%dma_wait3A_223, %dma_wait3A_224] : memref<100000x32xf32, #tpu.memory_space<hbm>> -> memref<100000x32xf32, #tpu.memory_space<hbm>>
    tpu.wait_indirect_dma semaphore(%arg20 : memref<!tpu.dma_semaphore, #tpu.memory_space<semaphore_mem>>) src(%dma_wait3A_225 : memref<100000x32xf32, #tpu.memory_space<hbm>>) dst(%dma_wait3A_219 : memref<128x32xf32, #tpu.memory_space<vmem>>)
    %dma_wait3A_226 = arith.constant 58 : i32
    %dma_wait3A_227 = arith.constant 2 : i32
    %dma_wait3A_228 = arith.constant 0 : i32
    %dma_wait3A_229 = arith.constant 0 : i32
    %dma_wait3A_230 = tpu.memref_slice %arg16[%dma_wait3A_227, %dma_wait3A_228, %dma_wait3A_229] : memref<8x128x32xf32, #tpu.memory_space<vmem>> -> memref<1x128x32xf32, #tpu.memory_space<vmem>>
    %dma_wait3A_231 = tpu.memref_squeeze %dma_wait3A_230 : memref<1x128x32xf32, #tpu.memory_space<vmem>> -> memref<128x32xf32, #tpu.memory_space<vmem>>
    %dma_wait3A_232 = arith.constant 0 : i32
    %dma_wait3A_233 = tpu.memref_slice %arg12[%dma_wait3A_226, %dma_wait3A_232] : memref<64x128xi32, #tpu.memory_space<vmem>> -> memref<1x128xi32, #tpu.memory_space<vmem>>
    %dma_wait3A_234 = tpu.memref_squeeze %dma_wait3A_233 : memref<1x128xi32, #tpu.memory_space<vmem>> -> memref<128xi32, #tpu.memory_space<vmem>>
    %dma_wait3A_235 = arith.constant 0 : i32
    %dma_wait3A_236 = arith.constant 0 : i32
    %dma_wait3A_237 = tpu.memref_slice %arg2[%dma_wait3A_235, %dma_wait3A_236] : memref<100000x32xf32, #tpu.memory_space<hbm>> -> memref<100000x32xf32, #tpu.memory_space<hbm>>
    tpu.wait_indirect_dma semaphore(%arg20 : memref<!tpu.dma_semaphore, #tpu.memory_space<semaphore_mem>>) src(%dma_wait3A_237 : memref<100000x32xf32, #tpu.memory_space<hbm>>) dst(%dma_wait3A_231 : memref<128x32xf32, #tpu.memory_space<vmem>>)
    %dma_wait3A_238 = arith.constant 59 : i32
    %dma_wait3A_239 = arith.constant 3 : i32
    %dma_wait3A_240 = arith.constant 0 : i32
    %dma_wait3A_241 = arith.constant 0 : i32
    %dma_wait3A_242 = tpu.memref_slice %arg16[%dma_wait3A_239, %dma_wait3A_240, %dma_wait3A_241] : memref<8x128x32xf32, #tpu.memory_space<vmem>> -> memref<1x128x32xf32, #tpu.memory_space<vmem>>
    %dma_wait3A_243 = tpu.memref_squeeze %dma_wait3A_242 : memref<1x128x32xf32, #tpu.memory_space<vmem>> -> memref<128x32xf32, #tpu.memory_space<vmem>>
    %dma_wait3A_244 = arith.constant 0 : i32
    %dma_wait3A_245 = tpu.memref_slice %arg12[%dma_wait3A_238, %dma_wait3A_244] : memref<64x128xi32, #tpu.memory_space<vmem>> -> memref<1x128xi32, #tpu.memory_space<vmem>>
    %dma_wait3A_246 = tpu.memref_squeeze %dma_wait3A_245 : memref<1x128xi32, #tpu.memory_space<vmem>> -> memref<128xi32, #tpu.memory_space<vmem>>
    %dma_wait3A_247 = arith.constant 0 : i32
    %dma_wait3A_248 = arith.constant 0 : i32
    %dma_wait3A_249 = tpu.memref_slice %arg2[%dma_wait3A_247, %dma_wait3A_248] : memref<100000x32xf32, #tpu.memory_space<hbm>> -> memref<100000x32xf32, #tpu.memory_space<hbm>>
    tpu.wait_indirect_dma semaphore(%arg20 : memref<!tpu.dma_semaphore, #tpu.memory_space<semaphore_mem>>) src(%dma_wait3A_249 : memref<100000x32xf32, #tpu.memory_space<hbm>>) dst(%dma_wait3A_243 : memref<128x32xf32, #tpu.memory_space<vmem>>)
    %mul3A_250 = arith.constant 8 : i32
    %mul3A_251 = arith.muli %add3A, %mul3A_250 : i32
    %mul3A_252 = arith.constant 8 : i32
    %mul3A_253 = arith.muli %mul3A_251, %mul3A_252 : i32
    %add3A_254 = arith.constant 56 : i32
    %add3A_255 = arith.addi %mul3A_253, %add3A_254 : i32
    %dma_start3A_256 = arith.constant 0 : i32
    %dma_start3A_257 = arith.constant 0 : i32
    %dma_start3A_258 = arith.constant 0 : i32
    %dma_start3A_259 = tpu.memref_slice %arg16[%dma_start3A_256, %dma_start3A_257, %dma_start3A_258] : memref<8x128x32xf32, #tpu.memory_space<vmem>> -> memref<1x128x32xf32, #tpu.memory_space<vmem>>
    %dma_start3A_260 = tpu.memref_squeeze %dma_start3A_259 : memref<1x128x32xf32, #tpu.memory_space<vmem>> -> memref<128x32xf32, #tpu.memory_space<vmem>>
    %dma_start3A_261 = arith.constant 0 : i32
    %dma_start3A_262 = arith.constant 0 : i32
    %dma_start3A_263 = tpu.memref_slice %arg8[%add3A_255, %dma_start3A_261, %dma_start3A_262] : memref<2048x128x32xf32, #tpu.memory_space<hbm>> -> memref<1x128x32xf32, #tpu.memory_space<hbm>>
    %dma_start3A_264 = tpu.memref_squeeze %dma_start3A_263 : memref<1x128x32xf32, #tpu.memory_space<hbm>> -> memref<128x32xf32, #tpu.memory_space<hbm>>
    %dma_start3A_265 = arith.constant 0 : i32
    %dma_start3A_266 = arith.constant 0 : i32
    %dma_start3A_267 = tpu.memref_slice %arg8[%add3A_255, %dma_start3A_265, %dma_start3A_266] : memref<2048x128x32xf32, #tpu.memory_space<hbm>> -> memref<1x128x32xf32, #tpu.memory_space<hbm>>
    %dma_start3A_268 = tpu.memref_squeeze %dma_start3A_267 : memref<1x128x32xf32, #tpu.memory_space<hbm>> -> memref<128x32xf32, #tpu.memory_space<hbm>>
    %dma_start3A_269 = arith.constant 0 : i32
    %dma_start3A_270 = arith.constant 0 : i32
    %dma_start3A_271 = tpu.memref_slice %arg16[%dma_start3A_256, %dma_start3A_269, %dma_start3A_270] : memref<8x128x32xf32, #tpu.memory_space<vmem>> -> memref<1x128x32xf32, #tpu.memory_space<vmem>>
    %dma_start3A_272 = tpu.memref_squeeze %dma_start3A_271 : memref<1x128x32xf32, #tpu.memory_space<vmem>> -> memref<128x32xf32, #tpu.memory_space<vmem>>
    tpu.enqueue_dma source(%dma_start3A_272 : memref<128x32xf32, #tpu.memory_space<vmem>>) target(%dma_start3A_268 : memref<128x32xf32, #tpu.memory_space<hbm>>) target_semaphore(%arg22 : memref<!tpu.dma_semaphore, #tpu.memory_space<semaphore_mem>>)
    %mul3A_273 = arith.constant 8 : i32
    %mul3A_274 = arith.muli %add3A, %mul3A_273 : i32
    %mul3A_275 = arith.constant 8 : i32
    %mul3A_276 = arith.muli %mul3A_274, %mul3A_275 : i32
    %add3A_277 = arith.constant 57 : i32
    %add3A_278 = arith.addi %mul3A_276, %add3A_277 : i32
    %dma_start3A_279 = arith.constant 1 : i32
    %dma_start3A_280 = arith.constant 0 : i32
    %dma_start3A_281 = arith.constant 0 : i32
    %dma_start3A_282 = tpu.memref_slice %arg16[%dma_start3A_279, %dma_start3A_280, %dma_start3A_281] : memref<8x128x32xf32, #tpu.memory_space<vmem>> -> memref<1x128x32xf32, #tpu.memory_space<vmem>>
    %dma_start3A_283 = tpu.memref_squeeze %dma_start3A_282 : memref<1x128x32xf32, #tpu.memory_space<vmem>> -> memref<128x32xf32, #tpu.memory_space<vmem>>
    %dma_start3A_284 = arith.constant 0 : i32
    %dma_start3A_285 = arith.constant 0 : i32
    %dma_start3A_286 = tpu.memref_slice %arg8[%add3A_278, %dma_start3A_284, %dma_start3A_285] : memref<2048x128x32xf32, #tpu.memory_space<hbm>> -> memref<1x128x32xf32, #tpu.memory_space<hbm>>
    %dma_start3A_287 = tpu.memref_squeeze %dma_start3A_286 : memref<1x128x32xf32, #tpu.memory_space<hbm>> -> memref<128x32xf32, #tpu.memory_space<hbm>>
    %dma_start3A_288 = arith.constant 0 : i32
    %dma_start3A_289 = arith.constant 0 : i32
    %dma_start3A_290 = tpu.memref_slice %arg8[%add3A_278, %dma_start3A_288, %dma_start3A_289] : memref<2048x128x32xf32, #tpu.memory_space<hbm>> -> memref<1x128x32xf32, #tpu.memory_space<hbm>>
    %dma_start3A_291 = tpu.memref_squeeze %dma_start3A_290 : memref<1x128x32xf32, #tpu.memory_space<hbm>> -> memref<128x32xf32, #tpu.memory_space<hbm>>
    %dma_start3A_292 = arith.constant 0 : i32
    %dma_start3A_293 = arith.constant 0 : i32
    %dma_start3A_294 = tpu.memref_slice %arg16[%dma_start3A_279, %dma_start3A_292, %dma_start3A_293] : memref<8x128x32xf32, #tpu.memory_space<vmem>> -> memref<1x128x32xf32, #tpu.memory_space<vmem>>
    %dma_start3A_295 = tpu.memref_squeeze %dma_start3A_294 : memref<1x128x32xf32, #tpu.memory_space<vmem>> -> memref<128x32xf32, #tpu.memory_space<vmem>>
    tpu.enqueue_dma source(%dma_start3A_295 : memref<128x32xf32, #tpu.memory_space<vmem>>) target(%dma_start3A_291 : memref<128x32xf32, #tpu.memory_space<hbm>>) target_semaphore(%arg22 : memref<!tpu.dma_semaphore, #tpu.memory_space<semaphore_mem>>)
    %mul3A_296 = arith.constant 8 : i32
    %mul3A_297 = arith.muli %add3A, %mul3A_296 : i32
    %mul3A_298 = arith.constant 8 : i32
    %mul3A_299 = arith.muli %mul3A_297, %mul3A_298 : i32
    %add3A_300 = arith.constant 58 : i32
    %add3A_301 = arith.addi %mul3A_299, %add3A_300 : i32
    %dma_start3A_302 = arith.constant 2 : i32
    %dma_start3A_303 = arith.constant 0 : i32
    %dma_start3A_304 = arith.constant 0 : i32
    %dma_start3A_305 = tpu.memref_slice %arg16[%dma_start3A_302, %dma_start3A_303, %dma_start3A_304] : memref<8x128x32xf32, #tpu.memory_space<vmem>> -> memref<1x128x32xf32, #tpu.memory_space<vmem>>
    %dma_start3A_306 = tpu.memref_squeeze %dma_start3A_305 : memref<1x128x32xf32, #tpu.memory_space<vmem>> -> memref<128x32xf32, #tpu.memory_space<vmem>>
    %dma_start3A_307 = arith.constant 0 : i32
    %dma_start3A_308 = arith.constant 0 : i32
    %dma_start3A_309 = tpu.memref_slice %arg8[%add3A_301, %dma_start3A_307, %dma_start3A_308] : memref<2048x128x32xf32, #tpu.memory_space<hbm>> -> memref<1x128x32xf32, #tpu.memory_space<hbm>>
    %dma_start3A_310 = tpu.memref_squeeze %dma_start3A_309 : memref<1x128x32xf32, #tpu.memory_space<hbm>> -> memref<128x32xf32, #tpu.memory_space<hbm>>
    %dma_start3A_311 = arith.constant 0 : i32
    %dma_start3A_312 = arith.constant 0 : i32
    %dma_start3A_313 = tpu.memref_slice %arg8[%add3A_301, %dma_start3A_311, %dma_start3A_312] : memref<2048x128x32xf32, #tpu.memory_space<hbm>> -> memref<1x128x32xf32, #tpu.memory_space<hbm>>
    %dma_start3A_314 = tpu.memref_squeeze %dma_start3A_313 : memref<1x128x32xf32, #tpu.memory_space<hbm>> -> memref<128x32xf32, #tpu.memory_space<hbm>>
    %dma_start3A_315 = arith.constant 0 : i32
    %dma_start3A_316 = arith.constant 0 : i32
    %dma_start3A_317 = tpu.memref_slice %arg16[%dma_start3A_302, %dma_start3A_315, %dma_start3A_316] : memref<8x128x32xf32, #tpu.memory_space<vmem>> -> memref<1x128x32xf32, #tpu.memory_space<vmem>>
    %dma_start3A_318 = tpu.memref_squeeze %dma_start3A_317 : memref<1x128x32xf32, #tpu.memory_space<vmem>> -> memref<128x32xf32, #tpu.memory_space<vmem>>
    tpu.enqueue_dma source(%dma_start3A_318 : memref<128x32xf32, #tpu.memory_space<vmem>>) target(%dma_start3A_314 : memref<128x32xf32, #tpu.memory_space<hbm>>) target_semaphore(%arg22 : memref<!tpu.dma_semaphore, #tpu.memory_space<semaphore_mem>>)
    %mul3A_319 = arith.constant 8 : i32
    %mul3A_320 = arith.muli %add3A, %mul3A_319 : i32
    %mul3A_321 = arith.constant 8 : i32
    %mul3A_322 = arith.muli %mul3A_320, %mul3A_321 : i32
    %add3A_323 = arith.constant 59 : i32
    %add3A_324 = arith.addi %mul3A_322, %add3A_323 : i32
    %dma_start3A_325 = arith.constant 3 : i32
    %dma_start3A_326 = arith.constant 0 : i32
    %dma_start3A_327 = arith.constant 0 : i32
    %dma_start3A_328 = tpu.memref_slice %arg16[%dma_start3A_325, %dma_start3A_326, %dma_start3A_327] : memref<8x128x32xf32, #tpu.memory_space<vmem>> -> memref<1x128x32xf32, #tpu.memory_space<vmem>>
    %dma_start3A_329 = tpu.memref_squeeze %dma_start3A_328 : memref<1x128x32xf32, #tpu.memory_space<vmem>> -> memref<128x32xf32, #tpu.memory_space<vmem>>
    %dma_start3A_330 = arith.constant 0 : i32
    %dma_start3A_331 = arith.constant 0 : i32
    %dma_start3A_332 = tpu.memref_slice %arg8[%add3A_324, %dma_start3A_330, %dma_start3A_331] : memref<2048x128x32xf32, #tpu.memory_space<hbm>> -> memref<1x128x32xf32, #tpu.memory_space<hbm>>
    %dma_start3A_333 = tpu.memref_squeeze %dma_start3A_332 : memref<1x128x32xf32, #tpu.memory_space<hbm>> -> memref<128x32xf32, #tpu.memory_space<hbm>>
    %dma_start3A_334 = arith.constant 0 : i32
    %dma_start3A_335 = arith.constant 0 : i32
    %dma_start3A_336 = tpu.memref_slice %arg8[%add3A_324, %dma_start3A_334, %dma_start3A_335] : memref<2048x128x32xf32, #tpu.memory_space<hbm>> -> memref<1x128x32xf32, #tpu.memory_space<hbm>>
    %dma_start3A_337 = tpu.memref_squeeze %dma_start3A_336 : memref<1x128x32xf32, #tpu.memory_space<hbm>> -> memref<128x32xf32, #tpu.memory_space<hbm>>
    %dma_start3A_338 = arith.constant 0 : i32
    %dma_start3A_339 = arith.constant 0 : i32
    %dma_start3A_340 = tpu.memref_slice %arg16[%dma_start3A_325, %dma_start3A_338, %dma_start3A_339] : memref<8x128x32xf32, #tpu.memory_space<vmem>> -> memref<1x128x32xf32, #tpu.memory_space<vmem>>
    %dma_start3A_341 = tpu.memref_squeeze %dma_start3A_340 : memref<1x128x32xf32, #tpu.memory_space<vmem>> -> memref<128x32xf32, #tpu.memory_space<vmem>>
    tpu.enqueue_dma source(%dma_start3A_341 : memref<128x32xf32, #tpu.memory_space<vmem>>) target(%dma_start3A_337 : memref<128x32xf32, #tpu.memory_space<hbm>>) target_semaphore(%arg22 : memref<!tpu.dma_semaphore, #tpu.memory_space<semaphore_mem>>)
    %dma_wait3A_342 = arith.constant 60 : i32
    %dma_wait3A_343 = arith.constant 4 : i32
    %dma_wait3A_344 = arith.constant 0 : i32
    %dma_wait3A_345 = arith.constant 0 : i32
    %dma_wait3A_346 = tpu.memref_slice %arg16[%dma_wait3A_343, %dma_wait3A_344, %dma_wait3A_345] : memref<8x128x32xf32, #tpu.memory_space<vmem>> -> memref<1x128x32xf32, #tpu.memory_space<vmem>>
    %dma_wait3A_347 = tpu.memref_squeeze %dma_wait3A_346 : memref<1x128x32xf32, #tpu.memory_space<vmem>> -> memref<128x32xf32, #tpu.memory_space<vmem>>
    %dma_wait3A_348 = arith.constant 0 : i32
    %dma_wait3A_349 = tpu.memref_slice %arg12[%dma_wait3A_342, %dma_wait3A_348] : memref<64x128xi32, #tpu.memory_space<vmem>> -> memref<1x128xi32, #tpu.memory_space<vmem>>
    %dma_wait3A_350 = tpu.memref_squeeze %dma_wait3A_349 : memref<1x128xi32, #tpu.memory_space<vmem>> -> memref<128xi32, #tpu.memory_space<vmem>>
    %dma_wait3A_351 = arith.constant 0 : i32
    %dma_wait3A_352 = arith.constant 0 : i32
    %dma_wait3A_353 = tpu.memref_slice %arg2[%dma_wait3A_351, %dma_wait3A_352] : memref<100000x32xf32, #tpu.memory_space<hbm>> -> memref<100000x32xf32, #tpu.memory_space<hbm>>
    tpu.wait_indirect_dma semaphore(%arg21 : memref<!tpu.dma_semaphore, #tpu.memory_space<semaphore_mem>>) src(%dma_wait3A_353 : memref<100000x32xf32, #tpu.memory_space<hbm>>) dst(%dma_wait3A_347 : memref<128x32xf32, #tpu.memory_space<vmem>>)
    %dma_wait3A_354 = arith.constant 61 : i32
    %dma_wait3A_355 = arith.constant 5 : i32
    %dma_wait3A_356 = arith.constant 0 : i32
    %dma_wait3A_357 = arith.constant 0 : i32
    %dma_wait3A_358 = tpu.memref_slice %arg16[%dma_wait3A_355, %dma_wait3A_356, %dma_wait3A_357] : memref<8x128x32xf32, #tpu.memory_space<vmem>> -> memref<1x128x32xf32, #tpu.memory_space<vmem>>
    %dma_wait3A_359 = tpu.memref_squeeze %dma_wait3A_358 : memref<1x128x32xf32, #tpu.memory_space<vmem>> -> memref<128x32xf32, #tpu.memory_space<vmem>>
    %dma_wait3A_360 = arith.constant 0 : i32
    %dma_wait3A_361 = tpu.memref_slice %arg12[%dma_wait3A_354, %dma_wait3A_360] : memref<64x128xi32, #tpu.memory_space<vmem>> -> memref<1x128xi32, #tpu.memory_space<vmem>>
    %dma_wait3A_362 = tpu.memref_squeeze %dma_wait3A_361 : memref<1x128xi32, #tpu.memory_space<vmem>> -> memref<128xi32, #tpu.memory_space<vmem>>
    %dma_wait3A_363 = arith.constant 0 : i32
    %dma_wait3A_364 = arith.constant 0 : i32
    %dma_wait3A_365 = tpu.memref_slice %arg2[%dma_wait3A_363, %dma_wait3A_364] : memref<100000x32xf32, #tpu.memory_space<hbm>> -> memref<100000x32xf32, #tpu.memory_space<hbm>>
    tpu.wait_indirect_dma semaphore(%arg21 : memref<!tpu.dma_semaphore, #tpu.memory_space<semaphore_mem>>) src(%dma_wait3A_365 : memref<100000x32xf32, #tpu.memory_space<hbm>>) dst(%dma_wait3A_359 : memref<128x32xf32, #tpu.memory_space<vmem>>)
    %dma_wait3A_366 = arith.constant 62 : i32
    %dma_wait3A_367 = arith.constant 6 : i32
    %dma_wait3A_368 = arith.constant 0 : i32
    %dma_wait3A_369 = arith.constant 0 : i32
    %dma_wait3A_370 = tpu.memref_slice %arg16[%dma_wait3A_367, %dma_wait3A_368, %dma_wait3A_369] : memref<8x128x32xf32, #tpu.memory_space<vmem>> -> memref<1x128x32xf32, #tpu.memory_space<vmem>>
    %dma_wait3A_371 = tpu.memref_squeeze %dma_wait3A_370 : memref<1x128x32xf32, #tpu.memory_space<vmem>> -> memref<128x32xf32, #tpu.memory_space<vmem>>
    %dma_wait3A_372 = arith.constant 0 : i32
    %dma_wait3A_373 = tpu.memref_slice %arg12[%dma_wait3A_366, %dma_wait3A_372] : memref<64x128xi32, #tpu.memory_space<vmem>> -> memref<1x128xi32, #tpu.memory_space<vmem>>
    %dma_wait3A_374 = tpu.memref_squeeze %dma_wait3A_373 : memref<1x128xi32, #tpu.memory_space<vmem>> -> memref<128xi32, #tpu.memory_space<vmem>>
    %dma_wait3A_375 = arith.constant 0 : i32
    %dma_wait3A_376 = arith.constant 0 : i32
    %dma_wait3A_377 = tpu.memref_slice %arg2[%dma_wait3A_375, %dma_wait3A_376] : memref<100000x32xf32, #tpu.memory_space<hbm>> -> memref<100000x32xf32, #tpu.memory_space<hbm>>
    tpu.wait_indirect_dma semaphore(%arg21 : memref<!tpu.dma_semaphore, #tpu.memory_space<semaphore_mem>>) src(%dma_wait3A_377 : memref<100000x32xf32, #tpu.memory_space<hbm>>) dst(%dma_wait3A_371 : memref<128x32xf32, #tpu.memory_space<vmem>>)
    %dma_wait3A_378 = arith.constant 63 : i32
    %dma_wait3A_379 = arith.constant 7 : i32
    %dma_wait3A_380 = arith.constant 0 : i32
    %dma_wait3A_381 = arith.constant 0 : i32
    %dma_wait3A_382 = tpu.memref_slice %arg16[%dma_wait3A_379, %dma_wait3A_380, %dma_wait3A_381] : memref<8x128x32xf32, #tpu.memory_space<vmem>> -> memref<1x128x32xf32, #tpu.memory_space<vmem>>
    %dma_wait3A_383 = tpu.memref_squeeze %dma_wait3A_382 : memref<1x128x32xf32, #tpu.memory_space<vmem>> -> memref<128x32xf32, #tpu.memory_space<vmem>>
    %dma_wait3A_384 = arith.constant 0 : i32
    %dma_wait3A_385 = tpu.memref_slice %arg12[%dma_wait3A_378, %dma_wait3A_384] : memref<64x128xi32, #tpu.memory_space<vmem>> -> memref<1x128xi32, #tpu.memory_space<vmem>>
    %dma_wait3A_386 = tpu.memref_squeeze %dma_wait3A_385 : memref<1x128xi32, #tpu.memory_space<vmem>> -> memref<128xi32, #tpu.memory_space<vmem>>
    %dma_wait3A_387 = arith.constant 0 : i32
    %dma_wait3A_388 = arith.constant 0 : i32
    %dma_wait3A_389 = tpu.memref_slice %arg2[%dma_wait3A_387, %dma_wait3A_388] : memref<100000x32xf32, #tpu.memory_space<hbm>> -> memref<100000x32xf32, #tpu.memory_space<hbm>>
    tpu.wait_indirect_dma semaphore(%arg21 : memref<!tpu.dma_semaphore, #tpu.memory_space<semaphore_mem>>) src(%dma_wait3A_389 : memref<100000x32xf32, #tpu.memory_space<hbm>>) dst(%dma_wait3A_383 : memref<128x32xf32, #tpu.memory_space<vmem>>)
    %mul3A_390 = arith.constant 8 : i32
    %mul3A_391 = arith.muli %add3A, %mul3A_390 : i32
    %mul3A_392 = arith.constant 8 : i32
    %mul3A_393 = arith.muli %mul3A_391, %mul3A_392 : i32
    %add3A_394 = arith.constant 60 : i32
    %add3A_395 = arith.addi %mul3A_393, %add3A_394 : i32
    %dma_start3A_396 = arith.constant 4 : i32
    %dma_start3A_397 = arith.constant 0 : i32
    %dma_start3A_398 = arith.constant 0 : i32
    %dma_start3A_399 = tpu.memref_slice %arg16[%dma_start3A_396, %dma_start3A_397, %dma_start3A_398] : memref<8x128x32xf32, #tpu.memory_space<vmem>> -> memref<1x128x32xf32, #tpu.memory_space<vmem>>
    %dma_start3A_400 = tpu.memref_squeeze %dma_start3A_399 : memref<1x128x32xf32, #tpu.memory_space<vmem>> -> memref<128x32xf32, #tpu.memory_space<vmem>>
    %dma_start3A_401 = arith.constant 0 : i32
    %dma_start3A_402 = arith.constant 0 : i32
    %dma_start3A_403 = tpu.memref_slice %arg8[%add3A_395, %dma_start3A_401, %dma_start3A_402] : memref<2048x128x32xf32, #tpu.memory_space<hbm>> -> memref<1x128x32xf32, #tpu.memory_space<hbm>>
    %dma_start3A_404 = tpu.memref_squeeze %dma_start3A_403 : memref<1x128x32xf32, #tpu.memory_space<hbm>> -> memref<128x32xf32, #tpu.memory_space<hbm>>
    %dma_start3A_405 = arith.constant 0 : i32
    %dma_start3A_406 = arith.constant 0 : i32
    %dma_start3A_407 = tpu.memref_slice %arg8[%add3A_395, %dma_start3A_405, %dma_start3A_406] : memref<2048x128x32xf32, #tpu.memory_space<hbm>> -> memref<1x128x32xf32, #tpu.memory_space<hbm>>
    %dma_start3A_408 = tpu.memref_squeeze %dma_start3A_407 : memref<1x128x32xf32, #tpu.memory_space<hbm>> -> memref<128x32xf32, #tpu.memory_space<hbm>>
    %dma_start3A_409 = arith.constant 0 : i32
    %dma_start3A_410 = arith.constant 0 : i32
    %dma_start3A_411 = tpu.memref_slice %arg16[%dma_start3A_396, %dma_start3A_409, %dma_start3A_410] : memref<8x128x32xf32, #tpu.memory_space<vmem>> -> memref<1x128x32xf32, #tpu.memory_space<vmem>>
    %dma_start3A_412 = tpu.memref_squeeze %dma_start3A_411 : memref<1x128x32xf32, #tpu.memory_space<vmem>> -> memref<128x32xf32, #tpu.memory_space<vmem>>
    tpu.enqueue_dma source(%dma_start3A_412 : memref<128x32xf32, #tpu.memory_space<vmem>>) target(%dma_start3A_408 : memref<128x32xf32, #tpu.memory_space<hbm>>) target_semaphore(%arg23 : memref<!tpu.dma_semaphore, #tpu.memory_space<semaphore_mem>>)
    %mul3A_413 = arith.constant 8 : i32
    %mul3A_414 = arith.muli %add3A, %mul3A_413 : i32
    %mul3A_415 = arith.constant 8 : i32
    %mul3A_416 = arith.muli %mul3A_414, %mul3A_415 : i32
    %add3A_417 = arith.constant 61 : i32
    %add3A_418 = arith.addi %mul3A_416, %add3A_417 : i32
    %dma_start3A_419 = arith.constant 5 : i32
    %dma_start3A_420 = arith.constant 0 : i32
    %dma_start3A_421 = arith.constant 0 : i32
    %dma_start3A_422 = tpu.memref_slice %arg16[%dma_start3A_419, %dma_start3A_420, %dma_start3A_421] : memref<8x128x32xf32, #tpu.memory_space<vmem>> -> memref<1x128x32xf32, #tpu.memory_space<vmem>>
    %dma_start3A_423 = tpu.memref_squeeze %dma_start3A_422 : memref<1x128x32xf32, #tpu.memory_space<vmem>> -> memref<128x32xf32, #tpu.memory_space<vmem>>
    %dma_start3A_424 = arith.constant 0 : i32
    %dma_start3A_425 = arith.constant 0 : i32
    %dma_start3A_426 = tpu.memref_slice %arg8[%add3A_418, %dma_start3A_424, %dma_start3A_425] : memref<2048x128x32xf32, #tpu.memory_space<hbm>> -> memref<1x128x32xf32, #tpu.memory_space<hbm>>
    %dma_start3A_427 = tpu.memref_squeeze %dma_start3A_426 : memref<1x128x32xf32, #tpu.memory_space<hbm>> -> memref<128x32xf32, #tpu.memory_space<hbm>>
    %dma_start3A_428 = arith.constant 0 : i32
    %dma_start3A_429 = arith.constant 0 : i32
    %dma_start3A_430 = tpu.memref_slice %arg8[%add3A_418, %dma_start3A_428, %dma_start3A_429] : memref<2048x128x32xf32, #tpu.memory_space<hbm>> -> memref<1x128x32xf32, #tpu.memory_space<hbm>>
    %dma_start3A_431 = tpu.memref_squeeze %dma_start3A_430 : memref<1x128x32xf32, #tpu.memory_space<hbm>> -> memref<128x32xf32, #tpu.memory_space<hbm>>
    %dma_start3A_432 = arith.constant 0 : i32
    %dma_start3A_433 = arith.constant 0 : i32
    %dma_start3A_434 = tpu.memref_slice %arg16[%dma_start3A_419, %dma_start3A_432, %dma_start3A_433] : memref<8x128x32xf32, #tpu.memory_space<vmem>> -> memref<1x128x32xf32, #tpu.memory_space<vmem>>
    %dma_start3A_435 = tpu.memref_squeeze %dma_start3A_434 : memref<1x128x32xf32, #tpu.memory_space<vmem>> -> memref<128x32xf32, #tpu.memory_space<vmem>>
    tpu.enqueue_dma source(%dma_start3A_435 : memref<128x32xf32, #tpu.memory_space<vmem>>) target(%dma_start3A_431 : memref<128x32xf32, #tpu.memory_space<hbm>>) target_semaphore(%arg23 : memref<!tpu.dma_semaphore, #tpu.memory_space<semaphore_mem>>)
    %mul3A_436 = arith.constant 8 : i32
    %mul3A_437 = arith.muli %add3A, %mul3A_436 : i32
    %mul3A_438 = arith.constant 8 : i32
    %mul3A_439 = arith.muli %mul3A_437, %mul3A_438 : i32
    %add3A_440 = arith.constant 62 : i32
    %add3A_441 = arith.addi %mul3A_439, %add3A_440 : i32
    %dma_start3A_442 = arith.constant 6 : i32
    %dma_start3A_443 = arith.constant 0 : i32
    %dma_start3A_444 = arith.constant 0 : i32
    %dma_start3A_445 = tpu.memref_slice %arg16[%dma_start3A_442, %dma_start3A_443, %dma_start3A_444] : memref<8x128x32xf32, #tpu.memory_space<vmem>> -> memref<1x128x32xf32, #tpu.memory_space<vmem>>
    %dma_start3A_446 = tpu.memref_squeeze %dma_start3A_445 : memref<1x128x32xf32, #tpu.memory_space<vmem>> -> memref<128x32xf32, #tpu.memory_space<vmem>>
    %dma_start3A_447 = arith.constant 0 : i32
    %dma_start3A_448 = arith.constant 0 : i32
    %dma_start3A_449 = tpu.memref_slice %arg8[%add3A_441, %dma_start3A_447, %dma_start3A_448] : memref<2048x128x32xf32, #tpu.memory_space<hbm>> -> memref<1x128x32xf32, #tpu.memory_space<hbm>>
    %dma_start3A_450 = tpu.memref_squeeze %dma_start3A_449 : memref<1x128x32xf32, #tpu.memory_space<hbm>> -> memref<128x32xf32, #tpu.memory_space<hbm>>
    %dma_start3A_451 = arith.constant 0 : i32
    %dma_start3A_452 = arith.constant 0 : i32
    %dma_start3A_453 = tpu.memref_slice %arg8[%add3A_441, %dma_start3A_451, %dma_start3A_452] : memref<2048x128x32xf32, #tpu.memory_space<hbm>> -> memref<1x128x32xf32, #tpu.memory_space<hbm>>
    %dma_start3A_454 = tpu.memref_squeeze %dma_start3A_453 : memref<1x128x32xf32, #tpu.memory_space<hbm>> -> memref<128x32xf32, #tpu.memory_space<hbm>>
    %dma_start3A_455 = arith.constant 0 : i32
    %dma_start3A_456 = arith.constant 0 : i32
    %dma_start3A_457 = tpu.memref_slice %arg16[%dma_start3A_442, %dma_start3A_455, %dma_start3A_456] : memref<8x128x32xf32, #tpu.memory_space<vmem>> -> memref<1x128x32xf32, #tpu.memory_space<vmem>>
    %dma_start3A_458 = tpu.memref_squeeze %dma_start3A_457 : memref<1x128x32xf32, #tpu.memory_space<vmem>> -> memref<128x32xf32, #tpu.memory_space<vmem>>
    tpu.enqueue_dma source(%dma_start3A_458 : memref<128x32xf32, #tpu.memory_space<vmem>>) target(%dma_start3A_454 : memref<128x32xf32, #tpu.memory_space<hbm>>) target_semaphore(%arg23 : memref<!tpu.dma_semaphore, #tpu.memory_space<semaphore_mem>>)
    %mul3A_459 = arith.constant 8 : i32
    %mul3A_460 = arith.muli %add3A, %mul3A_459 : i32
    %mul3A_461 = arith.constant 8 : i32
    %mul3A_462 = arith.muli %mul3A_460, %mul3A_461 : i32
    %add3A_463 = arith.constant 63 : i32
    %add3A_464 = arith.addi %mul3A_462, %add3A_463 : i32
    %dma_start3A_465 = arith.constant 7 : i32
    %dma_start3A_466 = arith.constant 0 : i32
    %dma_start3A_467 = arith.constant 0 : i32
    %dma_start3A_468 = tpu.memref_slice %arg16[%dma_start3A_465, %dma_start3A_466, %dma_start3A_467] : memref<8x128x32xf32, #tpu.memory_space<vmem>> -> memref<1x128x32xf32, #tpu.memory_space<vmem>>
    %dma_start3A_469 = tpu.memref_squeeze %dma_start3A_468 : memref<1x128x32xf32, #tpu.memory_space<vmem>> -> memref<128x32xf32, #tpu.memory_space<vmem>>
    %dma_start3A_470 = arith.constant 0 : i32
    %dma_start3A_471 = arith.constant 0 : i32
    %dma_start3A_472 = tpu.memref_slice %arg8[%add3A_464, %dma_start3A_470, %dma_start3A_471] : memref<2048x128x32xf32, #tpu.memory_space<hbm>> -> memref<1x128x32xf32, #tpu.memory_space<hbm>>
    %dma_start3A_473 = tpu.memref_squeeze %dma_start3A_472 : memref<1x128x32xf32, #tpu.memory_space<hbm>> -> memref<128x32xf32, #tpu.memory_space<hbm>>
    %dma_start3A_474 = arith.constant 0 : i32
    %dma_start3A_475 = arith.constant 0 : i32
    %dma_start3A_476 = tpu.memref_slice %arg8[%add3A_464, %dma_start3A_474, %dma_start3A_475] : memref<2048x128x32xf32, #tpu.memory_space<hbm>> -> memref<1x128x32xf32, #tpu.memory_space<hbm>>
    %dma_start3A_477 = tpu.memref_squeeze %dma_start3A_476 : memref<1x128x32xf32, #tpu.memory_space<hbm>> -> memref<128x32xf32, #tpu.memory_space<hbm>>
    %dma_start3A_478 = arith.constant 0 : i32
    %dma_start3A_479 = arith.constant 0 : i32
    %dma_start3A_480 = tpu.memref_slice %arg16[%dma_start3A_465, %dma_start3A_478, %dma_start3A_479] : memref<8x128x32xf32, #tpu.memory_space<vmem>> -> memref<1x128x32xf32, #tpu.memory_space<vmem>>
    %dma_start3A_481 = tpu.memref_squeeze %dma_start3A_480 : memref<1x128x32xf32, #tpu.memory_space<vmem>> -> memref<128x32xf32, #tpu.memory_space<vmem>>
    tpu.enqueue_dma source(%dma_start3A_481 : memref<128x32xf32, #tpu.memory_space<vmem>>) target(%dma_start3A_477 : memref<128x32xf32, #tpu.memory_space<hbm>>) target_semaphore(%arg23 : memref<!tpu.dma_semaphore, #tpu.memory_space<semaphore_mem>>)
    %mul3A_482 = arith.constant 8 : i32
    %mul3A_483 = arith.muli %add3A, %mul3A_482 : i32
    %mul3A_484 = arith.constant 8 : i32
    %mul3A_485 = arith.muli %mul3A_483, %mul3A_484 : i32
    %add3A_486 = arith.constant 56 : i32
    %add3A_487 = arith.addi %mul3A_485, %add3A_486 : i32
    %dma_wait3A_488 = arith.constant 0 : i32
    %dma_wait3A_489 = arith.constant 0 : i32
    %dma_wait3A_490 = arith.constant 0 : i32
    %dma_wait3A_491 = tpu.memref_slice %arg16[%dma_wait3A_488, %dma_wait3A_489, %dma_wait3A_490] : memref<8x128x32xf32, #tpu.memory_space<vmem>> -> memref<1x128x32xf32, #tpu.memory_space<vmem>>
    %dma_wait3A_492 = tpu.memref_squeeze %dma_wait3A_491 : memref<1x128x32xf32, #tpu.memory_space<vmem>> -> memref<128x32xf32, #tpu.memory_space<vmem>>
    %dma_wait3A_493 = arith.constant 0 : i32
    %dma_wait3A_494 = arith.constant 0 : i32
    %dma_wait3A_495 = tpu.memref_slice %arg8[%add3A_487, %dma_wait3A_493, %dma_wait3A_494] : memref<2048x128x32xf32, #tpu.memory_space<hbm>> -> memref<1x128x32xf32, #tpu.memory_space<hbm>>
    %dma_wait3A_496 = tpu.memref_squeeze %dma_wait3A_495 : memref<1x128x32xf32, #tpu.memory_space<hbm>> -> memref<128x32xf32, #tpu.memory_space<hbm>>
    %dma_wait3A_497 = arith.constant 0 : i32
    %dma_wait3A_498 = arith.constant 0 : i32
    %dma_wait3A_499 = tpu.memref_slice %arg8[%add3A_487, %dma_wait3A_497, %dma_wait3A_498] : memref<2048x128x32xf32, #tpu.memory_space<hbm>> -> memref<1x128x32xf32, #tpu.memory_space<hbm>>
    %dma_wait3A_500 = tpu.memref_squeeze %dma_wait3A_499 : memref<1x128x32xf32, #tpu.memory_space<hbm>> -> memref<128x32xf32, #tpu.memory_space<hbm>>
    %dma_wait3A_501 = arith.constant 0 : i32
    %dma_wait3A_502 = arith.constant 0 : i32
    %dma_wait3A_503 = tpu.memref_slice %arg16[%dma_wait3A_488, %dma_wait3A_501, %dma_wait3A_502] : memref<8x128x32xf32, #tpu.memory_space<vmem>> -> memref<1x128x32xf32, #tpu.memory_space<vmem>>
    %dma_wait3A_504 = tpu.memref_squeeze %dma_wait3A_503 : memref<1x128x32xf32, #tpu.memory_space<vmem>> -> memref<128x32xf32, #tpu.memory_space<vmem>>
    tpu.wait_dma2 semaphore(%arg22 : memref<!tpu.dma_semaphore, #tpu.memory_space<semaphore_mem>>) src(%dma_wait3A_504 : memref<128x32xf32, #tpu.memory_space<vmem>>) dst(%dma_wait3A_500 : memref<128x32xf32, #tpu.memory_space<hbm>>)
    %mul3A_505 = arith.constant 8 : i32
    %mul3A_506 = arith.muli %add3A, %mul3A_505 : i32
    %mul3A_507 = arith.constant 8 : i32
    %mul3A_508 = arith.muli %mul3A_506, %mul3A_507 : i32
    %add3A_509 = arith.constant 57 : i32
    %add3A_510 = arith.addi %mul3A_508, %add3A_509 : i32
    %dma_wait3A_511 = arith.constant 1 : i32
    %dma_wait3A_512 = arith.constant 0 : i32
    %dma_wait3A_513 = arith.constant 0 : i32
    %dma_wait3A_514 = tpu.memref_slice %arg16[%dma_wait3A_511, %dma_wait3A_512, %dma_wait3A_513] : memref<8x128x32xf32, #tpu.memory_space<vmem>> -> memref<1x128x32xf32, #tpu.memory_space<vmem>>
    %dma_wait3A_515 = tpu.memref_squeeze %dma_wait3A_514 : memref<1x128x32xf32, #tpu.memory_space<vmem>> -> memref<128x32xf32, #tpu.memory_space<vmem>>
    %dma_wait3A_516 = arith.constant 0 : i32
    %dma_wait3A_517 = arith.constant 0 : i32
    %dma_wait3A_518 = tpu.memref_slice %arg8[%add3A_510, %dma_wait3A_516, %dma_wait3A_517] : memref<2048x128x32xf32, #tpu.memory_space<hbm>> -> memref<1x128x32xf32, #tpu.memory_space<hbm>>
    %dma_wait3A_519 = tpu.memref_squeeze %dma_wait3A_518 : memref<1x128x32xf32, #tpu.memory_space<hbm>> -> memref<128x32xf32, #tpu.memory_space<hbm>>
    %dma_wait3A_520 = arith.constant 0 : i32
    %dma_wait3A_521 = arith.constant 0 : i32
    %dma_wait3A_522 = tpu.memref_slice %arg8[%add3A_510, %dma_wait3A_520, %dma_wait3A_521] : memref<2048x128x32xf32, #tpu.memory_space<hbm>> -> memref<1x128x32xf32, #tpu.memory_space<hbm>>
    %dma_wait3A_523 = tpu.memref_squeeze %dma_wait3A_522 : memref<1x128x32xf32, #tpu.memory_space<hbm>> -> memref<128x32xf32, #tpu.memory_space<hbm>>
    %dma_wait3A_524 = arith.constant 0 : i32
    %dma_wait3A_525 = arith.constant 0 : i32
    %dma_wait3A_526 = tpu.memref_slice %arg16[%dma_wait3A_511, %dma_wait3A_524, %dma_wait3A_525] : memref<8x128x32xf32, #tpu.memory_space<vmem>> -> memref<1x128x32xf32, #tpu.memory_space<vmem>>
    %dma_wait3A_527 = tpu.memref_squeeze %dma_wait3A_526 : memref<1x128x32xf32, #tpu.memory_space<vmem>> -> memref<128x32xf32, #tpu.memory_space<vmem>>
    tpu.wait_dma2 semaphore(%arg22 : memref<!tpu.dma_semaphore, #tpu.memory_space<semaphore_mem>>) src(%dma_wait3A_527 : memref<128x32xf32, #tpu.memory_space<vmem>>) dst(%dma_wait3A_523 : memref<128x32xf32, #tpu.memory_space<hbm>>)
    %mul3A_528 = arith.constant 8 : i32
    %mul3A_529 = arith.muli %add3A, %mul3A_528 : i32
    %mul3A_530 = arith.constant 8 : i32
    %mul3A_531 = arith.muli %mul3A_529, %mul3A_530 : i32
    %add3A_532 = arith.constant 58 : i32
    %add3A_533 = arith.addi %mul3A_531, %add3A_532 : i32
    %dma_wait3A_534 = arith.constant 2 : i32
    %dma_wait3A_535 = arith.constant 0 : i32
    %dma_wait3A_536 = arith.constant 0 : i32
    %dma_wait3A_537 = tpu.memref_slice %arg16[%dma_wait3A_534, %dma_wait3A_535, %dma_wait3A_536] : memref<8x128x32xf32, #tpu.memory_space<vmem>> -> memref<1x128x32xf32, #tpu.memory_space<vmem>>
    %dma_wait3A_538 = tpu.memref_squeeze %dma_wait3A_537 : memref<1x128x32xf32, #tpu.memory_space<vmem>> -> memref<128x32xf32, #tpu.memory_space<vmem>>
    %dma_wait3A_539 = arith.constant 0 : i32
    %dma_wait3A_540 = arith.constant 0 : i32
    %dma_wait3A_541 = tpu.memref_slice %arg8[%add3A_533, %dma_wait3A_539, %dma_wait3A_540] : memref<2048x128x32xf32, #tpu.memory_space<hbm>> -> memref<1x128x32xf32, #tpu.memory_space<hbm>>
    %dma_wait3A_542 = tpu.memref_squeeze %dma_wait3A_541 : memref<1x128x32xf32, #tpu.memory_space<hbm>> -> memref<128x32xf32, #tpu.memory_space<hbm>>
    %dma_wait3A_543 = arith.constant 0 : i32
    %dma_wait3A_544 = arith.constant 0 : i32
    %dma_wait3A_545 = tpu.memref_slice %arg8[%add3A_533, %dma_wait3A_543, %dma_wait3A_544] : memref<2048x128x32xf32, #tpu.memory_space<hbm>> -> memref<1x128x32xf32, #tpu.memory_space<hbm>>
    %dma_wait3A_546 = tpu.memref_squeeze %dma_wait3A_545 : memref<1x128x32xf32, #tpu.memory_space<hbm>> -> memref<128x32xf32, #tpu.memory_space<hbm>>
    %dma_wait3A_547 = arith.constant 0 : i32
    %dma_wait3A_548 = arith.constant 0 : i32
    %dma_wait3A_549 = tpu.memref_slice %arg16[%dma_wait3A_534, %dma_wait3A_547, %dma_wait3A_548] : memref<8x128x32xf32, #tpu.memory_space<vmem>> -> memref<1x128x32xf32, #tpu.memory_space<vmem>>
    %dma_wait3A_550 = tpu.memref_squeeze %dma_wait3A_549 : memref<1x128x32xf32, #tpu.memory_space<vmem>> -> memref<128x32xf32, #tpu.memory_space<vmem>>
    tpu.wait_dma2 semaphore(%arg22 : memref<!tpu.dma_semaphore, #tpu.memory_space<semaphore_mem>>) src(%dma_wait3A_550 : memref<128x32xf32, #tpu.memory_space<vmem>>) dst(%dma_wait3A_546 : memref<128x32xf32, #tpu.memory_space<hbm>>)
    %mul3A_551 = arith.constant 8 : i32
    %mul3A_552 = arith.muli %add3A, %mul3A_551 : i32
    %mul3A_553 = arith.constant 8 : i32
    %mul3A_554 = arith.muli %mul3A_552, %mul3A_553 : i32
    %add3A_555 = arith.constant 59 : i32
    %add3A_556 = arith.addi %mul3A_554, %add3A_555 : i32
    %dma_wait3A_557 = arith.constant 3 : i32
    %dma_wait3A_558 = arith.constant 0 : i32
    %dma_wait3A_559 = arith.constant 0 : i32
    %dma_wait3A_560 = tpu.memref_slice %arg16[%dma_wait3A_557, %dma_wait3A_558, %dma_wait3A_559] : memref<8x128x32xf32, #tpu.memory_space<vmem>> -> memref<1x128x32xf32, #tpu.memory_space<vmem>>
    %dma_wait3A_561 = tpu.memref_squeeze %dma_wait3A_560 : memref<1x128x32xf32, #tpu.memory_space<vmem>> -> memref<128x32xf32, #tpu.memory_space<vmem>>
    %dma_wait3A_562 = arith.constant 0 : i32
    %dma_wait3A_563 = arith.constant 0 : i32
    %dma_wait3A_564 = tpu.memref_slice %arg8[%add3A_556, %dma_wait3A_562, %dma_wait3A_563] : memref<2048x128x32xf32, #tpu.memory_space<hbm>> -> memref<1x128x32xf32, #tpu.memory_space<hbm>>
    %dma_wait3A_565 = tpu.memref_squeeze %dma_wait3A_564 : memref<1x128x32xf32, #tpu.memory_space<hbm>> -> memref<128x32xf32, #tpu.memory_space<hbm>>
    %dma_wait3A_566 = arith.constant 0 : i32
    %dma_wait3A_567 = arith.constant 0 : i32
    %dma_wait3A_568 = tpu.memref_slice %arg8[%add3A_556, %dma_wait3A_566, %dma_wait3A_567] : memref<2048x128x32xf32, #tpu.memory_space<hbm>> -> memref<1x128x32xf32, #tpu.memory_space<hbm>>
    %dma_wait3A_569 = tpu.memref_squeeze %dma_wait3A_568 : memref<1x128x32xf32, #tpu.memory_space<hbm>> -> memref<128x32xf32, #tpu.memory_space<hbm>>
    %dma_wait3A_570 = arith.constant 0 : i32
    %dma_wait3A_571 = arith.constant 0 : i32
    %dma_wait3A_572 = tpu.memref_slice %arg16[%dma_wait3A_557, %dma_wait3A_570, %dma_wait3A_571] : memref<8x128x32xf32, #tpu.memory_space<vmem>> -> memref<1x128x32xf32, #tpu.memory_space<vmem>>
    %dma_wait3A_573 = tpu.memref_squeeze %dma_wait3A_572 : memref<1x128x32xf32, #tpu.memory_space<vmem>> -> memref<128x32xf32, #tpu.memory_space<vmem>>
    tpu.wait_dma2 semaphore(%arg22 : memref<!tpu.dma_semaphore, #tpu.memory_space<semaphore_mem>>) src(%dma_wait3A_573 : memref<128x32xf32, #tpu.memory_space<vmem>>) dst(%dma_wait3A_569 : memref<128x32xf32, #tpu.memory_space<hbm>>)
    %mul3A_574 = arith.constant 8 : i32
    %mul3A_575 = arith.muli %add3A, %mul3A_574 : i32
    %mul3A_576 = arith.constant 8 : i32
    %mul3A_577 = arith.muli %mul3A_575, %mul3A_576 : i32
    %add3A_578 = arith.constant 60 : i32
    %add3A_579 = arith.addi %mul3A_577, %add3A_578 : i32
    %dma_wait3A_580 = arith.constant 4 : i32
    %dma_wait3A_581 = arith.constant 0 : i32
    %dma_wait3A_582 = arith.constant 0 : i32
    %dma_wait3A_583 = tpu.memref_slice %arg16[%dma_wait3A_580, %dma_wait3A_581, %dma_wait3A_582] : memref<8x128x32xf32, #tpu.memory_space<vmem>> -> memref<1x128x32xf32, #tpu.memory_space<vmem>>
    %dma_wait3A_584 = tpu.memref_squeeze %dma_wait3A_583 : memref<1x128x32xf32, #tpu.memory_space<vmem>> -> memref<128x32xf32, #tpu.memory_space<vmem>>
    %dma_wait3A_585 = arith.constant 0 : i32
    %dma_wait3A_586 = arith.constant 0 : i32
    %dma_wait3A_587 = tpu.memref_slice %arg8[%add3A_579, %dma_wait3A_585, %dma_wait3A_586] : memref<2048x128x32xf32, #tpu.memory_space<hbm>> -> memref<1x128x32xf32, #tpu.memory_space<hbm>>
    %dma_wait3A_588 = tpu.memref_squeeze %dma_wait3A_587 : memref<1x128x32xf32, #tpu.memory_space<hbm>> -> memref<128x32xf32, #tpu.memory_space<hbm>>
    %dma_wait3A_589 = arith.constant 0 : i32
    %dma_wait3A_590 = arith.constant 0 : i32
    %dma_wait3A_591 = tpu.memref_slice %arg8[%add3A_579, %dma_wait3A_589, %dma_wait3A_590] : memref<2048x128x32xf32, #tpu.memory_space<hbm>> -> memref<1x128x32xf32, #tpu.memory_space<hbm>>
    %dma_wait3A_592 = tpu.memref_squeeze %dma_wait3A_591 : memref<1x128x32xf32, #tpu.memory_space<hbm>> -> memref<128x32xf32, #tpu.memory_space<hbm>>
    %dma_wait3A_593 = arith.constant 0 : i32
    %dma_wait3A_594 = arith.constant 0 : i32
    %dma_wait3A_595 = tpu.memref_slice %arg16[%dma_wait3A_580, %dma_wait3A_593, %dma_wait3A_594] : memref<8x128x32xf32, #tpu.memory_space<vmem>> -> memref<1x128x32xf32, #tpu.memory_space<vmem>>
    %dma_wait3A_596 = tpu.memref_squeeze %dma_wait3A_595 : memref<1x128x32xf32, #tpu.memory_space<vmem>> -> memref<128x32xf32, #tpu.memory_space<vmem>>
    tpu.wait_dma2 semaphore(%arg23 : memref<!tpu.dma_semaphore, #tpu.memory_space<semaphore_mem>>) src(%dma_wait3A_596 : memref<128x32xf32, #tpu.memory_space<vmem>>) dst(%dma_wait3A_592 : memref<128x32xf32, #tpu.memory_space<hbm>>)
    %mul3A_597 = arith.constant 8 : i32
    %mul3A_598 = arith.muli %add3A, %mul3A_597 : i32
    %mul3A_599 = arith.constant 8 : i32
    %mul3A_600 = arith.muli %mul3A_598, %mul3A_599 : i32
    %add3A_601 = arith.constant 61 : i32
    %add3A_602 = arith.addi %mul3A_600, %add3A_601 : i32
    %dma_wait3A_603 = arith.constant 5 : i32
    %dma_wait3A_604 = arith.constant 0 : i32
    %dma_wait3A_605 = arith.constant 0 : i32
    %dma_wait3A_606 = tpu.memref_slice %arg16[%dma_wait3A_603, %dma_wait3A_604, %dma_wait3A_605] : memref<8x128x32xf32, #tpu.memory_space<vmem>> -> memref<1x128x32xf32, #tpu.memory_space<vmem>>
    %dma_wait3A_607 = tpu.memref_squeeze %dma_wait3A_606 : memref<1x128x32xf32, #tpu.memory_space<vmem>> -> memref<128x32xf32, #tpu.memory_space<vmem>>
    %dma_wait3A_608 = arith.constant 0 : i32
    %dma_wait3A_609 = arith.constant 0 : i32
    %dma_wait3A_610 = tpu.memref_slice %arg8[%add3A_602, %dma_wait3A_608, %dma_wait3A_609] : memref<2048x128x32xf32, #tpu.memory_space<hbm>> -> memref<1x128x32xf32, #tpu.memory_space<hbm>>
    %dma_wait3A_611 = tpu.memref_squeeze %dma_wait3A_610 : memref<1x128x32xf32, #tpu.memory_space<hbm>> -> memref<128x32xf32, #tpu.memory_space<hbm>>
    %dma_wait3A_612 = arith.constant 0 : i32
    %dma_wait3A_613 = arith.constant 0 : i32
    %dma_wait3A_614 = tpu.memref_slice %arg8[%add3A_602, %dma_wait3A_612, %dma_wait3A_613] : memref<2048x128x32xf32, #tpu.memory_space<hbm>> -> memref<1x128x32xf32, #tpu.memory_space<hbm>>
    %dma_wait3A_615 = tpu.memref_squeeze %dma_wait3A_614 : memref<1x128x32xf32, #tpu.memory_space<hbm>> -> memref<128x32xf32, #tpu.memory_space<hbm>>
    %dma_wait3A_616 = arith.constant 0 : i32
    %dma_wait3A_617 = arith.constant 0 : i32
    %dma_wait3A_618 = tpu.memref_slice %arg16[%dma_wait3A_603, %dma_wait3A_616, %dma_wait3A_617] : memref<8x128x32xf32, #tpu.memory_space<vmem>> -> memref<1x128x32xf32, #tpu.memory_space<vmem>>
    %dma_wait3A_619 = tpu.memref_squeeze %dma_wait3A_618 : memref<1x128x32xf32, #tpu.memory_space<vmem>> -> memref<128x32xf32, #tpu.memory_space<vmem>>
    tpu.wait_dma2 semaphore(%arg23 : memref<!tpu.dma_semaphore, #tpu.memory_space<semaphore_mem>>) src(%dma_wait3A_619 : memref<128x32xf32, #tpu.memory_space<vmem>>) dst(%dma_wait3A_615 : memref<128x32xf32, #tpu.memory_space<hbm>>)
    %mul3A_620 = arith.constant 8 : i32
    %mul3A_621 = arith.muli %add3A, %mul3A_620 : i32
    %mul3A_622 = arith.constant 8 : i32
    %mul3A_623 = arith.muli %mul3A_621, %mul3A_622 : i32
    %add3A_624 = arith.constant 62 : i32
    %add3A_625 = arith.addi %mul3A_623, %add3A_624 : i32
    %dma_wait3A_626 = arith.constant 6 : i32
    %dma_wait3A_627 = arith.constant 0 : i32
    %dma_wait3A_628 = arith.constant 0 : i32
    %dma_wait3A_629 = tpu.memref_slice %arg16[%dma_wait3A_626, %dma_wait3A_627, %dma_wait3A_628] : memref<8x128x32xf32, #tpu.memory_space<vmem>> -> memref<1x128x32xf32, #tpu.memory_space<vmem>>
    %dma_wait3A_630 = tpu.memref_squeeze %dma_wait3A_629 : memref<1x128x32xf32, #tpu.memory_space<vmem>> -> memref<128x32xf32, #tpu.memory_space<vmem>>
    %dma_wait3A_631 = arith.constant 0 : i32
    %dma_wait3A_632 = arith.constant 0 : i32
    %dma_wait3A_633 = tpu.memref_slice %arg8[%add3A_625, %dma_wait3A_631, %dma_wait3A_632] : memref<2048x128x32xf32, #tpu.memory_space<hbm>> -> memref<1x128x32xf32, #tpu.memory_space<hbm>>
    %dma_wait3A_634 = tpu.memref_squeeze %dma_wait3A_633 : memref<1x128x32xf32, #tpu.memory_space<hbm>> -> memref<128x32xf32, #tpu.memory_space<hbm>>
    %dma_wait3A_635 = arith.constant 0 : i32
    %dma_wait3A_636 = arith.constant 0 : i32
    %dma_wait3A_637 = tpu.memref_slice %arg8[%add3A_625, %dma_wait3A_635, %dma_wait3A_636] : memref<2048x128x32xf32, #tpu.memory_space<hbm>> -> memref<1x128x32xf32, #tpu.memory_space<hbm>>
    %dma_wait3A_638 = tpu.memref_squeeze %dma_wait3A_637 : memref<1x128x32xf32, #tpu.memory_space<hbm>> -> memref<128x32xf32, #tpu.memory_space<hbm>>
    %dma_wait3A_639 = arith.constant 0 : i32
    %dma_wait3A_640 = arith.constant 0 : i32
    %dma_wait3A_641 = tpu.memref_slice %arg16[%dma_wait3A_626, %dma_wait3A_639, %dma_wait3A_640] : memref<8x128x32xf32, #tpu.memory_space<vmem>> -> memref<1x128x32xf32, #tpu.memory_space<vmem>>
    %dma_wait3A_642 = tpu.memref_squeeze %dma_wait3A_641 : memref<1x128x32xf32, #tpu.memory_space<vmem>> -> memref<128x32xf32, #tpu.memory_space<vmem>>
    tpu.wait_dma2 semaphore(%arg23 : memref<!tpu.dma_semaphore, #tpu.memory_space<semaphore_mem>>) src(%dma_wait3A_642 : memref<128x32xf32, #tpu.memory_space<vmem>>) dst(%dma_wait3A_638 : memref<128x32xf32, #tpu.memory_space<hbm>>)
    %mul3A_643 = arith.constant 8 : i32
    %mul3A_644 = arith.muli %add3A, %mul3A_643 : i32
    %mul3A_645 = arith.constant 8 : i32
    %mul3A_646 = arith.muli %mul3A_644, %mul3A_645 : i32
    %add3A_647 = arith.constant 63 : i32
    %add3A_648 = arith.addi %mul3A_646, %add3A_647 : i32
    %dma_wait3A_649 = arith.constant 7 : i32
    %dma_wait3A_650 = arith.constant 0 : i32
    %dma_wait3A_651 = arith.constant 0 : i32
    %dma_wait3A_652 = tpu.memref_slice %arg16[%dma_wait3A_649, %dma_wait3A_650, %dma_wait3A_651] : memref<8x128x32xf32, #tpu.memory_space<vmem>> -> memref<1x128x32xf32, #tpu.memory_space<vmem>>
    %dma_wait3A_653 = tpu.memref_squeeze %dma_wait3A_652 : memref<1x128x32xf32, #tpu.memory_space<vmem>> -> memref<128x32xf32, #tpu.memory_space<vmem>>
    %dma_wait3A_654 = arith.constant 0 : i32
    %dma_wait3A_655 = arith.constant 0 : i32
    %dma_wait3A_656 = tpu.memref_slice %arg8[%add3A_648, %dma_wait3A_654, %dma_wait3A_655] : memref<2048x128x32xf32, #tpu.memory_space<hbm>> -> memref<1x128x32xf32, #tpu.memory_space<hbm>>
    %dma_wait3A_657 = tpu.memref_squeeze %dma_wait3A_656 : memref<1x128x32xf32, #tpu.memory_space<hbm>> -> memref<128x32xf32, #tpu.memory_space<hbm>>
    %dma_wait3A_658 = arith.constant 0 : i32
    %dma_wait3A_659 = arith.constant 0 : i32
    %dma_wait3A_660 = tpu.memref_slice %arg8[%add3A_648, %dma_wait3A_658, %dma_wait3A_659] : memref<2048x128x32xf32, #tpu.memory_space<hbm>> -> memref<1x128x32xf32, #tpu.memory_space<hbm>>
    %dma_wait3A_661 = tpu.memref_squeeze %dma_wait3A_660 : memref<1x128x32xf32, #tpu.memory_space<hbm>> -> memref<128x32xf32, #tpu.memory_space<hbm>>
    %dma_wait3A_662 = arith.constant 0 : i32
    %dma_wait3A_663 = arith.constant 0 : i32
    %dma_wait3A_664 = tpu.memref_slice %arg16[%dma_wait3A_649, %dma_wait3A_662, %dma_wait3A_663] : memref<8x128x32xf32, #tpu.memory_space<vmem>> -> memref<1x128x32xf32, #tpu.memory_space<vmem>>
    %dma_wait3A_665 = tpu.memref_squeeze %dma_wait3A_664 : memref<1x128x32xf32, #tpu.memory_space<vmem>> -> memref<128x32xf32, #tpu.memory_space<vmem>>
    tpu.wait_dma2 semaphore(%arg23 : memref<!tpu.dma_semaphore, #tpu.memory_space<semaphore_mem>>) src(%dma_wait3A_665 : memref<128x32xf32, #tpu.memory_space<vmem>>) dst(%dma_wait3A_661 : memref<128x32xf32, #tpu.memory_space<hbm>>)
    %dma_wait3A_666 = arith.constant 0 : i32
    %dma_wait3A_667 = arith.constant 0 : i32
    %dma_wait3A_668 = arith.constant 0 : i32
    %dma_wait3A_669 = arith.constant 0 : i32
    %dma_wait3A_670 = tpu.memref_slice %arg17[%dma_wait3A_667, %dma_wait3A_668, %dma_wait3A_669] : memref<8x128x32xf32, #tpu.memory_space<vmem>> -> memref<1x128x32xf32, #tpu.memory_space<vmem>>
    %dma_wait3A_671 = tpu.memref_squeeze %dma_wait3A_670 : memref<1x128x32xf32, #tpu.memory_space<vmem>> -> memref<128x32xf32, #tpu.memory_space<vmem>>
    %dma_wait3A_672 = arith.constant 0 : i32
    %dma_wait3A_673 = tpu.memref_slice %arg13[%dma_wait3A_666, %dma_wait3A_672] : memref<8x128xi32, #tpu.memory_space<vmem>> -> memref<1x128xi32, #tpu.memory_space<vmem>>
    %dma_wait3A_674 = tpu.memref_squeeze %dma_wait3A_673 : memref<1x128xi32, #tpu.memory_space<vmem>> -> memref<128xi32, #tpu.memory_space<vmem>>
    %dma_wait3A_675 = arith.constant 0 : i32
    %dma_wait3A_676 = arith.constant 0 : i32
    %dma_wait3A_677 = tpu.memref_slice %arg2[%dma_wait3A_675, %dma_wait3A_676] : memref<100000x32xf32, #tpu.memory_space<hbm>> -> memref<100000x32xf32, #tpu.memory_space<hbm>>
    tpu.wait_indirect_dma semaphore(%arg24 : memref<!tpu.dma_semaphore, #tpu.memory_space<semaphore_mem>>) src(%dma_wait3A_677 : memref<100000x32xf32, #tpu.memory_space<hbm>>) dst(%dma_wait3A_671 : memref<128x32xf32, #tpu.memory_space<vmem>>)
    %dma_wait3A_678 = arith.constant 1 : i32
    %dma_wait3A_679 = arith.constant 1 : i32
    %dma_wait3A_680 = arith.constant 0 : i32
    %dma_wait3A_681 = arith.constant 0 : i32
    %dma_wait3A_682 = tpu.memref_slice %arg17[%dma_wait3A_679, %dma_wait3A_680, %dma_wait3A_681] : memref<8x128x32xf32, #tpu.memory_space<vmem>> -> memref<1x128x32xf32, #tpu.memory_space<vmem>>
    %dma_wait3A_683 = tpu.memref_squeeze %dma_wait3A_682 : memref<1x128x32xf32, #tpu.memory_space<vmem>> -> memref<128x32xf32, #tpu.memory_space<vmem>>
    %dma_wait3A_684 = arith.constant 0 : i32
    %dma_wait3A_685 = tpu.memref_slice %arg13[%dma_wait3A_678, %dma_wait3A_684] : memref<8x128xi32, #tpu.memory_space<vmem>> -> memref<1x128xi32, #tpu.memory_space<vmem>>
    %dma_wait3A_686 = tpu.memref_squeeze %dma_wait3A_685 : memref<1x128xi32, #tpu.memory_space<vmem>> -> memref<128xi32, #tpu.memory_space<vmem>>
    %dma_wait3A_687 = arith.constant 0 : i32
    %dma_wait3A_688 = arith.constant 0 : i32
    %dma_wait3A_689 = tpu.memref_slice %arg2[%dma_wait3A_687, %dma_wait3A_688] : memref<100000x32xf32, #tpu.memory_space<hbm>> -> memref<100000x32xf32, #tpu.memory_space<hbm>>
    tpu.wait_indirect_dma semaphore(%arg24 : memref<!tpu.dma_semaphore, #tpu.memory_space<semaphore_mem>>) src(%dma_wait3A_689 : memref<100000x32xf32, #tpu.memory_space<hbm>>) dst(%dma_wait3A_683 : memref<128x32xf32, #tpu.memory_space<vmem>>)
    %dma_wait3A_690 = arith.constant 2 : i32
    %dma_wait3A_691 = arith.constant 2 : i32
    %dma_wait3A_692 = arith.constant 0 : i32
    %dma_wait3A_693 = arith.constant 0 : i32
    %dma_wait3A_694 = tpu.memref_slice %arg17[%dma_wait3A_691, %dma_wait3A_692, %dma_wait3A_693] : memref<8x128x32xf32, #tpu.memory_space<vmem>> -> memref<1x128x32xf32, #tpu.memory_space<vmem>>
    %dma_wait3A_695 = tpu.memref_squeeze %dma_wait3A_694 : memref<1x128x32xf32, #tpu.memory_space<vmem>> -> memref<128x32xf32, #tpu.memory_space<vmem>>
    %dma_wait3A_696 = arith.constant 0 : i32
    %dma_wait3A_697 = tpu.memref_slice %arg13[%dma_wait3A_690, %dma_wait3A_696] : memref<8x128xi32, #tpu.memory_space<vmem>> -> memref<1x128xi32, #tpu.memory_space<vmem>>
    %dma_wait3A_698 = tpu.memref_squeeze %dma_wait3A_697 : memref<1x128xi32, #tpu.memory_space<vmem>> -> memref<128xi32, #tpu.memory_space<vmem>>
    %dma_wait3A_699 = arith.constant 0 : i32
    %dma_wait3A_700 = arith.constant 0 : i32
    %dma_wait3A_701 = tpu.memref_slice %arg2[%dma_wait3A_699, %dma_wait3A_700] : memref<100000x32xf32, #tpu.memory_space<hbm>> -> memref<100000x32xf32, #tpu.memory_space<hbm>>
    tpu.wait_indirect_dma semaphore(%arg24 : memref<!tpu.dma_semaphore, #tpu.memory_space<semaphore_mem>>) src(%dma_wait3A_701 : memref<100000x32xf32, #tpu.memory_space<hbm>>) dst(%dma_wait3A_695 : memref<128x32xf32, #tpu.memory_space<vmem>>)
    %dma_wait3A_702 = arith.constant 3 : i32
    %dma_wait3A_703 = arith.constant 3 : i32
    %dma_wait3A_704 = arith.constant 0 : i32
    %dma_wait3A_705 = arith.constant 0 : i32
    %dma_wait3A_706 = tpu.memref_slice %arg17[%dma_wait3A_703, %dma_wait3A_704, %dma_wait3A_705] : memref<8x128x32xf32, #tpu.memory_space<vmem>> -> memref<1x128x32xf32, #tpu.memory_space<vmem>>
    %dma_wait3A_707 = tpu.memref_squeeze %dma_wait3A_706 : memref<1x128x32xf32, #tpu.memory_space<vmem>> -> memref<128x32xf32, #tpu.memory_space<vmem>>
    %dma_wait3A_708 = arith.constant 0 : i32
    %dma_wait3A_709 = tpu.memref_slice %arg13[%dma_wait3A_702, %dma_wait3A_708] : memref<8x128xi32, #tpu.memory_space<vmem>> -> memref<1x128xi32, #tpu.memory_space<vmem>>
    %dma_wait3A_710 = tpu.memref_squeeze %dma_wait3A_709 : memref<1x128xi32, #tpu.memory_space<vmem>> -> memref<128xi32, #tpu.memory_space<vmem>>
    %dma_wait3A_711 = arith.constant 0 : i32
    %dma_wait3A_712 = arith.constant 0 : i32
    %dma_wait3A_713 = tpu.memref_slice %arg2[%dma_wait3A_711, %dma_wait3A_712] : memref<100000x32xf32, #tpu.memory_space<hbm>> -> memref<100000x32xf32, #tpu.memory_space<hbm>>
    tpu.wait_indirect_dma semaphore(%arg24 : memref<!tpu.dma_semaphore, #tpu.memory_space<semaphore_mem>>) src(%dma_wait3A_713 : memref<100000x32xf32, #tpu.memory_space<hbm>>) dst(%dma_wait3A_707 : memref<128x32xf32, #tpu.memory_space<vmem>>)
    %dma_wait3A_714 = arith.constant 4 : i32
    %dma_wait3A_715 = arith.constant 4 : i32
    %dma_wait3A_716 = arith.constant 0 : i32
    %dma_wait3A_717 = arith.constant 0 : i32
    %dma_wait3A_718 = tpu.memref_slice %arg17[%dma_wait3A_715, %dma_wait3A_716, %dma_wait3A_717] : memref<8x128x32xf32, #tpu.memory_space<vmem>> -> memref<1x128x32xf32, #tpu.memory_space<vmem>>
    %dma_wait3A_719 = tpu.memref_squeeze %dma_wait3A_718 : memref<1x128x32xf32, #tpu.memory_space<vmem>> -> memref<128x32xf32, #tpu.memory_space<vmem>>
    %dma_wait3A_720 = arith.constant 0 : i32
    %dma_wait3A_721 = tpu.memref_slice %arg13[%dma_wait3A_714, %dma_wait3A_720] : memref<8x128xi32, #tpu.memory_space<vmem>> -> memref<1x128xi32, #tpu.memory_space<vmem>>
    %dma_wait3A_722 = tpu.memref_squeeze %dma_wait3A_721 : memref<1x128xi32, #tpu.memory_space<vmem>> -> memref<128xi32, #tpu.memory_space<vmem>>
    %dma_wait3A_723 = arith.constant 0 : i32
    %dma_wait3A_724 = arith.constant 0 : i32
    %dma_wait3A_725 = tpu.memref_slice %arg2[%dma_wait3A_723, %dma_wait3A_724] : memref<100000x32xf32, #tpu.memory_space<hbm>> -> memref<100000x32xf32, #tpu.memory_space<hbm>>
    tpu.wait_indirect_dma semaphore(%arg24 : memref<!tpu.dma_semaphore, #tpu.memory_space<semaphore_mem>>) src(%dma_wait3A_725 : memref<100000x32xf32, #tpu.memory_space<hbm>>) dst(%dma_wait3A_719 : memref<128x32xf32, #tpu.memory_space<vmem>>)
    %dma_wait3A_726 = arith.constant 5 : i32
    %dma_wait3A_727 = arith.constant 5 : i32
    %dma_wait3A_728 = arith.constant 0 : i32
    %dma_wait3A_729 = arith.constant 0 : i32
    %dma_wait3A_730 = tpu.memref_slice %arg17[%dma_wait3A_727, %dma_wait3A_728, %dma_wait3A_729] : memref<8x128x32xf32, #tpu.memory_space<vmem>> -> memref<1x128x32xf32, #tpu.memory_space<vmem>>
    %dma_wait3A_731 = tpu.memref_squeeze %dma_wait3A_730 : memref<1x128x32xf32, #tpu.memory_space<vmem>> -> memref<128x32xf32, #tpu.memory_space<vmem>>
    %dma_wait3A_732 = arith.constant 0 : i32
    %dma_wait3A_733 = tpu.memref_slice %arg13[%dma_wait3A_726, %dma_wait3A_732] : memref<8x128xi32, #tpu.memory_space<vmem>> -> memref<1x128xi32, #tpu.memory_space<vmem>>
    %dma_wait3A_734 = tpu.memref_squeeze %dma_wait3A_733 : memref<1x128xi32, #tpu.memory_space<vmem>> -> memref<128xi32, #tpu.memory_space<vmem>>
    %dma_wait3A_735 = arith.constant 0 : i32
    %dma_wait3A_736 = arith.constant 0 : i32
    %dma_wait3A_737 = tpu.memref_slice %arg2[%dma_wait3A_735, %dma_wait3A_736] : memref<100000x32xf32, #tpu.memory_space<hbm>> -> memref<100000x32xf32, #tpu.memory_space<hbm>>
    tpu.wait_indirect_dma semaphore(%arg24 : memref<!tpu.dma_semaphore, #tpu.memory_space<semaphore_mem>>) src(%dma_wait3A_737 : memref<100000x32xf32, #tpu.memory_space<hbm>>) dst(%dma_wait3A_731 : memref<128x32xf32, #tpu.memory_space<vmem>>)
    %dma_wait3A_738 = arith.constant 6 : i32
    %dma_wait3A_739 = arith.constant 6 : i32
    %dma_wait3A_740 = arith.constant 0 : i32
    %dma_wait3A_741 = arith.constant 0 : i32
    %dma_wait3A_742 = tpu.memref_slice %arg17[%dma_wait3A_739, %dma_wait3A_740, %dma_wait3A_741] : memref<8x128x32xf32, #tpu.memory_space<vmem>> -> memref<1x128x32xf32, #tpu.memory_space<vmem>>
    %dma_wait3A_743 = tpu.memref_squeeze %dma_wait3A_742 : memref<1x128x32xf32, #tpu.memory_space<vmem>> -> memref<128x32xf32, #tpu.memory_space<vmem>>
    %dma_wait3A_744 = arith.constant 0 : i32
    %dma_wait3A_745 = tpu.memref_slice %arg13[%dma_wait3A_738, %dma_wait3A_744] : memref<8x128xi32, #tpu.memory_space<vmem>> -> memref<1x128xi32, #tpu.memory_space<vmem>>
    %dma_wait3A_746 = tpu.memref_squeeze %dma_wait3A_745 : memref<1x128xi32, #tpu.memory_space<vmem>> -> memref<128xi32, #tpu.memory_space<vmem>>
    %dma_wait3A_747 = arith.constant 0 : i32
    %dma_wait3A_748 = arith.constant 0 : i32
    %dma_wait3A_749 = tpu.memref_slice %arg2[%dma_wait3A_747, %dma_wait3A_748] : memref<100000x32xf32, #tpu.memory_space<hbm>> -> memref<100000x32xf32, #tpu.memory_space<hbm>>
    tpu.wait_indirect_dma semaphore(%arg24 : memref<!tpu.dma_semaphore, #tpu.memory_space<semaphore_mem>>) src(%dma_wait3A_749 : memref<100000x32xf32, #tpu.memory_space<hbm>>) dst(%dma_wait3A_743 : memref<128x32xf32, #tpu.memory_space<vmem>>)
    %dma_wait3A_750 = arith.constant 7 : i32
    %dma_wait3A_751 = arith.constant 7 : i32
    %dma_wait3A_752 = arith.constant 0 : i32
    %dma_wait3A_753 = arith.constant 0 : i32
    %dma_wait3A_754 = tpu.memref_slice %arg17[%dma_wait3A_751, %dma_wait3A_752, %dma_wait3A_753] : memref<8x128x32xf32, #tpu.memory_space<vmem>> -> memref<1x128x32xf32, #tpu.memory_space<vmem>>
    %dma_wait3A_755 = tpu.memref_squeeze %dma_wait3A_754 : memref<1x128x32xf32, #tpu.memory_space<vmem>> -> memref<128x32xf32, #tpu.memory_space<vmem>>
    %dma_wait3A_756 = arith.constant 0 : i32
    %dma_wait3A_757 = tpu.memref_slice %arg13[%dma_wait3A_750, %dma_wait3A_756] : memref<8x128xi32, #tpu.memory_space<vmem>> -> memref<1x128xi32, #tpu.memory_space<vmem>>
    %dma_wait3A_758 = tpu.memref_squeeze %dma_wait3A_757 : memref<1x128xi32, #tpu.memory_space<vmem>> -> memref<128xi32, #tpu.memory_space<vmem>>
    %dma_wait3A_759 = arith.constant 0 : i32
    %dma_wait3A_760 = arith.constant 0 : i32
    %dma_wait3A_761 = tpu.memref_slice %arg2[%dma_wait3A_759, %dma_wait3A_760] : memref<100000x32xf32, #tpu.memory_space<hbm>> -> memref<100000x32xf32, #tpu.memory_space<hbm>>
    tpu.wait_indirect_dma semaphore(%arg24 : memref<!tpu.dma_semaphore, #tpu.memory_space<semaphore_mem>>) src(%dma_wait3A_761 : memref<100000x32xf32, #tpu.memory_space<hbm>>) dst(%dma_wait3A_755 : memref<128x32xf32, #tpu.memory_space<vmem>>)
    %dma_wait3A_762 = arith.constant 0 : i32
    %dma_wait3A_763 = arith.constant 0 : i32
    %dma_wait3A_764 = tpu.memref_slice %arg2[%dma_wait3A_762, %dma_wait3A_763] : memref<100000x32xf32, #tpu.memory_space<hbm>> -> memref<100000x32xf32, #tpu.memory_space<hbm>>
    tpu.wait_indirect_dma semaphore(%arg24 : memref<!tpu.dma_semaphore, #tpu.memory_space<semaphore_mem>>) src(%dma_wait3A_764 : memref<100000x32xf32, #tpu.memory_space<hbm>>) dst(%arg18 : memref<128x32xf32, #tpu.memory_space<vmem>>)
    %dma_wait3A_765 = arith.constant 0 : i32
    %dma_wait3A_766 = arith.constant 0 : i32
    %dma_wait3A_767 = tpu.memref_slice %arg3[%dma_wait3A_765, %dma_wait3A_766] : memref<1000x32xf32, #tpu.memory_space<hbm>> -> memref<1000x32xf32, #tpu.memory_space<hbm>>
    tpu.wait_indirect_dma semaphore(%arg24 : memref<!tpu.dma_semaphore, #tpu.memory_space<semaphore_mem>>) src(%dma_wait3A_767 : memref<1000x32xf32, #tpu.memory_space<hbm>>) dst(%arg19 : memref<128x32xf32, #tpu.memory_space<vmem>>)
    %mul3A_768 = arith.constant 8 : i32
    %mul3A_769 = arith.muli %add3A, %mul3A_768 : i32
    %add3A_770 = arith.constant 0 : i32
    %add3A_771 = arith.addi %mul3A_769, %add3A_770 : i32
    %dma_start3A_772 = arith.constant 0 : i32
    %dma_start3A_773 = arith.constant 0 : i32
    %dma_start3A_774 = arith.constant 0 : i32
    %dma_start3A_775 = tpu.memref_slice %arg17[%dma_start3A_772, %dma_start3A_773, %dma_start3A_774] : memref<8x128x32xf32, #tpu.memory_space<vmem>> -> memref<1x128x32xf32, #tpu.memory_space<vmem>>
    %dma_start3A_776 = tpu.memref_squeeze %dma_start3A_775 : memref<1x128x32xf32, #tpu.memory_space<vmem>> -> memref<128x32xf32, #tpu.memory_space<vmem>>
    %dma_start3A_777 = arith.constant 0 : i32
    %dma_start3A_778 = arith.constant 0 : i32
    %dma_start3A_779 = tpu.memref_slice %arg9[%add3A_771, %dma_start3A_777, %dma_start3A_778] : memref<256x128x32xf32, #tpu.memory_space<hbm>> -> memref<1x128x32xf32, #tpu.memory_space<hbm>>
    %dma_start3A_780 = tpu.memref_squeeze %dma_start3A_779 : memref<1x128x32xf32, #tpu.memory_space<hbm>> -> memref<128x32xf32, #tpu.memory_space<hbm>>
    %dma_start3A_781 = arith.constant 0 : i32
    %dma_start3A_782 = arith.constant 0 : i32
    %dma_start3A_783 = tpu.memref_slice %arg9[%add3A_771, %dma_start3A_781, %dma_start3A_782] : memref<256x128x32xf32, #tpu.memory_space<hbm>> -> memref<1x128x32xf32, #tpu.memory_space<hbm>>
    %dma_start3A_784 = tpu.memref_squeeze %dma_start3A_783 : memref<1x128x32xf32, #tpu.memory_space<hbm>> -> memref<128x32xf32, #tpu.memory_space<hbm>>
    %dma_start3A_785 = arith.constant 0 : i32
    %dma_start3A_786 = arith.constant 0 : i32
    %dma_start3A_787 = tpu.memref_slice %arg17[%dma_start3A_772, %dma_start3A_785, %dma_start3A_786] : memref<8x128x32xf32, #tpu.memory_space<vmem>> -> memref<1x128x32xf32, #tpu.memory_space<vmem>>
    %dma_start3A_788 = tpu.memref_squeeze %dma_start3A_787 : memref<1x128x32xf32, #tpu.memory_space<vmem>> -> memref<128x32xf32, #tpu.memory_space<vmem>>
    tpu.enqueue_dma source(%dma_start3A_788 : memref<128x32xf32, #tpu.memory_space<vmem>>) target(%dma_start3A_784 : memref<128x32xf32, #tpu.memory_space<hbm>>) target_semaphore(%arg25 : memref<!tpu.dma_semaphore, #tpu.memory_space<semaphore_mem>>)
    %mul3A_789 = arith.constant 8 : i32
    %mul3A_790 = arith.muli %add3A, %mul3A_789 : i32
    %add3A_791 = arith.constant 1 : i32
    %add3A_792 = arith.addi %mul3A_790, %add3A_791 : i32
    %dma_start3A_793 = arith.constant 1 : i32
    %dma_start3A_794 = arith.constant 0 : i32
    %dma_start3A_795 = arith.constant 0 : i32
    %dma_start3A_796 = tpu.memref_slice %arg17[%dma_start3A_793, %dma_start3A_794, %dma_start3A_795] : memref<8x128x32xf32, #tpu.memory_space<vmem>> -> memref<1x128x32xf32, #tpu.memory_space<vmem>>
    %dma_start3A_797 = tpu.memref_squeeze %dma_start3A_796 : memref<1x128x32xf32, #tpu.memory_space<vmem>> -> memref<128x32xf32, #tpu.memory_space<vmem>>
    %dma_start3A_798 = arith.constant 0 : i32
    %dma_start3A_799 = arith.constant 0 : i32
    %dma_start3A_800 = tpu.memref_slice %arg9[%add3A_792, %dma_start3A_798, %dma_start3A_799] : memref<256x128x32xf32, #tpu.memory_space<hbm>> -> memref<1x128x32xf32, #tpu.memory_space<hbm>>
    %dma_start3A_801 = tpu.memref_squeeze %dma_start3A_800 : memref<1x128x32xf32, #tpu.memory_space<hbm>> -> memref<128x32xf32, #tpu.memory_space<hbm>>
    %dma_start3A_802 = arith.constant 0 : i32
    %dma_start3A_803 = arith.constant 0 : i32
    %dma_start3A_804 = tpu.memref_slice %arg9[%add3A_792, %dma_start3A_802, %dma_start3A_803] : memref<256x128x32xf32, #tpu.memory_space<hbm>> -> memref<1x128x32xf32, #tpu.memory_space<hbm>>
    %dma_start3A_805 = tpu.memref_squeeze %dma_start3A_804 : memref<1x128x32xf32, #tpu.memory_space<hbm>> -> memref<128x32xf32, #tpu.memory_space<hbm>>
    %dma_start3A_806 = arith.constant 0 : i32
    %dma_start3A_807 = arith.constant 0 : i32
    %dma_start3A_808 = tpu.memref_slice %arg17[%dma_start3A_793, %dma_start3A_806, %dma_start3A_807] : memref<8x128x32xf32, #tpu.memory_space<vmem>> -> memref<1x128x32xf32, #tpu.memory_space<vmem>>
    %dma_start3A_809 = tpu.memref_squeeze %dma_start3A_808 : memref<1x128x32xf32, #tpu.memory_space<vmem>> -> memref<128x32xf32, #tpu.memory_space<vmem>>
    tpu.enqueue_dma source(%dma_start3A_809 : memref<128x32xf32, #tpu.memory_space<vmem>>) target(%dma_start3A_805 : memref<128x32xf32, #tpu.memory_space<hbm>>) target_semaphore(%arg25 : memref<!tpu.dma_semaphore, #tpu.memory_space<semaphore_mem>>)
    %mul3A_810 = arith.constant 8 : i32
    %mul3A_811 = arith.muli %add3A, %mul3A_810 : i32
    %add3A_812 = arith.constant 2 : i32
    %add3A_813 = arith.addi %mul3A_811, %add3A_812 : i32
    %dma_start3A_814 = arith.constant 2 : i32
    %dma_start3A_815 = arith.constant 0 : i32
    %dma_start3A_816 = arith.constant 0 : i32
    %dma_start3A_817 = tpu.memref_slice %arg17[%dma_start3A_814, %dma_start3A_815, %dma_start3A_816] : memref<8x128x32xf32, #tpu.memory_space<vmem>> -> memref<1x128x32xf32, #tpu.memory_space<vmem>>
    %dma_start3A_818 = tpu.memref_squeeze %dma_start3A_817 : memref<1x128x32xf32, #tpu.memory_space<vmem>> -> memref<128x32xf32, #tpu.memory_space<vmem>>
    %dma_start3A_819 = arith.constant 0 : i32
    %dma_start3A_820 = arith.constant 0 : i32
    %dma_start3A_821 = tpu.memref_slice %arg9[%add3A_813, %dma_start3A_819, %dma_start3A_820] : memref<256x128x32xf32, #tpu.memory_space<hbm>> -> memref<1x128x32xf32, #tpu.memory_space<hbm>>
    %dma_start3A_822 = tpu.memref_squeeze %dma_start3A_821 : memref<1x128x32xf32, #tpu.memory_space<hbm>> -> memref<128x32xf32, #tpu.memory_space<hbm>>
    %dma_start3A_823 = arith.constant 0 : i32
    %dma_start3A_824 = arith.constant 0 : i32
    %dma_start3A_825 = tpu.memref_slice %arg9[%add3A_813, %dma_start3A_823, %dma_start3A_824] : memref<256x128x32xf32, #tpu.memory_space<hbm>> -> memref<1x128x32xf32, #tpu.memory_space<hbm>>
    %dma_start3A_826 = tpu.memref_squeeze %dma_start3A_825 : memref<1x128x32xf32, #tpu.memory_space<hbm>> -> memref<128x32xf32, #tpu.memory_space<hbm>>
    %dma_start3A_827 = arith.constant 0 : i32
    %dma_start3A_828 = arith.constant 0 : i32
    %dma_start3A_829 = tpu.memref_slice %arg17[%dma_start3A_814, %dma_start3A_827, %dma_start3A_828] : memref<8x128x32xf32, #tpu.memory_space<vmem>> -> memref<1x128x32xf32, #tpu.memory_space<vmem>>
    %dma_start3A_830 = tpu.memref_squeeze %dma_start3A_829 : memref<1x128x32xf32, #tpu.memory_space<vmem>> -> memref<128x32xf32, #tpu.memory_space<vmem>>
    tpu.enqueue_dma source(%dma_start3A_830 : memref<128x32xf32, #tpu.memory_space<vmem>>) target(%dma_start3A_826 : memref<128x32xf32, #tpu.memory_space<hbm>>) target_semaphore(%arg25 : memref<!tpu.dma_semaphore, #tpu.memory_space<semaphore_mem>>)
    %mul3A_831 = arith.constant 8 : i32
    %mul3A_832 = arith.muli %add3A, %mul3A_831 : i32
    %add3A_833 = arith.constant 3 : i32
    %add3A_834 = arith.addi %mul3A_832, %add3A_833 : i32
    %dma_start3A_835 = arith.constant 3 : i32
    %dma_start3A_836 = arith.constant 0 : i32
    %dma_start3A_837 = arith.constant 0 : i32
    %dma_start3A_838 = tpu.memref_slice %arg17[%dma_start3A_835, %dma_start3A_836, %dma_start3A_837] : memref<8x128x32xf32, #tpu.memory_space<vmem>> -> memref<1x128x32xf32, #tpu.memory_space<vmem>>
    %dma_start3A_839 = tpu.memref_squeeze %dma_start3A_838 : memref<1x128x32xf32, #tpu.memory_space<vmem>> -> memref<128x32xf32, #tpu.memory_space<vmem>>
    %dma_start3A_840 = arith.constant 0 : i32
    %dma_start3A_841 = arith.constant 0 : i32
    %dma_start3A_842 = tpu.memref_slice %arg9[%add3A_834, %dma_start3A_840, %dma_start3A_841] : memref<256x128x32xf32, #tpu.memory_space<hbm>> -> memref<1x128x32xf32, #tpu.memory_space<hbm>>
    %dma_start3A_843 = tpu.memref_squeeze %dma_start3A_842 : memref<1x128x32xf32, #tpu.memory_space<hbm>> -> memref<128x32xf32, #tpu.memory_space<hbm>>
    %dma_start3A_844 = arith.constant 0 : i32
    %dma_start3A_845 = arith.constant 0 : i32
    %dma_start3A_846 = tpu.memref_slice %arg9[%add3A_834, %dma_start3A_844, %dma_start3A_845] : memref<256x128x32xf32, #tpu.memory_space<hbm>> -> memref<1x128x32xf32, #tpu.memory_space<hbm>>
    %dma_start3A_847 = tpu.memref_squeeze %dma_start3A_846 : memref<1x128x32xf32, #tpu.memory_space<hbm>> -> memref<128x32xf32, #tpu.memory_space<hbm>>
    %dma_start3A_848 = arith.constant 0 : i32
    %dma_start3A_849 = arith.constant 0 : i32
    %dma_start3A_850 = tpu.memref_slice %arg17[%dma_start3A_835, %dma_start3A_848, %dma_start3A_849] : memref<8x128x32xf32, #tpu.memory_space<vmem>> -> memref<1x128x32xf32, #tpu.memory_space<vmem>>
    %dma_start3A_851 = tpu.memref_squeeze %dma_start3A_850 : memref<1x128x32xf32, #tpu.memory_space<vmem>> -> memref<128x32xf32, #tpu.memory_space<vmem>>
    tpu.enqueue_dma source(%dma_start3A_851 : memref<128x32xf32, #tpu.memory_space<vmem>>) target(%dma_start3A_847 : memref<128x32xf32, #tpu.memory_space<hbm>>) target_semaphore(%arg25 : memref<!tpu.dma_semaphore, #tpu.memory_space<semaphore_mem>>)
    %mul3A_852 = arith.constant 8 : i32
    %mul3A_853 = arith.muli %add3A, %mul3A_852 : i32
    %add3A_854 = arith.constant 4 : i32
    %add3A_855 = arith.addi %mul3A_853, %add3A_854 : i32
    %dma_start3A_856 = arith.constant 4 : i32
    %dma_start3A_857 = arith.constant 0 : i32
    %dma_start3A_858 = arith.constant 0 : i32
    %dma_start3A_859 = tpu.memref_slice %arg17[%dma_start3A_856, %dma_start3A_857, %dma_start3A_858] : memref<8x128x32xf32, #tpu.memory_space<vmem>> -> memref<1x128x32xf32, #tpu.memory_space<vmem>>
    %dma_start3A_860 = tpu.memref_squeeze %dma_start3A_859 : memref<1x128x32xf32, #tpu.memory_space<vmem>> -> memref<128x32xf32, #tpu.memory_space<vmem>>
    %dma_start3A_861 = arith.constant 0 : i32
    %dma_start3A_862 = arith.constant 0 : i32
    %dma_start3A_863 = tpu.memref_slice %arg9[%add3A_855, %dma_start3A_861, %dma_start3A_862] : memref<256x128x32xf32, #tpu.memory_space<hbm>> -> memref<1x128x32xf32, #tpu.memory_space<hbm>>
    %dma_start3A_864 = tpu.memref_squeeze %dma_start3A_863 : memref<1x128x32xf32, #tpu.memory_space<hbm>> -> memref<128x32xf32, #tpu.memory_space<hbm>>
    %dma_start3A_865 = arith.constant 0 : i32
    %dma_start3A_866 = arith.constant 0 : i32
    %dma_start3A_867 = tpu.memref_slice %arg9[%add3A_855, %dma_start3A_865, %dma_start3A_866] : memref<256x128x32xf32, #tpu.memory_space<hbm>> -> memref<1x128x32xf32, #tpu.memory_space<hbm>>
    %dma_start3A_868 = tpu.memref_squeeze %dma_start3A_867 : memref<1x128x32xf32, #tpu.memory_space<hbm>> -> memref<128x32xf32, #tpu.memory_space<hbm>>
    %dma_start3A_869 = arith.constant 0 : i32
    %dma_start3A_870 = arith.constant 0 : i32
    %dma_start3A_871 = tpu.memref_slice %arg17[%dma_start3A_856, %dma_start3A_869, %dma_start3A_870] : memref<8x128x32xf32, #tpu.memory_space<vmem>> -> memref<1x128x32xf32, #tpu.memory_space<vmem>>
    %dma_start3A_872 = tpu.memref_squeeze %dma_start3A_871 : memref<1x128x32xf32, #tpu.memory_space<vmem>> -> memref<128x32xf32, #tpu.memory_space<vmem>>
    tpu.enqueue_dma source(%dma_start3A_872 : memref<128x32xf32, #tpu.memory_space<vmem>>) target(%dma_start3A_868 : memref<128x32xf32, #tpu.memory_space<hbm>>) target_semaphore(%arg25 : memref<!tpu.dma_semaphore, #tpu.memory_space<semaphore_mem>>)
    %mul3A_873 = arith.constant 8 : i32
    %mul3A_874 = arith.muli %add3A, %mul3A_873 : i32
    %add3A_875 = arith.constant 5 : i32
    %add3A_876 = arith.addi %mul3A_874, %add3A_875 : i32
    %dma_start3A_877 = arith.constant 5 : i32
    %dma_start3A_878 = arith.constant 0 : i32
    %dma_start3A_879 = arith.constant 0 : i32
    %dma_start3A_880 = tpu.memref_slice %arg17[%dma_start3A_877, %dma_start3A_878, %dma_start3A_879] : memref<8x128x32xf32, #tpu.memory_space<vmem>> -> memref<1x128x32xf32, #tpu.memory_space<vmem>>
    %dma_start3A_881 = tpu.memref_squeeze %dma_start3A_880 : memref<1x128x32xf32, #tpu.memory_space<vmem>> -> memref<128x32xf32, #tpu.memory_space<vmem>>
    %dma_start3A_882 = arith.constant 0 : i32
    %dma_start3A_883 = arith.constant 0 : i32
    %dma_start3A_884 = tpu.memref_slice %arg9[%add3A_876, %dma_start3A_882, %dma_start3A_883] : memref<256x128x32xf32, #tpu.memory_space<hbm>> -> memref<1x128x32xf32, #tpu.memory_space<hbm>>
    %dma_start3A_885 = tpu.memref_squeeze %dma_start3A_884 : memref<1x128x32xf32, #tpu.memory_space<hbm>> -> memref<128x32xf32, #tpu.memory_space<hbm>>
    %dma_start3A_886 = arith.constant 0 : i32
    %dma_start3A_887 = arith.constant 0 : i32
    %dma_start3A_888 = tpu.memref_slice %arg9[%add3A_876, %dma_start3A_886, %dma_start3A_887] : memref<256x128x32xf32, #tpu.memory_space<hbm>> -> memref<1x128x32xf32, #tpu.memory_space<hbm>>
    %dma_start3A_889 = tpu.memref_squeeze %dma_start3A_888 : memref<1x128x32xf32, #tpu.memory_space<hbm>> -> memref<128x32xf32, #tpu.memory_space<hbm>>
    %dma_start3A_890 = arith.constant 0 : i32
    %dma_start3A_891 = arith.constant 0 : i32
    %dma_start3A_892 = tpu.memref_slice %arg17[%dma_start3A_877, %dma_start3A_890, %dma_start3A_891] : memref<8x128x32xf32, #tpu.memory_space<vmem>> -> memref<1x128x32xf32, #tpu.memory_space<vmem>>
    %dma_start3A_893 = tpu.memref_squeeze %dma_start3A_892 : memref<1x128x32xf32, #tpu.memory_space<vmem>> -> memref<128x32xf32, #tpu.memory_space<vmem>>
    tpu.enqueue_dma source(%dma_start3A_893 : memref<128x32xf32, #tpu.memory_space<vmem>>) target(%dma_start3A_889 : memref<128x32xf32, #tpu.memory_space<hbm>>) target_semaphore(%arg25 : memref<!tpu.dma_semaphore, #tpu.memory_space<semaphore_mem>>)
    %mul3A_894 = arith.constant 8 : i32
    %mul3A_895 = arith.muli %add3A, %mul3A_894 : i32
    %add3A_896 = arith.constant 6 : i32
    %add3A_897 = arith.addi %mul3A_895, %add3A_896 : i32
    %dma_start3A_898 = arith.constant 6 : i32
    %dma_start3A_899 = arith.constant 0 : i32
    %dma_start3A_900 = arith.constant 0 : i32
    %dma_start3A_901 = tpu.memref_slice %arg17[%dma_start3A_898, %dma_start3A_899, %dma_start3A_900] : memref<8x128x32xf32, #tpu.memory_space<vmem>> -> memref<1x128x32xf32, #tpu.memory_space<vmem>>
    %dma_start3A_902 = tpu.memref_squeeze %dma_start3A_901 : memref<1x128x32xf32, #tpu.memory_space<vmem>> -> memref<128x32xf32, #tpu.memory_space<vmem>>
    %dma_start3A_903 = arith.constant 0 : i32
    %dma_start3A_904 = arith.constant 0 : i32
    %dma_start3A_905 = tpu.memref_slice %arg9[%add3A_897, %dma_start3A_903, %dma_start3A_904] : memref<256x128x32xf32, #tpu.memory_space<hbm>> -> memref<1x128x32xf32, #tpu.memory_space<hbm>>
    %dma_start3A_906 = tpu.memref_squeeze %dma_start3A_905 : memref<1x128x32xf32, #tpu.memory_space<hbm>> -> memref<128x32xf32, #tpu.memory_space<hbm>>
    %dma_start3A_907 = arith.constant 0 : i32
    %dma_start3A_908 = arith.constant 0 : i32
    %dma_start3A_909 = tpu.memref_slice %arg9[%add3A_897, %dma_start3A_907, %dma_start3A_908] : memref<256x128x32xf32, #tpu.memory_space<hbm>> -> memref<1x128x32xf32, #tpu.memory_space<hbm>>
    %dma_start3A_910 = tpu.memref_squeeze %dma_start3A_909 : memref<1x128x32xf32, #tpu.memory_space<hbm>> -> memref<128x32xf32, #tpu.memory_space<hbm>>
    %dma_start3A_911 = arith.constant 0 : i32
    %dma_start3A_912 = arith.constant 0 : i32
    %dma_start3A_913 = tpu.memref_slice %arg17[%dma_start3A_898, %dma_start3A_911, %dma_start3A_912] : memref<8x128x32xf32, #tpu.memory_space<vmem>> -> memref<1x128x32xf32, #tpu.memory_space<vmem>>
    %dma_start3A_914 = tpu.memref_squeeze %dma_start3A_913 : memref<1x128x32xf32, #tpu.memory_space<vmem>> -> memref<128x32xf32, #tpu.memory_space<vmem>>
    tpu.enqueue_dma source(%dma_start3A_914 : memref<128x32xf32, #tpu.memory_space<vmem>>) target(%dma_start3A_910 : memref<128x32xf32, #tpu.memory_space<hbm>>) target_semaphore(%arg25 : memref<!tpu.dma_semaphore, #tpu.memory_space<semaphore_mem>>)
    %mul3A_915 = arith.constant 8 : i32
    %mul3A_916 = arith.muli %add3A, %mul3A_915 : i32
    %add3A_917 = arith.constant 7 : i32
    %add3A_918 = arith.addi %mul3A_916, %add3A_917 : i32
    %dma_start3A_919 = arith.constant 7 : i32
    %dma_start3A_920 = arith.constant 0 : i32
    %dma_start3A_921 = arith.constant 0 : i32
    %dma_start3A_922 = tpu.memref_slice %arg17[%dma_start3A_919, %dma_start3A_920, %dma_start3A_921] : memref<8x128x32xf32, #tpu.memory_space<vmem>> -> memref<1x128x32xf32, #tpu.memory_space<vmem>>
    %dma_start3A_923 = tpu.memref_squeeze %dma_start3A_922 : memref<1x128x32xf32, #tpu.memory_space<vmem>> -> memref<128x32xf32, #tpu.memory_space<vmem>>
    %dma_start3A_924 = arith.constant 0 : i32
    %dma_start3A_925 = arith.constant 0 : i32
    %dma_start3A_926 = tpu.memref_slice %arg9[%add3A_918, %dma_start3A_924, %dma_start3A_925] : memref<256x128x32xf32, #tpu.memory_space<hbm>> -> memref<1x128x32xf32, #tpu.memory_space<hbm>>
    %dma_start3A_927 = tpu.memref_squeeze %dma_start3A_926 : memref<1x128x32xf32, #tpu.memory_space<hbm>> -> memref<128x32xf32, #tpu.memory_space<hbm>>
    %dma_start3A_928 = arith.constant 0 : i32
    %dma_start3A_929 = arith.constant 0 : i32
    %dma_start3A_930 = tpu.memref_slice %arg9[%add3A_918, %dma_start3A_928, %dma_start3A_929] : memref<256x128x32xf32, #tpu.memory_space<hbm>> -> memref<1x128x32xf32, #tpu.memory_space<hbm>>
    %dma_start3A_931 = tpu.memref_squeeze %dma_start3A_930 : memref<1x128x32xf32, #tpu.memory_space<hbm>> -> memref<128x32xf32, #tpu.memory_space<hbm>>
    %dma_start3A_932 = arith.constant 0 : i32
    %dma_start3A_933 = arith.constant 0 : i32
    %dma_start3A_934 = tpu.memref_slice %arg17[%dma_start3A_919, %dma_start3A_932, %dma_start3A_933] : memref<8x128x32xf32, #tpu.memory_space<vmem>> -> memref<1x128x32xf32, #tpu.memory_space<vmem>>
    %dma_start3A_935 = tpu.memref_squeeze %dma_start3A_934 : memref<1x128x32xf32, #tpu.memory_space<vmem>> -> memref<128x32xf32, #tpu.memory_space<vmem>>
    tpu.enqueue_dma source(%dma_start3A_935 : memref<128x32xf32, #tpu.memory_space<vmem>>) target(%dma_start3A_931 : memref<128x32xf32, #tpu.memory_space<hbm>>) target_semaphore(%arg25 : memref<!tpu.dma_semaphore, #tpu.memory_space<semaphore_mem>>)
    %dma_start3A_936 = arith.constant 0 : i32
    %dma_start3A_937 = arith.constant 0 : i32
    %dma_start3A_938 = tpu.memref_slice %arg10[%add3A, %dma_start3A_936, %dma_start3A_937] : memref<32x128x32xf32, #tpu.memory_space<hbm>> -> memref<1x128x32xf32, #tpu.memory_space<hbm>>
    %dma_start3A_939 = tpu.memref_squeeze %dma_start3A_938 : memref<1x128x32xf32, #tpu.memory_space<hbm>> -> memref<128x32xf32, #tpu.memory_space<hbm>>
    %dma_start3A_940 = arith.constant 0 : i32
    %dma_start3A_941 = arith.constant 0 : i32
    %dma_start3A_942 = tpu.memref_slice %arg10[%add3A, %dma_start3A_940, %dma_start3A_941] : memref<32x128x32xf32, #tpu.memory_space<hbm>> -> memref<1x128x32xf32, #tpu.memory_space<hbm>>
    %dma_start3A_943 = tpu.memref_squeeze %dma_start3A_942 : memref<1x128x32xf32, #tpu.memory_space<hbm>> -> memref<128x32xf32, #tpu.memory_space<hbm>>
    tpu.enqueue_dma source(%arg18 : memref<128x32xf32, #tpu.memory_space<vmem>>) target(%dma_start3A_943 : memref<128x32xf32, #tpu.memory_space<hbm>>) target_semaphore(%arg25 : memref<!tpu.dma_semaphore, #tpu.memory_space<semaphore_mem>>)
    %dma_start3A_944 = arith.constant 0 : i32
    %dma_start3A_945 = arith.constant 0 : i32
    %dma_start3A_946 = tpu.memref_slice %arg11[%add3A, %dma_start3A_944, %dma_start3A_945] : memref<32x128x32xf32, #tpu.memory_space<hbm>> -> memref<1x128x32xf32, #tpu.memory_space<hbm>>
    %dma_start3A_947 = tpu.memref_squeeze %dma_start3A_946 : memref<1x128x32xf32, #tpu.memory_space<hbm>> -> memref<128x32xf32, #tpu.memory_space<hbm>>
    %dma_start3A_948 = arith.constant 0 : i32
    %dma_start3A_949 = arith.constant 0 : i32
    %dma_start3A_950 = tpu.memref_slice %arg11[%add3A, %dma_start3A_948, %dma_start3A_949] : memref<32x128x32xf32, #tpu.memory_space<hbm>> -> memref<1x128x32xf32, #tpu.memory_space<hbm>>
    %dma_start3A_951 = tpu.memref_squeeze %dma_start3A_950 : memref<1x128x32xf32, #tpu.memory_space<hbm>> -> memref<128x32xf32, #tpu.memory_space<hbm>>
    tpu.enqueue_dma source(%arg19 : memref<128x32xf32, #tpu.memory_space<vmem>>) target(%dma_start3A_951 : memref<128x32xf32, #tpu.memory_space<hbm>>) target_semaphore(%arg25 : memref<!tpu.dma_semaphore, #tpu.memory_space<semaphore_mem>>)
    %mul3A_952 = arith.constant 8 : i32
    %mul3A_953 = arith.muli %add3A, %mul3A_952 : i32
    %add3A_954 = arith.constant 0 : i32
    %add3A_955 = arith.addi %mul3A_953, %add3A_954 : i32
    %dma_wait3A_956 = arith.constant 0 : i32
    %dma_wait3A_957 = arith.constant 0 : i32
    %dma_wait3A_958 = arith.constant 0 : i32
    %dma_wait3A_959 = tpu.memref_slice %arg17[%dma_wait3A_956, %dma_wait3A_957, %dma_wait3A_958] : memref<8x128x32xf32, #tpu.memory_space<vmem>> -> memref<1x128x32xf32, #tpu.memory_space<vmem>>
    %dma_wait3A_960 = tpu.memref_squeeze %dma_wait3A_959 : memref<1x128x32xf32, #tpu.memory_space<vmem>> -> memref<128x32xf32, #tpu.memory_space<vmem>>
    %dma_wait3A_961 = arith.constant 0 : i32
    %dma_wait3A_962 = arith.constant 0 : i32
    %dma_wait3A_963 = tpu.memref_slice %arg9[%add3A_955, %dma_wait3A_961, %dma_wait3A_962] : memref<256x128x32xf32, #tpu.memory_space<hbm>> -> memref<1x128x32xf32, #tpu.memory_space<hbm>>
    %dma_wait3A_964 = tpu.memref_squeeze %dma_wait3A_963 : memref<1x128x32xf32, #tpu.memory_space<hbm>> -> memref<128x32xf32, #tpu.memory_space<hbm>>
    %dma_wait3A_965 = arith.constant 0 : i32
    %dma_wait3A_966 = arith.constant 0 : i32
    %dma_wait3A_967 = tpu.memref_slice %arg9[%add3A_955, %dma_wait3A_965, %dma_wait3A_966] : memref<256x128x32xf32, #tpu.memory_space<hbm>> -> memref<1x128x32xf32, #tpu.memory_space<hbm>>
    %dma_wait3A_968 = tpu.memref_squeeze %dma_wait3A_967 : memref<1x128x32xf32, #tpu.memory_space<hbm>> -> memref<128x32xf32, #tpu.memory_space<hbm>>
    %dma_wait3A_969 = arith.constant 0 : i32
    %dma_wait3A_970 = arith.constant 0 : i32
    %dma_wait3A_971 = tpu.memref_slice %arg17[%dma_wait3A_956, %dma_wait3A_969, %dma_wait3A_970] : memref<8x128x32xf32, #tpu.memory_space<vmem>> -> memref<1x128x32xf32, #tpu.memory_space<vmem>>
    %dma_wait3A_972 = tpu.memref_squeeze %dma_wait3A_971 : memref<1x128x32xf32, #tpu.memory_space<vmem>> -> memref<128x32xf32, #tpu.memory_space<vmem>>
    tpu.wait_dma2 semaphore(%arg25 : memref<!tpu.dma_semaphore, #tpu.memory_space<semaphore_mem>>) src(%dma_wait3A_972 : memref<128x32xf32, #tpu.memory_space<vmem>>) dst(%dma_wait3A_968 : memref<128x32xf32, #tpu.memory_space<hbm>>)
    %mul3A_973 = arith.constant 8 : i32
    %mul3A_974 = arith.muli %add3A, %mul3A_973 : i32
    %add3A_975 = arith.constant 1 : i32
    %add3A_976 = arith.addi %mul3A_974, %add3A_975 : i32
    %dma_wait3A_977 = arith.constant 1 : i32
    %dma_wait3A_978 = arith.constant 0 : i32
    %dma_wait3A_979 = arith.constant 0 : i32
    %dma_wait3A_980 = tpu.memref_slice %arg17[%dma_wait3A_977, %dma_wait3A_978, %dma_wait3A_979] : memref<8x128x32xf32, #tpu.memory_space<vmem>> -> memref<1x128x32xf32, #tpu.memory_space<vmem>>
    %dma_wait3A_981 = tpu.memref_squeeze %dma_wait3A_980 : memref<1x128x32xf32, #tpu.memory_space<vmem>> -> memref<128x32xf32, #tpu.memory_space<vmem>>
    %dma_wait3A_982 = arith.constant 0 : i32
    %dma_wait3A_983 = arith.constant 0 : i32
    %dma_wait3A_984 = tpu.memref_slice %arg9[%add3A_976, %dma_wait3A_982, %dma_wait3A_983] : memref<256x128x32xf32, #tpu.memory_space<hbm>> -> memref<1x128x32xf32, #tpu.memory_space<hbm>>
    %dma_wait3A_985 = tpu.memref_squeeze %dma_wait3A_984 : memref<1x128x32xf32, #tpu.memory_space<hbm>> -> memref<128x32xf32, #tpu.memory_space<hbm>>
    %dma_wait3A_986 = arith.constant 0 : i32
    %dma_wait3A_987 = arith.constant 0 : i32
    %dma_wait3A_988 = tpu.memref_slice %arg9[%add3A_976, %dma_wait3A_986, %dma_wait3A_987] : memref<256x128x32xf32, #tpu.memory_space<hbm>> -> memref<1x128x32xf32, #tpu.memory_space<hbm>>
    %dma_wait3A_989 = tpu.memref_squeeze %dma_wait3A_988 : memref<1x128x32xf32, #tpu.memory_space<hbm>> -> memref<128x32xf32, #tpu.memory_space<hbm>>
    %dma_wait3A_990 = arith.constant 0 : i32
    %dma_wait3A_991 = arith.constant 0 : i32
    %dma_wait3A_992 = tpu.memref_slice %arg17[%dma_wait3A_977, %dma_wait3A_990, %dma_wait3A_991] : memref<8x128x32xf32, #tpu.memory_space<vmem>> -> memref<1x128x32xf32, #tpu.memory_space<vmem>>
    %dma_wait3A_993 = tpu.memref_squeeze %dma_wait3A_992 : memref<1x128x32xf32, #tpu.memory_space<vmem>> -> memref<128x32xf32, #tpu.memory_space<vmem>>
    tpu.wait_dma2 semaphore(%arg25 : memref<!tpu.dma_semaphore, #tpu.memory_space<semaphore_mem>>) src(%dma_wait3A_993 : memref<128x32xf32, #tpu.memory_space<vmem>>) dst(%dma_wait3A_989 : memref<128x32xf32, #tpu.memory_space<hbm>>)
    %mul3A_994 = arith.constant 8 : i32
    %mul3A_995 = arith.muli %add3A, %mul3A_994 : i32
    %add3A_996 = arith.constant 2 : i32
    %add3A_997 = arith.addi %mul3A_995, %add3A_996 : i32
    %dma_wait3A_998 = arith.constant 2 : i32
    %dma_wait3A_999 = arith.constant 0 : i32
    %dma_wait3A_1000 = arith.constant 0 : i32
    %dma_wait3A_1001 = tpu.memref_slice %arg17[%dma_wait3A_998, %dma_wait3A_999, %dma_wait3A_1000] : memref<8x128x32xf32, #tpu.memory_space<vmem>> -> memref<1x128x32xf32, #tpu.memory_space<vmem>>
    %dma_wait3A_1002 = tpu.memref_squeeze %dma_wait3A_1001 : memref<1x128x32xf32, #tpu.memory_space<vmem>> -> memref<128x32xf32, #tpu.memory_space<vmem>>
    %dma_wait3A_1003 = arith.constant 0 : i32
    %dma_wait3A_1004 = arith.constant 0 : i32
    %dma_wait3A_1005 = tpu.memref_slice %arg9[%add3A_997, %dma_wait3A_1003, %dma_wait3A_1004] : memref<256x128x32xf32, #tpu.memory_space<hbm>> -> memref<1x128x32xf32, #tpu.memory_space<hbm>>
    %dma_wait3A_1006 = tpu.memref_squeeze %dma_wait3A_1005 : memref<1x128x32xf32, #tpu.memory_space<hbm>> -> memref<128x32xf32, #tpu.memory_space<hbm>>
    %dma_wait3A_1007 = arith.constant 0 : i32
    %dma_wait3A_1008 = arith.constant 0 : i32
    %dma_wait3A_1009 = tpu.memref_slice %arg9[%add3A_997, %dma_wait3A_1007, %dma_wait3A_1008] : memref<256x128x32xf32, #tpu.memory_space<hbm>> -> memref<1x128x32xf32, #tpu.memory_space<hbm>>
    %dma_wait3A_1010 = tpu.memref_squeeze %dma_wait3A_1009 : memref<1x128x32xf32, #tpu.memory_space<hbm>> -> memref<128x32xf32, #tpu.memory_space<hbm>>
    %dma_wait3A_1011 = arith.constant 0 : i32
    %dma_wait3A_1012 = arith.constant 0 : i32
    %dma_wait3A_1013 = tpu.memref_slice %arg17[%dma_wait3A_998, %dma_wait3A_1011, %dma_wait3A_1012] : memref<8x128x32xf32, #tpu.memory_space<vmem>> -> memref<1x128x32xf32, #tpu.memory_space<vmem>>
    %dma_wait3A_1014 = tpu.memref_squeeze %dma_wait3A_1013 : memref<1x128x32xf32, #tpu.memory_space<vmem>> -> memref<128x32xf32, #tpu.memory_space<vmem>>
    tpu.wait_dma2 semaphore(%arg25 : memref<!tpu.dma_semaphore, #tpu.memory_space<semaphore_mem>>) src(%dma_wait3A_1014 : memref<128x32xf32, #tpu.memory_space<vmem>>) dst(%dma_wait3A_1010 : memref<128x32xf32, #tpu.memory_space<hbm>>)
    %mul3A_1015 = arith.constant 8 : i32
    %mul3A_1016 = arith.muli %add3A, %mul3A_1015 : i32
    %add3A_1017 = arith.constant 3 : i32
    %add3A_1018 = arith.addi %mul3A_1016, %add3A_1017 : i32
    %dma_wait3A_1019 = arith.constant 3 : i32
    %dma_wait3A_1020 = arith.constant 0 : i32
    %dma_wait3A_1021 = arith.constant 0 : i32
    %dma_wait3A_1022 = tpu.memref_slice %arg17[%dma_wait3A_1019, %dma_wait3A_1020, %dma_wait3A_1021] : memref<8x128x32xf32, #tpu.memory_space<vmem>> -> memref<1x128x32xf32, #tpu.memory_space<vmem>>
    %dma_wait3A_1023 = tpu.memref_squeeze %dma_wait3A_1022 : memref<1x128x32xf32, #tpu.memory_space<vmem>> -> memref<128x32xf32, #tpu.memory_space<vmem>>
    %dma_wait3A_1024 = arith.constant 0 : i32
    %dma_wait3A_1025 = arith.constant 0 : i32
    %dma_wait3A_1026 = tpu.memref_slice %arg9[%add3A_1018, %dma_wait3A_1024, %dma_wait3A_1025] : memref<256x128x32xf32, #tpu.memory_space<hbm>> -> memref<1x128x32xf32, #tpu.memory_space<hbm>>
    %dma_wait3A_1027 = tpu.memref_squeeze %dma_wait3A_1026 : memref<1x128x32xf32, #tpu.memory_space<hbm>> -> memref<128x32xf32, #tpu.memory_space<hbm>>
    %dma_wait3A_1028 = arith.constant 0 : i32
    %dma_wait3A_1029 = arith.constant 0 : i32
    %dma_wait3A_1030 = tpu.memref_slice %arg9[%add3A_1018, %dma_wait3A_1028, %dma_wait3A_1029] : memref<256x128x32xf32, #tpu.memory_space<hbm>> -> memref<1x128x32xf32, #tpu.memory_space<hbm>>
    %dma_wait3A_1031 = tpu.memref_squeeze %dma_wait3A_1030 : memref<1x128x32xf32, #tpu.memory_space<hbm>> -> memref<128x32xf32, #tpu.memory_space<hbm>>
    %dma_wait3A_1032 = arith.constant 0 : i32
    %dma_wait3A_1033 = arith.constant 0 : i32
    %dma_wait3A_1034 = tpu.memref_slice %arg17[%dma_wait3A_1019, %dma_wait3A_1032, %dma_wait3A_1033] : memref<8x128x32xf32, #tpu.memory_space<vmem>> -> memref<1x128x32xf32, #tpu.memory_space<vmem>>
    %dma_wait3A_1035 = tpu.memref_squeeze %dma_wait3A_1034 : memref<1x128x32xf32, #tpu.memory_space<vmem>> -> memref<128x32xf32, #tpu.memory_space<vmem>>
    tpu.wait_dma2 semaphore(%arg25 : memref<!tpu.dma_semaphore, #tpu.memory_space<semaphore_mem>>) src(%dma_wait3A_1035 : memref<128x32xf32, #tpu.memory_space<vmem>>) dst(%dma_wait3A_1031 : memref<128x32xf32, #tpu.memory_space<hbm>>)
    %mul3A_1036 = arith.constant 8 : i32
    %mul3A_1037 = arith.muli %add3A, %mul3A_1036 : i32
    %add3A_1038 = arith.constant 4 : i32
    %add3A_1039 = arith.addi %mul3A_1037, %add3A_1038 : i32
    %dma_wait3A_1040 = arith.constant 4 : i32
    %dma_wait3A_1041 = arith.constant 0 : i32
    %dma_wait3A_1042 = arith.constant 0 : i32
    %dma_wait3A_1043 = tpu.memref_slice %arg17[%dma_wait3A_1040, %dma_wait3A_1041, %dma_wait3A_1042] : memref<8x128x32xf32, #tpu.memory_space<vmem>> -> memref<1x128x32xf32, #tpu.memory_space<vmem>>
    %dma_wait3A_1044 = tpu.memref_squeeze %dma_wait3A_1043 : memref<1x128x32xf32, #tpu.memory_space<vmem>> -> memref<128x32xf32, #tpu.memory_space<vmem>>
    %dma_wait3A_1045 = arith.constant 0 : i32
    %dma_wait3A_1046 = arith.constant 0 : i32
    %dma_wait3A_1047 = tpu.memref_slice %arg9[%add3A_1039, %dma_wait3A_1045, %dma_wait3A_1046] : memref<256x128x32xf32, #tpu.memory_space<hbm>> -> memref<1x128x32xf32, #tpu.memory_space<hbm>>
    %dma_wait3A_1048 = tpu.memref_squeeze %dma_wait3A_1047 : memref<1x128x32xf32, #tpu.memory_space<hbm>> -> memref<128x32xf32, #tpu.memory_space<hbm>>
    %dma_wait3A_1049 = arith.constant 0 : i32
    %dma_wait3A_1050 = arith.constant 0 : i32
    %dma_wait3A_1051 = tpu.memref_slice %arg9[%add3A_1039, %dma_wait3A_1049, %dma_wait3A_1050] : memref<256x128x32xf32, #tpu.memory_space<hbm>> -> memref<1x128x32xf32, #tpu.memory_space<hbm>>
    %dma_wait3A_1052 = tpu.memref_squeeze %dma_wait3A_1051 : memref<1x128x32xf32, #tpu.memory_space<hbm>> -> memref<128x32xf32, #tpu.memory_space<hbm>>
    %dma_wait3A_1053 = arith.constant 0 : i32
    %dma_wait3A_1054 = arith.constant 0 : i32
    %dma_wait3A_1055 = tpu.memref_slice %arg17[%dma_wait3A_1040, %dma_wait3A_1053, %dma_wait3A_1054] : memref<8x128x32xf32, #tpu.memory_space<vmem>> -> memref<1x128x32xf32, #tpu.memory_space<vmem>>
    %dma_wait3A_1056 = tpu.memref_squeeze %dma_wait3A_1055 : memref<1x128x32xf32, #tpu.memory_space<vmem>> -> memref<128x32xf32, #tpu.memory_space<vmem>>
    tpu.wait_dma2 semaphore(%arg25 : memref<!tpu.dma_semaphore, #tpu.memory_space<semaphore_mem>>) src(%dma_wait3A_1056 : memref<128x32xf32, #tpu.memory_space<vmem>>) dst(%dma_wait3A_1052 : memref<128x32xf32, #tpu.memory_space<hbm>>)
    %mul3A_1057 = arith.constant 8 : i32
    %mul3A_1058 = arith.muli %add3A, %mul3A_1057 : i32
    %add3A_1059 = arith.constant 5 : i32
    %add3A_1060 = arith.addi %mul3A_1058, %add3A_1059 : i32
    %dma_wait3A_1061 = arith.constant 5 : i32
    %dma_wait3A_1062 = arith.constant 0 : i32
    %dma_wait3A_1063 = arith.constant 0 : i32
    %dma_wait3A_1064 = tpu.memref_slice %arg17[%dma_wait3A_1061, %dma_wait3A_1062, %dma_wait3A_1063] : memref<8x128x32xf32, #tpu.memory_space<vmem>> -> memref<1x128x32xf32, #tpu.memory_space<vmem>>
    %dma_wait3A_1065 = tpu.memref_squeeze %dma_wait3A_1064 : memref<1x128x32xf32, #tpu.memory_space<vmem>> -> memref<128x32xf32, #tpu.memory_space<vmem>>
    %dma_wait3A_1066 = arith.constant 0 : i32
    %dma_wait3A_1067 = arith.constant 0 : i32
    %dma_wait3A_1068 = tpu.memref_slice %arg9[%add3A_1060, %dma_wait3A_1066, %dma_wait3A_1067] : memref<256x128x32xf32, #tpu.memory_space<hbm>> -> memref<1x128x32xf32, #tpu.memory_space<hbm>>
    %dma_wait3A_1069 = tpu.memref_squeeze %dma_wait3A_1068 : memref<1x128x32xf32, #tpu.memory_space<hbm>> -> memref<128x32xf32, #tpu.memory_space<hbm>>
    %dma_wait3A_1070 = arith.constant 0 : i32
    %dma_wait3A_1071 = arith.constant 0 : i32
    %dma_wait3A_1072 = tpu.memref_slice %arg9[%add3A_1060, %dma_wait3A_1070, %dma_wait3A_1071] : memref<256x128x32xf32, #tpu.memory_space<hbm>> -> memref<1x128x32xf32, #tpu.memory_space<hbm>>
    %dma_wait3A_1073 = tpu.memref_squeeze %dma_wait3A_1072 : memref<1x128x32xf32, #tpu.memory_space<hbm>> -> memref<128x32xf32, #tpu.memory_space<hbm>>
    %dma_wait3A_1074 = arith.constant 0 : i32
    %dma_wait3A_1075 = arith.constant 0 : i32
    %dma_wait3A_1076 = tpu.memref_slice %arg17[%dma_wait3A_1061, %dma_wait3A_1074, %dma_wait3A_1075] : memref<8x128x32xf32, #tpu.memory_space<vmem>> -> memref<1x128x32xf32, #tpu.memory_space<vmem>>
    %dma_wait3A_1077 = tpu.memref_squeeze %dma_wait3A_1076 : memref<1x128x32xf32, #tpu.memory_space<vmem>> -> memref<128x32xf32, #tpu.memory_space<vmem>>
    tpu.wait_dma2 semaphore(%arg25 : memref<!tpu.dma_semaphore, #tpu.memory_space<semaphore_mem>>) src(%dma_wait3A_1077 : memref<128x32xf32, #tpu.memory_space<vmem>>) dst(%dma_wait3A_1073 : memref<128x32xf32, #tpu.memory_space<hbm>>)
    %mul3A_1078 = arith.constant 8 : i32
    %mul3A_1079 = arith.muli %add3A, %mul3A_1078 : i32
    %add3A_1080 = arith.constant 6 : i32
    %add3A_1081 = arith.addi %mul3A_1079, %add3A_1080 : i32
    %dma_wait3A_1082 = arith.constant 6 : i32
    %dma_wait3A_1083 = arith.constant 0 : i32
    %dma_wait3A_1084 = arith.constant 0 : i32
    %dma_wait3A_1085 = tpu.memref_slice %arg17[%dma_wait3A_1082, %dma_wait3A_1083, %dma_wait3A_1084] : memref<8x128x32xf32, #tpu.memory_space<vmem>> -> memref<1x128x32xf32, #tpu.memory_space<vmem>>
    %dma_wait3A_1086 = tpu.memref_squeeze %dma_wait3A_1085 : memref<1x128x32xf32, #tpu.memory_space<vmem>> -> memref<128x32xf32, #tpu.memory_space<vmem>>
    %dma_wait3A_1087 = arith.constant 0 : i32
    %dma_wait3A_1088 = arith.constant 0 : i32
    %dma_wait3A_1089 = tpu.memref_slice %arg9[%add3A_1081, %dma_wait3A_1087, %dma_wait3A_1088] : memref<256x128x32xf32, #tpu.memory_space<hbm>> -> memref<1x128x32xf32, #tpu.memory_space<hbm>>
    %dma_wait3A_1090 = tpu.memref_squeeze %dma_wait3A_1089 : memref<1x128x32xf32, #tpu.memory_space<hbm>> -> memref<128x32xf32, #tpu.memory_space<hbm>>
    %dma_wait3A_1091 = arith.constant 0 : i32
    %dma_wait3A_1092 = arith.constant 0 : i32
    %dma_wait3A_1093 = tpu.memref_slice %arg9[%add3A_1081, %dma_wait3A_1091, %dma_wait3A_1092] : memref<256x128x32xf32, #tpu.memory_space<hbm>> -> memref<1x128x32xf32, #tpu.memory_space<hbm>>
    %dma_wait3A_1094 = tpu.memref_squeeze %dma_wait3A_1093 : memref<1x128x32xf32, #tpu.memory_space<hbm>> -> memref<128x32xf32, #tpu.memory_space<hbm>>
    %dma_wait3A_1095 = arith.constant 0 : i32
    %dma_wait3A_1096 = arith.constant 0 : i32
    %dma_wait3A_1097 = tpu.memref_slice %arg17[%dma_wait3A_1082, %dma_wait3A_1095, %dma_wait3A_1096] : memref<8x128x32xf32, #tpu.memory_space<vmem>> -> memref<1x128x32xf32, #tpu.memory_space<vmem>>
    %dma_wait3A_1098 = tpu.memref_squeeze %dma_wait3A_1097 : memref<1x128x32xf32, #tpu.memory_space<vmem>> -> memref<128x32xf32, #tpu.memory_space<vmem>>
    tpu.wait_dma2 semaphore(%arg25 : memref<!tpu.dma_semaphore, #tpu.memory_space<semaphore_mem>>) src(%dma_wait3A_1098 : memref<128x32xf32, #tpu.memory_space<vmem>>) dst(%dma_wait3A_1094 : memref<128x32xf32, #tpu.memory_space<hbm>>)
    %mul3A_1099 = arith.constant 8 : i32
    %mul3A_1100 = arith.muli %add3A, %mul3A_1099 : i32
    %add3A_1101 = arith.constant 7 : i32
    %add3A_1102 = arith.addi %mul3A_1100, %add3A_1101 : i32
    %dma_wait3A_1103 = arith.constant 7 : i32
    %dma_wait3A_1104 = arith.constant 0 : i32
    %dma_wait3A_1105 = arith.constant 0 : i32
    %dma_wait3A_1106 = tpu.memref_slice %arg17[%dma_wait3A_1103, %dma_wait3A_1104, %dma_wait3A_1105] : memref<8x128x32xf32, #tpu.memory_space<vmem>> -> memref<1x128x32xf32, #tpu.memory_space<vmem>>
    %dma_wait3A_1107 = tpu.memref_squeeze %dma_wait3A_1106 : memref<1x128x32xf32, #tpu.memory_space<vmem>> -> memref<128x32xf32, #tpu.memory_space<vmem>>
    %dma_wait3A_1108 = arith.constant 0 : i32
    %dma_wait3A_1109 = arith.constant 0 : i32
    %dma_wait3A_1110 = tpu.memref_slice %arg9[%add3A_1102, %dma_wait3A_1108, %dma_wait3A_1109] : memref<256x128x32xf32, #tpu.memory_space<hbm>> -> memref<1x128x32xf32, #tpu.memory_space<hbm>>
    %dma_wait3A_1111 = tpu.memref_squeeze %dma_wait3A_1110 : memref<1x128x32xf32, #tpu.memory_space<hbm>> -> memref<128x32xf32, #tpu.memory_space<hbm>>
    %dma_wait3A_1112 = arith.constant 0 : i32
    %dma_wait3A_1113 = arith.constant 0 : i32
    %dma_wait3A_1114 = tpu.memref_slice %arg9[%add3A_1102, %dma_wait3A_1112, %dma_wait3A_1113] : memref<256x128x32xf32, #tpu.memory_space<hbm>> -> memref<1x128x32xf32, #tpu.memory_space<hbm>>
    %dma_wait3A_1115 = tpu.memref_squeeze %dma_wait3A_1114 : memref<1x128x32xf32, #tpu.memory_space<hbm>> -> memref<128x32xf32, #tpu.memory_space<hbm>>
    %dma_wait3A_1116 = arith.constant 0 : i32
    %dma_wait3A_1117 = arith.constant 0 : i32
    %dma_wait3A_1118 = tpu.memref_slice %arg17[%dma_wait3A_1103, %dma_wait3A_1116, %dma_wait3A_1117] : memref<8x128x32xf32, #tpu.memory_space<vmem>> -> memref<1x128x32xf32, #tpu.memory_space<vmem>>
    %dma_wait3A_1119 = tpu.memref_squeeze %dma_wait3A_1118 : memref<1x128x32xf32, #tpu.memory_space<vmem>> -> memref<128x32xf32, #tpu.memory_space<vmem>>
    tpu.wait_dma2 semaphore(%arg25 : memref<!tpu.dma_semaphore, #tpu.memory_space<semaphore_mem>>) src(%dma_wait3A_1119 : memref<128x32xf32, #tpu.memory_space<vmem>>) dst(%dma_wait3A_1115 : memref<128x32xf32, #tpu.memory_space<hbm>>)
    %dma_wait3A_1120 = arith.constant 0 : i32
    %dma_wait3A_1121 = arith.constant 0 : i32
    %dma_wait3A_1122 = tpu.memref_slice %arg10[%add3A, %dma_wait3A_1120, %dma_wait3A_1121] : memref<32x128x32xf32, #tpu.memory_space<hbm>> -> memref<1x128x32xf32, #tpu.memory_space<hbm>>
    %dma_wait3A_1123 = tpu.memref_squeeze %dma_wait3A_1122 : memref<1x128x32xf32, #tpu.memory_space<hbm>> -> memref<128x32xf32, #tpu.memory_space<hbm>>
    %dma_wait3A_1124 = arith.constant 0 : i32
    %dma_wait3A_1125 = arith.constant 0 : i32
    %dma_wait3A_1126 = tpu.memref_slice %arg10[%add3A, %dma_wait3A_1124, %dma_wait3A_1125] : memref<32x128x32xf32, #tpu.memory_space<hbm>> -> memref<1x128x32xf32, #tpu.memory_space<hbm>>
    %dma_wait3A_1127 = tpu.memref_squeeze %dma_wait3A_1126 : memref<1x128x32xf32, #tpu.memory_space<hbm>> -> memref<128x32xf32, #tpu.memory_space<hbm>>
    tpu.wait_dma2 semaphore(%arg25 : memref<!tpu.dma_semaphore, #tpu.memory_space<semaphore_mem>>) src(%arg18 : memref<128x32xf32, #tpu.memory_space<vmem>>) dst(%dma_wait3A_1127 : memref<128x32xf32, #tpu.memory_space<hbm>>)
    %dma_wait3A_1128 = arith.constant 0 : i32
    %dma_wait3A_1129 = arith.constant 0 : i32
    %dma_wait3A_1130 = tpu.memref_slice %arg11[%add3A, %dma_wait3A_1128, %dma_wait3A_1129] : memref<32x128x32xf32, #tpu.memory_space<hbm>> -> memref<1x128x32xf32, #tpu.memory_space<hbm>>
    %dma_wait3A_1131 = tpu.memref_squeeze %dma_wait3A_1130 : memref<1x128x32xf32, #tpu.memory_space<hbm>> -> memref<128x32xf32, #tpu.memory_space<hbm>>
    %dma_wait3A_1132 = arith.constant 0 : i32
    %dma_wait3A_1133 = arith.constant 0 : i32
    %dma_wait3A_1134 = tpu.memref_slice %arg11[%add3A, %dma_wait3A_1132, %dma_wait3A_1133] : memref<32x128x32xf32, #tpu.memory_space<hbm>> -> memref<1x128x32xf32, #tpu.memory_space<hbm>>
    %dma_wait3A_1135 = tpu.memref_squeeze %dma_wait3A_1134 : memref<1x128x32xf32, #tpu.memory_space<hbm>> -> memref<128x32xf32, #tpu.memory_space<hbm>>
    tpu.wait_dma2 semaphore(%arg25 : memref<!tpu.dma_semaphore, #tpu.memory_space<semaphore_mem>>) src(%arg19 : memref<128x32xf32, #tpu.memory_space<vmem>>) dst(%dma_wait3A_1135 : memref<128x32xf32, #tpu.memory_space<hbm>>)
    return
  }
}

module attributes {stable_mosaic.version = 14 : i64} {
  func.func @_tc_body(%arg0: i32, %arg1: memref<256x32xf32, #tpu.memory_space<vmem>>, %arg2: memref<256x32xf32, #tpu.memory_space<vmem>>, %arg3: memref<256x256xf32, #tpu.memory_space<vmem>>, %arg4: memref<256x2048xf32, #tpu.memory_space<vmem>>, %arg5: memref<256x72xf32, #tpu.memory_space<vmem>>, %arg6: memref<32x32xf32, #tpu.memory_space<vmem>>, %arg7: memref<32x32xf32, #tpu.memory_space<vmem>>, %arg8: memref<1x32xf32, #tpu.memory_space<vmem>>, %arg9: memref<32x2304xf32, #tpu.memory_space<vmem>>, %arg10: memref<72x2304xf32, #tpu.memory_space<vmem>>, %arg11: memref<2304x72xf32, #tpu.memory_space<vmem>>, %arg12: memref<72x9xf32, #tpu.memory_space<vmem>>, %arg13: memref<9x288xf32, #tpu.memory_space<vmem>>, %arg14: memref<2304x288xf32, #tpu.memory_space<vmem>>, %arg15: memref<8x256xf32, #tpu.memory_space<vmem>>, %arg16: memref<256x32xf32, #tpu.memory_space<vmem>>, %arg17: memref<32x288xf32, #tpu.memory_space<vmem>>, %arg18: memref<288x32xf32, #tpu.memory_space<vmem>>, %arg19: memref<288x288xf32, #tpu.memory_space<vmem>>, %arg20: memref<256xf32, #tpu.memory_space<vmem>>) attributes {dimension_semantics = [#tpu.dimension_semantics<arbitrary>], iteration_bounds = array<i64: 16>, scalar_prefetch = 0 : i64, scratch_operands = 0 : i64, tpu.core_type = #tpu.core_type<tc>, window_params = [{transform_indices = @transform_0, window_bounds = array<i64: 256, 32>}, {transform_indices = @transform_1, window_bounds = array<i64: 256, 32>}, {transform_indices = @transform_2, window_bounds = array<i64: 256, 256>}, {transform_indices = @transform_3, window_bounds = array<i64: 256, 2048>}, {transform_indices = @transform_4, window_bounds = array<i64: 256, 72>}, {pipeline_mode = #tpu.pipeline_mode<synchronous>, transform_indices = @transform_5, window_bounds = array<i64: 32, 32>}, {pipeline_mode = #tpu.pipeline_mode<synchronous>, transform_indices = @transform_6, window_bounds = array<i64: 32, 32>}, {pipeline_mode = #tpu.pipeline_mode<synchronous>, transform_indices = @transform_7, window_bounds = array<i64: 1, 32>}, {pipeline_mode = #tpu.pipeline_mode<synchronous>, transform_indices = @transform_8, window_bounds = array<i64: 32, 2304>}, {pipeline_mode = #tpu.pipeline_mode<synchronous>, transform_indices = @transform_9, window_bounds = array<i64: 72, 2304>}, {pipeline_mode = #tpu.pipeline_mode<synchronous>, transform_indices = @transform_10, window_bounds = array<i64: 2304, 72>}, {pipeline_mode = #tpu.pipeline_mode<synchronous>, transform_indices = @transform_11, window_bounds = array<i64: 72, 9>}, {pipeline_mode = #tpu.pipeline_mode<synchronous>, transform_indices = @transform_12, window_bounds = array<i64: 9, 288>}, {pipeline_mode = #tpu.pipeline_mode<synchronous>, transform_indices = @transform_13, window_bounds = array<i64: 2304, 288>}, {pipeline_mode = #tpu.pipeline_mode<synchronous>, transform_indices = @transform_14, window_bounds = array<i64: 8, 256>}, {pipeline_mode = #tpu.pipeline_mode<synchronous>, transform_indices = @transform_15, window_bounds = array<i64: 256, 32>}, {pipeline_mode = #tpu.pipeline_mode<synchronous>, transform_indices = @transform_16, window_bounds = array<i64: 32, 288>}, {pipeline_mode = #tpu.pipeline_mode<synchronous>, transform_indices = @transform_17, window_bounds = array<i64: 288, 32>}, {pipeline_mode = #tpu.pipeline_mode<synchronous>, transform_indices = @transform_18, window_bounds = array<i64: 288, 288>}, {transform_indices = @transform_19, window_bounds = array<i64: 256>}]} {
    %get3A = arith.constant 0 : index
    %get3A_0 = arith.constant 0 : index
    %get3A_1 = vector.load %arg1[%get3A, %get3A_0] : memref<256x32xf32, #tpu.memory_space<vmem>>, vector<256x32xf32>
    %get3A_2 = arith.constant 0 : index
    %get3A_3 = arith.constant 0 : index
    %get3A_4 = vector.load %arg2[%get3A_2, %get3A_3] : memref<256x32xf32, #tpu.memory_space<vmem>>, vector<256x32xf32>
    %get3A_5 = arith.constant 0 : index
    %get3A_6 = arith.constant 0 : index
    %get3A_7 = vector.load %arg3[%get3A_5, %get3A_6] : memref<256x256xf32, #tpu.memory_space<vmem>>, vector<256x256xf32>
    %get3A_8 = arith.constant 0 : index
    %get3A_9 = arith.constant 0 : index
    %get3A_10 = vector.load %arg4[%get3A_8, %get3A_9] : memref<256x2048xf32, #tpu.memory_space<vmem>>, vector<256x2048xf32>
    %get3A_11 = arith.constant 0 : index
    %get3A_12 = arith.constant 0 : index
    %get3A_13 = vector.load %arg5[%get3A_11, %get3A_12] : memref<256x72xf32, #tpu.memory_space<vmem>>, vector<256x72xf32>
    %get3A_14 = arith.constant 0 : index
    %get3A_15 = arith.constant 0 : index
    %get3A_16 = vector.load %arg6[%get3A_14, %get3A_15] : memref<32x32xf32, #tpu.memory_space<vmem>>, vector<32x32xf32>
    %get3A_17 = arith.constant 0 : index
    %get3A_18 = arith.constant 0 : index
    %get3A_19 = vector.load %arg7[%get3A_17, %get3A_18] : memref<32x32xf32, #tpu.memory_space<vmem>>, vector<32x32xf32>
    %get3A_20 = arith.constant 0 : index
    %get3A_21 = arith.constant 0 : index
    %get3A_22 = vector.load %arg8[%get3A_20, %get3A_21] : memref<1x32xf32, #tpu.memory_space<vmem>>, vector<1x32xf32>
    %dot_general3A = arith.constant dense<0.000000e+00> : vector<256x32xf32>
    %dot_general3A_23 = tpu.matmul %get3A_1, %get3A_16, %dot_general3A {dimension_numbers = #tpu.dot_dimension_numbers<[1], [1], [0], [0], [0, 0, 1, 0], [], []>, transpose_lhs_hint = false} : vector<256x32xf32>, vector<32x32xf32>, vector<256x32xf32> -> vector<256x32xf32>
    %reduce_max3A = arith.constant dense<0xFF800000> : vector<256xf32>
    %reduce_max3A_24 = vector.multi_reduction <maximumf>, %dot_general3A_23, %reduce_max3A [1] : vector<256x32xf32> to vector<256xf32>
    %broadcast_in_dim3A = vector.shape_cast %reduce_max3A_24 : vector<256xf32> to vector<256x1xf32>
    %sub3A = vector.broadcast %broadcast_in_dim3A : vector<256x1xf32> to vector<256x32xf32>
    %sub3A_25 = arith.subf %dot_general3A_23, %sub3A : vector<256x32xf32>
    %exp3A = math.exp %sub3A_25 : vector<256x32xf32>
    %get3A_26 = arith.constant 0 : index
    %get3A_27 = arith.constant 0 : index
    %get3A_28 = vector.load %arg9[%get3A_26, %get3A_27] : memref<32x2304xf32, #tpu.memory_space<vmem>>, vector<32x2304xf32>
    %dot_general3A_29 = arith.constant dense<0.000000e+00> : vector<256x2304xf32>
    %dot_general3A_30 = tpu.matmul %exp3A, %get3A_28, %dot_general3A_29 {dimension_numbers = #tpu.dot_dimension_numbers<[1], [0], [0], [1], [0, 0, 1, 1], [], []>, transpose_lhs_hint = false} : vector<256x32xf32>, vector<32x2304xf32>, vector<256x2304xf32> -> vector<256x2304xf32>
    %get3A_31 = arith.constant 0 : index
    %get3A_32 = arith.constant 0 : index
    %get3A_33 = vector.load %arg10[%get3A_31, %get3A_32] : memref<72x2304xf32, #tpu.memory_space<vmem>>, vector<72x2304xf32>
    %dot_general3A_34 = arith.constant dense<0.000000e+00> : vector<256x2304xf32>
    %dot_general3A_35 = tpu.matmul %get3A_13, %get3A_33, %dot_general3A_34 {dimension_numbers = #tpu.dot_dimension_numbers<[1], [0], [0], [1], [0, 0, 1, 1], [], []>, transpose_lhs_hint = false} : vector<256x72xf32>, vector<72x2304xf32>, vector<256x2304xf32> -> vector<256x2304xf32>
    %iota3A = tpu.iota {dimensions = array<i32: 1>} : vector<256x2304xi32>
    %rem3A = arith.constant 32 : i32
    %rem3A_36 = vector.broadcast %rem3A : i32 to vector<256x2304xi32>
    %rem3A_37 = arith.remsi %iota3A, %rem3A_36 : vector<256x2304xi32>
    %convert_element_type3A = arith.fptosi %dot_general3A_35 : vector<256x2304xf32> to vector<256x2304xi32>
    %eq3A = arith.cmpi eq, %convert_element_type3A, %rem3A_37 : vector<256x2304xi32>
    %jit3A = arith.constant 0.000000e+00 : f32
    %broadcast_in_dim3A_38 = vector.broadcast %jit3A : f32 to vector<256x2304xf32>
    %select_n3A = arith.select %eq3A, %dot_general3A_30, %broadcast_in_dim3A_38 : vector<256x2304xi1>, vector<256x2304xf32>
    %get3A_39 = arith.constant 0 : index
    %get3A_40 = arith.constant 0 : index
    %get3A_41 = vector.load %arg11[%get3A_39, %get3A_40] : memref<2304x72xf32, #tpu.memory_space<vmem>>, vector<2304x72xf32>
    %dot_general3A_42 = arith.constant dense<0.000000e+00> : vector<256x72xf32>
    %dot_general3A_43 = tpu.matmul %select_n3A, %get3A_41, %dot_general3A_42 {dimension_numbers = #tpu.dot_dimension_numbers<[1], [0], [0], [1], [0, 0, 1, 1], [], []>, transpose_lhs_hint = false} : vector<256x2304xf32>, vector<2304x72xf32>, vector<256x72xf32> -> vector<256x72xf32>
    %get3A_44 = arith.constant 0 : index
    %get3A_45 = arith.constant 0 : index
    %get3A_46 = vector.load %arg12[%get3A_44, %get3A_45] : memref<72x9xf32, #tpu.memory_space<vmem>>, vector<72x9xf32>
    %dot_general3A_47 = arith.constant dense<0.000000e+00> : vector<256x9xf32>
    %dot_general3A_48 = tpu.matmul %dot_general3A_43, %get3A_46, %dot_general3A_47 {dimension_numbers = #tpu.dot_dimension_numbers<[1], [0], [0], [1], [0, 0, 1, 1], [], []>, transpose_lhs_hint = false} : vector<256x72xf32>, vector<72x9xf32>, vector<256x9xf32> -> vector<256x9xf32>
    %get3A_49 = arith.constant 0 : index
    %get3A_50 = arith.constant 0 : index
    %get3A_51 = vector.load %arg13[%get3A_49, %get3A_50] : memref<9x288xf32, #tpu.memory_space<vmem>>, vector<9x288xf32>
    %dot_general3A_52 = arith.constant dense<0.000000e+00> : vector<256x288xf32>
    %dot_general3A_53 = tpu.matmul %dot_general3A_48, %get3A_51, %dot_general3A_52 {dimension_numbers = #tpu.dot_dimension_numbers<[1], [0], [0], [1], [0, 0, 1, 1], [], []>, transpose_lhs_hint = false} : vector<256x9xf32>, vector<9x288xf32>, vector<256x288xf32> -> vector<256x288xf32>
    %get3A_54 = arith.constant 0 : index
    %get3A_55 = arith.constant 0 : index
    %get3A_56 = vector.load %arg10[%get3A_54, %get3A_55] : memref<72x2304xf32, #tpu.memory_space<vmem>>, vector<72x2304xf32>
    %dot_general3A_57 = arith.constant dense<0.000000e+00> : vector<256x2304xf32>
    %dot_general3A_58 = tpu.matmul %dot_general3A_43, %get3A_56, %dot_general3A_57 {dimension_numbers = #tpu.dot_dimension_numbers<[1], [0], [0], [1], [0, 0, 1, 1], [], []>, transpose_lhs_hint = false} : vector<256x72xf32>, vector<72x2304xf32>, vector<256x2304xf32> -> vector<256x2304xf32>
    %concatenate3A = tpu.concatenate %get3A_7, %get3A_10 in 1 : vector<256x256xf32>, vector<256x2048xf32> -> vector<256x2304xf32>
    %mul3A = arith.mulf %dot_general3A_58, %concatenate3A : vector<256x2304xf32>
    %get3A_59 = arith.constant 0 : index
    %get3A_60 = arith.constant 0 : index
    %get3A_61 = vector.load %arg14[%get3A_59, %get3A_60] : memref<2304x288xf32, #tpu.memory_space<vmem>>, vector<2304x288xf32>
    %dot_general3A_62 = arith.constant dense<0.000000e+00> : vector<256x288xf32>
    %dot_general3A_63 = tpu.matmul %mul3A, %get3A_61, %dot_general3A_62 {dimension_numbers = #tpu.dot_dimension_numbers<[1], [0], [0], [1], [0, 0, 1, 1], [], []>, transpose_lhs_hint = false} : vector<256x2304xf32>, vector<2304x288xf32>, vector<256x288xf32> -> vector<256x288xf32>
    %concatenate3A_64 = tpu.concatenate %get3A_4, %get3A_7 in 1 : vector<256x32xf32>, vector<256x256xf32> -> vector<256x288xf32>
    %div3A = arith.divf %dot_general3A_63, %dot_general3A_53 : vector<256x288xf32>
    %add3A = arith.addf %concatenate3A_64, %div3A : vector<256x288xf32>
    %get3A_65 = arith.constant 0 : index
    %get3A_66 = arith.constant 0 : index
    %get3A_67 = vector.load %arg18[%get3A_65, %get3A_66] : memref<288x32xf32, #tpu.memory_space<vmem>>, vector<288x32xf32>
    %dot_general3A_68 = arith.constant dense<0.000000e+00> : vector<288x32xf32>
    %dot_general3A_69 = tpu.matmul %get3A_67, %get3A_19, %dot_general3A_68 {dimension_numbers = #tpu.dot_dimension_numbers<[1], [1], [0], [0], [0, 0, 1, 0], [], []>, transpose_lhs_hint = false} : vector<288x32xf32>, vector<32x32xf32>, vector<288x32xf32> -> vector<288x32xf32>
    %get3A_70 = arith.constant 0 : index
    %get3A_71 = arith.constant 0 : index
    %get3A_72 = vector.load %arg17[%get3A_70, %get3A_71] : memref<32x288xf32, #tpu.memory_space<vmem>>, vector<32x288xf32>
    %dot_general3A_73 = arith.constant dense<0.000000e+00> : vector<288x288xf32>
    %dot_general3A_74 = tpu.matmul %dot_general3A_69, %get3A_72, %dot_general3A_73 {dimension_numbers = #tpu.dot_dimension_numbers<[1], [0], [0], [1], [0, 0, 1, 1], [], []>, transpose_lhs_hint = false} : vector<288x32xf32>, vector<32x288xf32>, vector<288x288xf32> -> vector<288x288xf32>
    %get3A_75 = arith.constant 0 : index
    %get3A_76 = arith.constant 0 : index
    %get3A_77 = vector.load %arg19[%get3A_75, %get3A_76] : memref<288x288xf32, #tpu.memory_space<vmem>>, vector<288x288xf32>
    %mul3A_78 = arith.mulf %dot_general3A_74, %get3A_77 : vector<288x288xf32>
    %get3A_79 = arith.constant 0 : index
    %get3A_80 = arith.constant 0 : index
    %get3A_81 = vector.load %arg17[%get3A_79, %get3A_80] : memref<32x288xf32, #tpu.memory_space<vmem>>, vector<32x288xf32>
    %dot_general3A_82 = arith.constant dense<0.000000e+00> : vector<1x288xf32>
    %dot_general3A_83 = tpu.matmul %get3A_22, %get3A_81, %dot_general3A_82 {dimension_numbers = #tpu.dot_dimension_numbers<[1], [0], [0], [1], [0, 0, 1, 1], [], []>, transpose_lhs_hint = false} : vector<1x32xf32>, vector<32x288xf32>, vector<1x288xf32> -> vector<1x288xf32>
    %dot_general3A_84 = arith.constant dense<0.000000e+00> : vector<256x288xf32>
    %dot_general3A_85 = tpu.matmul %add3A, %mul3A_78, %dot_general3A_84 {dimension_numbers = #tpu.dot_dimension_numbers<[1], [0], [0], [1], [0, 0, 1, 1], [], []>, transpose_lhs_hint = false} : vector<256x288xf32>, vector<288x288xf32>, vector<256x288xf32> -> vector<256x288xf32>
    %add3A_86 = vector.broadcast %dot_general3A_83 : vector<1x288xf32> to vector<256x288xf32>
    %add3A_87 = arith.addf %dot_general3A_85, %add3A_86 : vector<256x288xf32>
    %logistic3A = arith.negf %add3A_87 : vector<256x288xf32>
    %logistic3A_88 = math.exp %logistic3A : vector<256x288xf32>
    %logistic3A_89 = arith.constant 1.000000e+00 : f32
    %logistic3A_90 = vector.broadcast %logistic3A_89 : f32 to vector<256x288xf32>
    %logistic3A_91 = arith.addf %logistic3A_90, %logistic3A_88 : vector<256x288xf32>
    %logistic3A_92 = arith.divf %logistic3A_90, %logistic3A_91 : vector<256x288xf32>
    %slice3A = vector.extract_strided_slice %logistic3A_92 {offsets = [0, 0], sizes = [256, 32], strides = [1, 1]} : vector<256x288xf32> to vector<256x32xf32>
    %slice3A_93 = vector.extract_strided_slice %logistic3A_92 {offsets = [0, 32], sizes = [256, 256], strides = [1, 1]} : vector<256x288xf32> to vector<256x256xf32>
    %slice3A_94 = vector.extract_strided_slice %dot_general3A_43 {offsets = [0, 0], sizes = [256, 8], strides = [1, 1]} : vector<256x72xf32> to vector<256x8xf32>
    %slice3A_95 = vector.extract_strided_slice %dot_general3A_48 {offsets = [0, 0], sizes = [256, 1], strides = [1, 1]} : vector<256x9xf32> to vector<256x1xf32>
    %div3A_96 = vector.broadcast %slice3A_95 : vector<256x1xf32> to vector<256x8xf32>
    %div3A_97 = arith.divf %slice3A_94, %div3A_96 : vector<256x8xf32>
    %get3A_98 = arith.constant 0 : index
    %get3A_99 = arith.constant 0 : index
    %get3A_100 = vector.load %arg15[%get3A_98, %get3A_99] : memref<8x256xf32, #tpu.memory_space<vmem>>, vector<8x256xf32>
    %dot_general3A_101 = arith.constant dense<0.000000e+00> : vector<256x256xf32>
    %dot_general3A_102 = tpu.matmul %div3A_97, %get3A_100, %dot_general3A_101 {dimension_numbers = #tpu.dot_dimension_numbers<[1], [0], [0], [1], [0, 0, 1, 1], [], []>, transpose_lhs_hint = false} : vector<256x8xf32>, vector<8x256xf32>, vector<256x256xf32> -> vector<256x256xf32>
    %mul3A_103 = arith.mulf %dot_general3A_102, %slice3A_93 : vector<256x256xf32>
    %get3A_104 = arith.constant 0 : index
    %get3A_105 = arith.constant 0 : index
    %get3A_106 = vector.load %arg16[%get3A_104, %get3A_105] : memref<256x32xf32, #tpu.memory_space<vmem>>, vector<256x32xf32>
    %dot_general3A_107 = arith.constant dense<0.000000e+00> : vector<256x32xf32>
    %dot_general3A_108 = tpu.matmul %mul3A_103, %get3A_106, %dot_general3A_107 {dimension_numbers = #tpu.dot_dimension_numbers<[1], [0], [0], [1], [0, 0, 1, 1], [], []>, transpose_lhs_hint = false} : vector<256x256xf32>, vector<256x32xf32>, vector<256x32xf32> -> vector<256x32xf32>
    %add3A_109 = arith.addf %slice3A, %dot_general3A_108 : vector<256x32xf32>
    %dot_general3A_110 = arith.constant dense<0.000000e+00> : vector<256x32xf32>
    %dot_general3A_111 = tpu.matmul %add3A_109, %get3A_19, %dot_general3A_110 {dimension_numbers = #tpu.dot_dimension_numbers<[1], [1], [0], [0], [0, 0, 1, 0], [], []>, transpose_lhs_hint = false} : vector<256x32xf32>, vector<32x32xf32>, vector<256x32xf32> -> vector<256x32xf32>
    %add3A_112 = vector.broadcast %get3A_22 : vector<1x32xf32> to vector<256x32xf32>
    %add3A_113 = arith.addf %dot_general3A_111, %add3A_112 : vector<256x32xf32>
    %tanh3A = math.tanh %add3A_113 : vector<256x32xf32>
    %mul3A_114 = arith.mulf %get3A_1, %tanh3A : vector<256x32xf32>
    %reduce_sum3A = arith.constant dense<0.000000e+00> : vector<256xf32>
    %reduce_sum3A_115 = vector.multi_reduction <add>, %mul3A_114, %reduce_sum3A [1] : vector<256x32xf32> to vector<256xf32>
    %logistic3A_116 = arith.negf %reduce_sum3A_115 : vector<256xf32>
    %logistic3A_117 = math.exp %logistic3A_116 : vector<256xf32>
    %logistic3A_118 = arith.constant 1.000000e+00 : f32
    %logistic3A_119 = vector.broadcast %logistic3A_118 : f32 to vector<256xf32>
    %logistic3A_120 = arith.addf %logistic3A_119, %logistic3A_117 : vector<256xf32>
    %logistic3A_121 = arith.divf %logistic3A_119, %logistic3A_120 : vector<256xf32>
    %swap3A = arith.constant 0 : index
    %swap3A_122 = vector.load %arg20[%swap3A] : memref<256xf32, #tpu.memory_space<vmem>>, vector<256xf32>
    tpu.vector_store %arg20[%swap3A], %logistic3A_121 {strides = array<i32>} : memref<256xf32, #tpu.memory_space<vmem>>, vector<256xf32>,
    return
  }
  func.func @transform_0(%arg0: i32) -> (i32, i32) {
    %c0_i32 = arith.constant 0 : i32
    %c0_i32_0 = arith.constant 0 : i32
    return %arg0, %c0_i32 : i32, i32
  }
  func.func @transform_1(%arg0: i32) -> (i32, i32) {
    %c0_i32 = arith.constant 0 : i32
    %c0_i32_0 = arith.constant 0 : i32
    return %arg0, %c0_i32 : i32, i32
  }
  func.func @transform_2(%arg0: i32) -> (i32, i32) {
    %c0_i32 = arith.constant 0 : i32
    %c0_i32_0 = arith.constant 0 : i32
    return %arg0, %c0_i32 : i32, i32
  }
  func.func @transform_3(%arg0: i32) -> (i32, i32) {
    %c0_i32 = arith.constant 0 : i32
    %c0_i32_0 = arith.constant 0 : i32
    return %arg0, %c0_i32 : i32, i32
  }
  func.func @transform_4(%arg0: i32) -> (i32, i32) {
    %c0_i32 = arith.constant 0 : i32
    %c0_i32_0 = arith.constant 0 : i32
    return %arg0, %c0_i32 : i32, i32
  }
  func.func @transform_5(%arg0: i32) -> (i32, i32) {
    %c0_i32 = arith.constant 0 : i32
    %c0_i32_0 = arith.constant 0 : i32
    %c0_i32_1 = arith.constant 0 : i32
    return %c0_i32, %c0_i32_0 : i32, i32
  }
  func.func @transform_6(%arg0: i32) -> (i32, i32) {
    %c0_i32 = arith.constant 0 : i32
    %c0_i32_0 = arith.constant 0 : i32
    %c0_i32_1 = arith.constant 0 : i32
    return %c0_i32, %c0_i32_0 : i32, i32
  }
  func.func @transform_7(%arg0: i32) -> (i32, i32) {
    %c0_i32 = arith.constant 0 : i32
    %c0_i32_0 = arith.constant 0 : i32
    %c0_i32_1 = arith.constant 0 : i32
    return %c0_i32, %c0_i32_0 : i32, i32
  }
  func.func @transform_8(%arg0: i32) -> (i32, i32) {
    %c0_i32 = arith.constant 0 : i32
    %c0_i32_0 = arith.constant 0 : i32
    %c0_i32_1 = arith.constant 0 : i32
    return %c0_i32, %c0_i32_0 : i32, i32
  }
  func.func @transform_9(%arg0: i32) -> (i32, i32) {
    %c0_i32 = arith.constant 0 : i32
    %c0_i32_0 = arith.constant 0 : i32
    %c0_i32_1 = arith.constant 0 : i32
    return %c0_i32, %c0_i32_0 : i32, i32
  }
  func.func @transform_10(%arg0: i32) -> (i32, i32) {
    %c0_i32 = arith.constant 0 : i32
    %c0_i32_0 = arith.constant 0 : i32
    %c0_i32_1 = arith.constant 0 : i32
    return %c0_i32, %c0_i32_0 : i32, i32
  }
  func.func @transform_11(%arg0: i32) -> (i32, i32) {
    %c0_i32 = arith.constant 0 : i32
    %c0_i32_0 = arith.constant 0 : i32
    %c0_i32_1 = arith.constant 0 : i32
    return %c0_i32, %c0_i32_0 : i32, i32
  }
  func.func @transform_12(%arg0: i32) -> (i32, i32) {
    %c0_i32 = arith.constant 0 : i32
    %c0_i32_0 = arith.constant 0 : i32
    %c0_i32_1 = arith.constant 0 : i32
    return %c0_i32, %c0_i32_0 : i32, i32
  }
  func.func @transform_13(%arg0: i32) -> (i32, i32) {
    %c0_i32 = arith.constant 0 : i32
    %c0_i32_0 = arith.constant 0 : i32
    %c0_i32_1 = arith.constant 0 : i32
    return %c0_i32, %c0_i32_0 : i32, i32
  }
  func.func @transform_14(%arg0: i32) -> (i32, i32) {
    %c0_i32 = arith.constant 0 : i32
    %c0_i32_0 = arith.constant 0 : i32
    %c0_i32_1 = arith.constant 0 : i32
    return %c0_i32, %c0_i32_0 : i32, i32
  }
  func.func @transform_15(%arg0: i32) -> (i32, i32) {
    %c0_i32 = arith.constant 0 : i32
    %c0_i32_0 = arith.constant 0 : i32
    %c0_i32_1 = arith.constant 0 : i32
    return %c0_i32, %c0_i32_0 : i32, i32
  }
  func.func @transform_16(%arg0: i32) -> (i32, i32) {
    %c0_i32 = arith.constant 0 : i32
    %c0_i32_0 = arith.constant 0 : i32
    %c0_i32_1 = arith.constant 0 : i32
    return %c0_i32, %c0_i32_0 : i32, i32
  }
  func.func @transform_17(%arg0: i32) -> (i32, i32) {
    %c0_i32 = arith.constant 0 : i32
    %c0_i32_0 = arith.constant 0 : i32
    %c0_i32_1 = arith.constant 0 : i32
    return %c0_i32, %c0_i32_0 : i32, i32
  }
  func.func @transform_18(%arg0: i32) -> (i32, i32) {
    %c0_i32 = arith.constant 0 : i32
    %c0_i32_0 = arith.constant 0 : i32
    %c0_i32_1 = arith.constant 0 : i32
    return %c0_i32, %c0_i32_0 : i32, i32
  }
  func.func @transform_19(%arg0: i32) -> i32 {
    %c0_i32 = arith.constant 0 : i32
    return %arg0 : i32
  }
}

</mosaic_0001>

<sc_bundles>
// kernel: kernel.4.cloned.1.call-start
scs
__scs_entry_jumppad:
0x0: {  	(pc) =	sbr.rel $0x88, $3  }
0x1: {  	(tag) =	ssettag $0x0;
	lr =	simm.s32 $0x1  }
0x2: {  	[smem:$0x3F96] =	sst lr;
	_ =	strace $0xD0000000  }
0x3: {  	_ = 	snop  }
0x4: {  	_ = 	snop  }
0x5: {  	_ = 	snop  }
0x6: {  	_ = 	snop  }
0x7: {  	_ = 	snop  }
__scs_overlays_trampoline_lowered:
0x8: {  	[smem:$0x3FA5] =	sst s0  }
0x9: {  	[smem:$0x3FA6] =	sst s1  }
0xa: {  	[smem:$0x3FA7] =	sst s2  }
0xb: {  	[smem:$0x3FA8] =	sst s3  }
0xc: {  	[smem:$0x3FA9] =	sst s4  }
0xd: {  	[smem:$0x3FAA] =	sst s5  }
0xe: {  	[smem:$0x3FAB] =	sst s6  }
0xf: {  	[smem:$0x3FAC] =	sst s7  }
0x10: {  	[smem:$0x3FAD] =	sst s8  }
0x11: {  	[smem:$0x3FAE] =	sst s9;
	s0 =	simm.s32 @!p0 $0x0  }
0x12: {  	s1 =	sld [smem:$0x3F94];
	s0 =	simm.s32 @p0 $0x1  }
0x13: {  	[smem:$0x3FAF] =	sst s0;
	s0 =	simm.s32 @!p1 $0x0  }
0x14: {  	s2 =	sld [smem:$0x3F93];
	s0 =	simm.s32 @p1 $0x1  }
0x15: {  	[smem:$0x3FB0] =	sst s0;
	s0 =	simm.s32 @!p2 $0x0  }
0x16: {  	s3 =	sld [smem:$0x3FDB];
	s0 =	simm.s32 @p2 $0x1  }
0x17: {  	s4 =	simm.s32 $0x1BF5;
	[smem:$0x3FB2] =	sst s0  }
0x18: {  	s0 =	sld [smem:$0x3F95];
	_ =	swait.ge [sflag:s4], $0x0  }
0x19: {  	s7 =	sld [smem:$0x3F96]  }
0x1a: {  	s8 =	sadd.s32 $0xFFFFE003, lr  }
0x1b: {  	s9 =	sadd.s32 $0xFFFFFEF7, lr;
	s5 =	simm.s32 $0xFFFFFFFF;
	p2 =	slt.u32 s8, $0xFFFFF086  }
0x1c: {  	p1 =	slt.u32 s9, $0xF7A;
	s5 =	simm.s32 @!p2 $0x0  }
0x1d: {  	s5 =	simm.s32 @p1 $0x1;
	p0 =	seq.s32 s7, s2  }
0x1e: {  	s7 =	smul.u32 @!p0 $0xF7A, s2;
	p2 =	seq.s32 @!p0 s5, $0x0  }
0x1f: {  	s9 =	smul.u32 $0xF7A, s1;
	s8 =	simm.s32 @!p0 $0x1BF5;
	p2 =	por !p2, p0  }
0x20: {  	[sflag:s8] =	ssyncset.s32 @!p0 $0xFFFFF086;
	s6 =	sadd.s32 @!p0 s3, s7;
	s7 =	simm.s32 @!p0 $0x108  }
0x21: {  	s3 =	sadd.s32 s3, s9;
	s6 =	sadd.s32 @!p0 $0x88, s6;
	s7 =	simm.s32 @p2 $0x1082  }
0x22: {  	[simem:s7], [sflag:s8] =	dma.local @!p0 [hbm:s6], $0xF7A  }
0x23: {  	s9 =	sor.u32 $0xD0000000, s2;
	s6 =	simm.s32 $0x108;
	_ =	swait.ge @!p0 [sflag:s8], $0x0  }
0x24: {  	s3 =	sadd.s32 $0x88, s3;
	s6 =	simm.s32 @!p1 $0x1082;
	[sflag:s4] =	ssyncset.s32 $0xFFFFF086  }
0x25: {  	[simem:s6], [sflag:s4] =	dma.local [hbm:s3], $0xF7A  }
0x26: {  	[smem:$0x3F96] =	sst s1;
	(tag) =	ssettag s2;
	_ =	strace s9  }
0x27: {  	s1 =	sld [smem:$0x3FA6]  }
0x28: {  	s2 =	sld [smem:$0x3FA7]  }
0x29: {  	s4 =	sld [smem:$0x3FA9]  }
0x2a: {  	p0 =	seq.s32 s5, $0x0;
	s5 =	sld [smem:$0x3FAA]  }
0x2b: {  	s6 =	sld [smem:$0x3FAB]  }
0x2c: {  	s7 =	sld [smem:$0x3FAC]  }
0x2d: {  	s3 =	simm.s32 $0x108;
	s8 =	sld [smem:$0x3FAD]  }
0x2e: {  	s3 =	simm.s32 @!p0 $0x1082;
	s9 =	sld [smem:$0x3FAE]  }
0x2f: {  	lr =	sadd.s32 s0, s3;
	s0 =	sld [smem:$0x3FA5]  }
0x30: {  	s3 =	sld [smem:$0x3FA8]  }
0x31: {  	[smem:$0x3FB1] =	sst s10  }
0x32: {  	s10 =	sld [smem:$0x3FAF];
	_ =	sdelay $0x3  }
0x33: {  	p0 =	seq.s32 s10, $0x1;
	s10 =	sld [smem:$0x3FB1];
	_ =	sdelay $0x3  }
0x34: {  	[smem:$0x3FB1] =	sst s10  }
0x35: {  	s10 =	sld [smem:$0x3FB0];
	_ =	sdelay $0x3  }
0x36: {  	p1 =	seq.s32 s10, $0x1;
	s10 =	sld [smem:$0x3FB1];
	_ =	sdelay $0x3  }
0x37: {  	[smem:$0x3FB1] =	sst s10  }
0x38: {  	s10 =	sld [smem:$0x3FB2]  }
0x39: {  	_ = 	snop;
	(pc) =	sbr.ind lr, $3  }
0x3a: {  	_ = 	snop  }
0x3b: {  	_ = 	snop  }
0x3c: {  	p2 =	seq.s32 s10, $0x1;
	s10 =	sld [smem:$0x3FB1]  }
0x3d: {  	_ =	shalt  }
0x3e: {  	_ =	shalt  }
0x3f: {  	_ =	shalt  }
0x40: {  	_ =	shalt  }
0x41: {  	_ =	shalt  }
0x42: {  	_ =	shalt  }
0x43: {  	_ =	shalt  }
0x44: {  	_ =	shalt  }
0x45: {  	_ =	shalt  }
0x46: {  	_ =	shalt  }
0x47: {  	_ =	shalt  }
0x48: {  	_ =	shalt  }
0x49: {  	_ =	shalt  }
0x4a: {  	_ =	shalt  }
0x4b: {  	_ =	shalt  }
0x4c: {  	_ =	shalt  }
0x4d: {  	_ =	shalt  }
0x4e: {  	_ =	shalt  }
0x4f: {  	_ =	shalt  }
0x50: {  	_ =	shalt  }
0x51: {  	_ =	shalt  }
0x52: {  	_ =	shalt  }
0x53: {  	_ =	shalt  }
0x54: {  	_ =	shalt  }
0x55: {  	_ =	shalt  }
0x56: {  	_ =	shalt  }
0x57: {  	_ =	shalt  }
0x58: {  	_ =	shalt  }
0x59: {  	_ =	shalt  }
0x5a: {  	_ =	shalt  }
0x5b: {  	_ =	shalt  }
0x5c: {  	_ =	shalt  }
0x5d: {  	_ =	shalt  }
0x5e: {  	_ =	shalt  }
0x5f: {  	_ =	shalt  }
0x60: {  	_ =	shalt  }
0x61: {  	_ =	shalt  }
0x62: {  	_ =	shalt  }
0x63: {  	_ =	shalt  }
0x64: {  	_ =	shalt  }
0x65: {  	_ =	shalt  }
0x66: {  	_ =	shalt  }
0x67: {  	_ =	shalt  }
0x68: {  	_ =	shalt  }
0x69: {  	_ =	shalt  }
0x6a: {  	_ =	shalt  }
0x6b: {  	_ =	shalt  }
0x6c: {  	_ =	shalt  }
0x6d: {  	_ =	shalt  }
0x6e: {  	_ =	shalt  }
0x6f: {  	_ =	shalt  }
0x70: {  	_ =	shalt  }
0x71: {  	_ =	shalt  }
0x72: {  	_ =	shalt  }
0x73: {  	_ =	shalt  }
0x74: {  	_ =	shalt  }
0x75: {  	_ =	shalt  }
0x76: {  	_ =	shalt  }
0x77: {  	_ =	shalt  }
0x78: {  	_ =	shalt  }
0x79: {  	_ =	shalt  }
0x7a: {  	_ =	shalt  }
0x7b: {  	_ =	shalt  }
0x7c: {  	_ =	shalt  }
0x7d: {  	_ =	shalt  }
0x7e: {  	_ =	shalt  }
0x7f: {  	_ =	shalt  }
0x80: {  	_ =	shalt  }
0x81: {  	_ =	shalt  }
0x82: {  	_ =	shalt  }
0x83: {  	_ =	shalt  }
0x84: {  	_ =	shalt  }
0x85: {  	_ =	shalt  }
0x86: {  	_ =	shalt  }
0x87: {  	_ =	shalt  }
.Lfunc_end0:
.L_simem_size_0:
called_computation_lowered:
.L_overlay_start_0:
0x88: {  	s2 =	sld [smem:$0x3FD9]  }
0x89: {  	s3 =	sld [smem:$0x3FFE];
	_ =	sdelay $0x1  }
0x8a: {  	s1 =	srdreg.scid  }
0x8b: {  	s0 =	sand.u32 $0x1, s1  }
0x8c: {  	s17 =	sshll.u32 s0, $0xA;
	s2 =	sadd.s32 s3, s2  }
0x8d: {  	s2 =	sadd.s32 s2, s17  }
0x8e: {  	[smem:$0x3FBD] =	sst s2  }
0x8f: {  	_ = 	snop  }
0x90: {  	s2 =	sld [smem:$0x3FC9]  }
0x91: {  	s18 =	sld [smem:$0x3FC7];
	(tm) =	ssettm $0x1  }
0x92: {  	s4 =	sld [smem:$0x3FFB];
	_ =	sdelay $0x3  }
0x93: {  	_ =	strace s4  }
0x94: {  	s4 =	sld [smem:$0x3FFC];
	_ =	sdelay $0x3  }
0x95: {  	_ =	strace s4  }
0x96: {  	s4 =	sld [smem:$0x3FFD];
	_ =	sdelay $0x3  }
0x97: {  	_ =	strace s4  }
0x98: {  	_ =	strace $0x8FFFFFFF  }
0x99: {  	s19 =	sld [smem:$0x3FDB];
	_ =	sdelay $0x1  }
0x9a: {  	s5 =	simm.s32 $_scs_section_size  }
0x9b: {  	s6 =	simm.s32 $_size__tile_overlayer_lowered;
	s7 =	simm.s32 $_tile_overlayer_lowered  }
0x9c: {  	s22 =	simm.s32 $0x1BFF;
	s21 =	sshll.u32 s7, $0x1;
	s4 =	sadd.s32 s5, s19  }
0x9d: {  	s8 =	simm.s32 $0x0;
	s20 =	sshll.u32 s6, $0x1;
	s6 =	sadd.s32 s21, s4  }
0x9e: {  	[timem:s8], [sflag:s22] =	dma.local [hbm:s6], s20  }
0x9f: {  	_ =	swait.ge [sflag:s22], s20  }
0xa0: {  	s5 =	ssub.s32 $0x0, s20;
	[sflag:s22] =	ssyncset.done $0x0  }
0xa1: {  	[sflag:s22] =	ssyncadd.s32 s5;
	_ =	sdelay $0x1  }
0xa2: {  	s23 =	simm.s32 $0x1B8B  }
0xa3: {  	_ =	swait.ge [sflag:s23], $0x1  }
0xa4: {  	[sflag:s23] =	ssyncset.done $0x0  }
0xa5: {  	s25 =	simm.s32 $0x1B8E;
	s24 =	sld [smem:$0x3FFE];
	[sflag:s23] =	ssyncadd.s32 $0xFFFFFFFF  }
0xa6: {  	s26 =	simm.s32 $execute0_lowered;
	[smem:$0x3FD2] =	sst s25  }
0xa7: {  	s6 =	sshll.u32 s26, $0x1;
	_ =	strace $0x80000046;
	[dreg:$0x1] =	wrdreg $0xFFFFFFFF  }
0xa8: {  	s28 =	simm.s32 $_size_execute0_lowered;
	s4 =	sadd.s32 s4, s6;
	[dreg:$0x0] =	wrdreg $0x0  }
0xa9: {  	s6 =	sshll.u32 s28, $0x1;
	[dreg:$0x2] =	wrdreg s4  }
0xaa: {  	[dreg:$0x3] =	wrdreg s6  }
0xab: {  	[dreg:$0x4] =	wrdreg $0xC0  }
0xac: {  	_ =	task [dreg:s8], $0x5FFFF  }
0xad: {  	[dreg:$0x1] =	wrdreg $0xFFFFFFFF  }
0xae: {  	[dreg:$0x0] =	wrdreg $0x60  }
0xaf: {  	[dreg:$0x2] =	wrdreg s24  }
0xb0: {  	[dreg:$0x3] =	wrdreg s18  }
0xb1: {  	[dreg:$0x4] =	wrdreg s2  }
0xb2: {  	[dreg:$0x5] =	wrdreg $0x9  }
0xb3: {  	_ =	task.clear_ibuf [dreg:s8], $0x6FFFF;
	_ =	strace $0x90000046  }
0xb4: {  	s29 =	simm.s32 $0x9;
	_ =	strace $0x80000048  }
0xb5: {  	_ =	swait.ge [sflag:s29], $0x1  }
0xb6: {  	[sflag:s29] =	ssyncadd.s32 $0xFFFFFFFF  }
0xb7: {  	_ =	strace $0x90000048  }
0xb8: {  	_ =	sfence  }
0xb9: {  	s30 =	sld [smem:$0x0];
	_ =	sdelay $0x2  }
0xba: {  	s31 =	sshll.u32 s1, $0xD;
	s1 =	sshrl.u32 s1, $0x2  }
0xbb: {  	s3 =	sand.u32 $0x4000, s31;
	s1 =	sadd.s32 s1, s30  }
0xbc: {  	s0 =	sor.u32 s3, s0;
	s1 =	sshll.u32 s1, $0x11  }
0xbd: {  	s0 =	sor.u32 s1, s0  }
0xbe: {  	s0 =	sadd.s32 $0x8F2B, s0  }
0xbf: {  	[sflag:s0] =	ssyncadd.remote.s32 $0x1  }
0xc0: {  	_ =	sfence.sel $0xFFFF  }
0xc1: {  	[dreg:$0x0] =	wrdreg $0xFFFFFFFF;
	(pc) =	sbr.abs _section_cstart, $3  }
0xc2: {  	[dreg:$0x1] =	wrdreg $0xFFFFFFFF  }
0xc3: {  	_ =	task.clear_ibuf [dreg:s8], $0x2FFFF;
	_ =	strace $0x9FFFFFFF  }
0xc4: {  	(tm) =	ssettm $0x7FFFFFFF  }
0xc5: {  	_ =	shalt  }
tec
execute0_lowered:
.L_overlay_start_1:
0x0: {  	(tag) =	ssettag $0x1  }
0x1: {  	s0 =	rddreg [dreg:$0x0]  }
0x2: {  	s1 =	rddreg [dreg:$0x1]  }
0x3: {  	s4 =	rddreg [dreg:$0x2];
	s2 =	simm.s32 $0x0  }
0x4: {  	s3 =	srdreg.scid;
	s14 =	stileid.u32;
	s30 =	simm.s32 $0x7  }
0x5: {  	s29 =	simm.s32 $0xA500;
	s31 =	simm.s32 $0x2;
	[smem:$0x7FF] =	sst s2  }
0x6: {  	s5 =	sand.u32 $0x1, s3;
	s19 =	sshll.u32 s14, $0x1;
	s3 =	sadd.s32 $0x189E00, s0  }
0x7: {  	s9 =	sadd.s32 $0xC400, s0;
	s20 =	sadd.s32 $0xD400, s0;
	s6 =	sor.u32 s5, s19  }
0x8: {  	_ =	strace $0x80000047;
	[dreg:$0x8] =	wrdreg s9;
	s7 =	sshll.u32 s6, $0x7  }
0x9: {  	s8 =	sshll.u32 s6, $0xA;
	s10 =	sshll.u32 s6, $0xC;
	s21 =	sshll.u32 s6, $0x4  }
0xa: {  	s12 =	sshll.u32 s6, $0x9;
	s6 =	sshll.u32 s6, $0xF;
	s1 =	sadd.s32 s1, s21  }
0xb: {  	s8 =	sadd.s32 s8, s0;
	s22 =	sadd.s32 s4, s21;
	[dreg:$0xb] =	wrdreg s1  }
0xc: {  	s7 =	sadd.s32 s7, s0;
	s8 =	sadd.s32 $0x3400, s8;
	[dreg:$0xc] =	wrdreg s22  }
0xd: {  	s23 =	sadd.s32 s6, s20;
	s7 =	sadd.s32 $0xB400, s7;
	[dreg:$0x9] =	wrdreg s8  }
0xe: {  	s11 =	ssub.s32 $0x2, s5;
	s24 =	sadd.s32 $0x7000, s23;
	[dreg:$0xa] =	wrdreg s7  }
0xf: {  	s5 =	sshll.u32 s5, $0xF;
	s25 =	sadd.s32 $0x7200, s23;
	[dreg:$0xd] =	wrdreg s24  }
0x10: {  	s13 =	sshrl.u32 s11, $0x1;
	s26 =	sadd.s32 $0x7400, s23;
	[dreg:$0xe] =	wrdreg s25  }
0x11: {  	s10 =	sadd.s32 s10, s0;
	s28 =	sadd.s32 $0x7600, s23;
	[dreg:$0xf] =	wrdreg s26  }
0x12: {  	s0 =	sadd.s32 s12, s0;
	s6 =	sadd.s32 $0x7800, s23;
	[dreg:$0x10] =	wrdreg s28  }
0x13: {  	s11 =	ssub.s32 s11, s13;
	s1 =	sadd.s32 $0x7E00, s23;
	[dreg:$0x11] =	wrdreg s6  }
0x14: {  	s12 =	sshll.u32 s14, $0x10;
	s14 =	sadd.s32 $0x10D400, s10;
	[dreg:$0x14] =	wrdreg s1  }
0x15: {  	s13 =	sadd.s32 s12, s20;
	s15 =	sadd.s32 $0x10D600, s10;
	[dreg:$0x15] =	wrdreg s14  }
0x16: {  	s4 =	sor.u32 s5, s12;
	s17 =	sadd.s32 $0x10D800, s10;
	[dreg:$0x16] =	wrdreg s15  }
0x17: {  	s21 =	sadd.s32 $0x10DC00, s10;
	s22 =	sadd.s32 $0x10DE00, s10;
	[dreg:$0x17] =	wrdreg s17  }
0x18: {  	s12 =	simm.s32 $0x11500;
	s7 =	sadd.s32 $0x7A00, s23;
	[dreg:$0x19] =	wrdreg s21  }
0x19: {  	s8 =	sadd.s32 $0x7C00, s23;
	s1 =	sadd.s32 s5, s13;
	[dreg:$0x1a] =	wrdreg s22  }
0x1a: {  	s18 =	sadd.s32 s4, s20;
	s20 =	sadd.s32 $0x10DA00, s10;
	[dreg:$0x12] =	wrdreg s7  }
0x1b: {  	s23 =	sadd.s32 $0x10E000, s10;
	s25 =	sadd.s32 $0x10E200, s10;
	[dreg:$0x13] =	wrdreg s8  }
0x1c: {  	s26 =	sadd.s32 $0x12D400, s0;
	s0 =	sadd.s32 $0x131400, s0;
	[dreg:$0x4] =	wrdreg s1  }
0x1d: {  	s28 =	smax.u32 s11, $0x1;
	s4 =	simm.s32 $0x80;
	[dreg:$0x18] =	wrdreg s20  }
0x1e: {  	s13 =	simm.s32 $0x12500;
	s14 =	simm.s32 $0x13500;
	[dreg:$0x1b] =	wrdreg s23  }
0x1f: {  	s15 =	simm.s32 $0x2500;
	s17 =	simm.s32 $0x4500;
	[dreg:$0x1c] =	wrdreg s25  }
0x20: {  	s21 =	simm.s32 $0x7500;
	s22 =	simm.s32 $0x8500;
	[dreg:$0x1d] =	wrdreg s26  }
0x21: {  	s5 =	simm.s32 $0x0;
	s16 =	sadd.s32 $0xC00, s18;
	[dreg:$0x1e] =	wrdreg s0  }
0x22: {  	s19 =	sadd.s32 $0x800, s18;
	s24 =	sadd.s32 $0x400, s18;
	[dreg:$0x1f] =	wrdreg s28  }
0x23: {  	s20 =	simm.s32 $0x6500;
	s23 =	simm.s32 $0x9500;
	[dreg:$0x5] =	wrdreg s16  }
0x24: {  	s0 =	simm.s32 $0x3;
	s1 =	simm.s32 $0x4;
	[dreg:$0x6] =	wrdreg s19  }
0x25: {  	s25 =	simm.s32 $0x5;
	s26 =	simm.s32 $0x6;
	[dreg:$0x7] =	wrdreg s24  }
0x26: {  	s16 =	simm.s32 $0x3500;
	s19 =	simm.s32 $0x5500;
	s24 =	simm.s32 $0x1  }
.LBB2_1:
0x27: {  	s6 =	rddreg [dreg:$0x9]  }
0x28: {  	[tilespmem:s2], [sflag:$0x7] =	stream.linear.gather [hbm4b:s6+s2], $0x2000, $0x38;
	[tilespmem:$0x14500] =	vst v63  }
0x29: {  	_ =	swait.ge [sflag:s30], $0x2000  }
0x2a: {  	[sflag:s30] =	ssyncset.done $0x0  }
0x2b: {  	s7 =	simm.s32 $0x2000;
	s8 =	rddreg [dreg:$0xa];
	[sflag:s30] =	ssyncadd.s32 $0xFFFFE000  }
0x2c: {  	[tilespmem:s7], [sflag:$0x7] =	stream.linear.gather [hbm4b:s8+s2], $0x400, $0x38;
	[tilespmem:$0x14500] =	vst v63  }
0x2d: {  	_ =	swait.ge [sflag:s30], $0x400  }
0x2e: {  	[sflag:s30] =	ssyncset.done $0x0  }
0x2f: {  	s8 =	simm.s32 $0x2400;
	s6 =	rddreg [dreg:$0xb];
	[sflag:s30] =	ssyncadd.s32 $0xFFFFFC00  }
0x30: {  	[tilespmem:s8], [sflag:$0x7] =	stream.linear.gather [hbm4b:s6+s2], $0x80, $0x38;
	[tilespmem:$0x14500] =	vst v63  }
0x31: {  	_ =	swait.ge [sflag:s30], $0x80  }
0x32: {  	[sflag:s30] =	ssyncset.done $0x0  }
0x33: {  	s28 =	simm.s32 $0x2480;
	s6 =	rddreg [dreg:$0xc];
	[sflag:s30] =	ssyncadd.s32 $0xFFFFFF80  }
0x34: {  	[tilespmem:s28], [sflag:$0x7] =	stream.linear.gather [hbm4b:s6+s2], $0x80, $0x38;
	[tilespmem:$0x14500] =	vst v63  }
0x35: {  	_ =	swait.ge [sflag:s30], $0x80  }
0x36: {  	[sflag:s30] =	ssyncset.done $0x0  }
0x37: {  	[sflag:s30] =	ssyncadd.s32 $0xFFFFFF80  }
0x38: {  	[tilespmem:s29], [sflag:$0x5] =	stream.indirect.gather [hbm4b:s3+s4], $0x20, s7, s4, $0xb8;
	[tilespmem:$0x14500] =	vst v63  }
0x39: {  	s9 =	simm.s32 $0xB500;
	s7 =	simm.s32 $0x2080  }
0x3a: {  	[tilespmem:s9], [sflag:$0x5] =	stream.indirect.gather [hbm4b:s3+s4], $0x20, s7, s4, $0xb8;
	[tilespmem:$0x14500] =	vst v63  }
0x3b: {  	s9 =	simm.s32 $0xC500;
	s7 =	simm.s32 $0x2100  }
0x3c: {  	[tilespmem:s9], [sflag:$0x5] =	stream.indirect.gather [hbm4b:s3+s4], $0x20, s7, s4, $0xb8;
	[tilespmem:$0x14500] =	vst v63  }
0x3d: {  	s10 =	simm.s32 $0xD500;
	s7 =	simm.s32 $0x2180  }
0x3e: {  	[tilespmem:s10], [sflag:$0x5] =	stream.indirect.gather [hbm4b:s3+s4], $0x20, s7, s4, $0xb8;
	[tilespmem:$0x14500] =	vst v63  }
0x3f: {  	s10 =	simm.s32 $0xE500;
	s7 =	simm.s32 $0x2200  }
0x40: {  	[tilespmem:s10], [sflag:$0x5] =	stream.indirect.gather [hbm4b:s3+s4], $0x20, s7, s4, $0xb8;
	[tilespmem:$0x14500] =	vst v63  }
0x41: {  	s11 =	simm.s32 $0xF500;
	s7 =	simm.s32 $0x2280  }
0x42: {  	[tilespmem:s11], [sflag:$0x5] =	stream.indirect.gather [hbm4b:s3+s4], $0x20, s7, s4, $0xb8;
	[tilespmem:$0x14500] =	vst v63  }
0x43: {  	s11 =	simm.s32 $0x10500;
	s7 =	simm.s32 $0x2300  }
0x44: {  	[tilespmem:s11], [sflag:$0x5] =	stream.indirect.gather [hbm4b:s3+s4], $0x20, s7, s4, $0xb8;
	[tilespmem:$0x14500] =	vst v63  }
0x45: {  	s7 =	simm.s32 $0x2380  }
0x46: {  	[tilespmem:s12], [sflag:$0x5] =	stream.indirect.gather [hbm4b:s3+s4], $0x20, s7, s4, $0xb8;
	[tilespmem:$0x14500] =	vst v63  }
0x47: {  	_ = 	snop  }
0x48: {  	[tilespmem:s13], [sflag:$0x5] =	stream.indirect.gather [hbm4b:s3+s4], $0x20, s8, s4, $0xb8;
	[tilespmem:$0x14500] =	vst v63  }
0x49: {  	s7 =	rddreg [dreg:$0x8]  }
0x4a: {  	[tilespmem:s14], [sflag:$0x5] =	stream.indirect.gather [hbm4b:s7+s4], $0x20, s28, s4, $0xb8;
	[tilespmem:$0x14500] =	vst v63  }
0x4b: {  	_ = 	snop  }
0x4c: {  	[tilespmem:s15], [sflag:$0x1] =	stream.indirect.gather [hbm4b:s3+s4], $0x20, s2, s4, $0xb8;
	[tilespmem:$0x14500] =	vst v63  }
0x4d: {  	_ = 	snop  }
0x4e: {  	[tilespmem:s16], [sflag:$0x1] =	stream.indirect.gather [hbm4b:s3+s4], $0x20, s4, s4, $0xb8;
	[tilespmem:$0x14500] =	vst v63  }
0x4f: {  	s8 =	simm.s32 $0x100  }
0x50: {  	[tilespmem:s17], [sflag:$0x1] =	stream.indirect.gather [hbm4b:s3+s4], $0x20, s8, s4, $0xb8;
	[tilespmem:$0x14500] =	vst v63  }
0x51: {  	s7 =	simm.s32 $0x180  }
0x52: {  	[tilespmem:s19], [sflag:$0x1] =	stream.indirect.gather [hbm4b:s3+s4], $0x20, s7, s4, $0xb8;
	[tilespmem:$0x14500] =	vst v63  }
0x53: {  	s8 =	simm.s32 $0x200  }
0x54: {  	[tilespmem:s20], [sflag:$0x2] =	stream.indirect.gather [hbm4b:s3+s4], $0x20, s8, s4, $0xb8;
	[tilespmem:$0x14500] =	vst v63  }
0x55: {  	s7 =	simm.s32 $0x280  }
0x56: {  	[tilespmem:s21], [sflag:$0x2] =	stream.indirect.gather [hbm4b:s3+s4], $0x20, s7, s4, $0xb8;
	[tilespmem:$0x14500] =	vst v63  }
0x57: {  	s8 =	simm.s32 $0x300  }
0x58: {  	[tilespmem:s22], [sflag:$0x2] =	stream.indirect.gather [hbm4b:s3+s4], $0x20, s8, s4, $0xb8;
	[tilespmem:$0x14500] =	vst v63  }
0x59: {  	s7 =	simm.s32 $0x380  }
0x5a: {  	[tilespmem:s23], [sflag:$0x2] =	stream.indirect.gather [hbm4b:s3+s4], $0x20, s7, s4, $0xb8;
	[tilespmem:$0x14500] =	vst v63  }
0x5b: {  	_ =	swait.ge [sflag:s24], $0x1000  }
0x5c: {  	[sflag:s24] =	ssyncset.done $0x0  }
0x5d: {  	[sflag:s24] =	ssyncadd.s32 $0xFFFFF000  }
0x5e: {  	_ =	swait.ge [sflag:s24], $0x1000  }
0x5f: {  	[sflag:s24] =	ssyncset.done $0x0  }
0x60: {  	[sflag:s24] =	ssyncadd.s32 $0xFFFFF000  }
0x61: {  	_ =	swait.ge [sflag:s24], $0x1000  }
0x62: {  	[sflag:s24] =	ssyncset.done $0x0  }
0x63: {  	[sflag:s24] =	ssyncadd.s32 $0xFFFFF000  }
0x64: {  	_ =	swait.ge [sflag:s24], $0x1000  }
0x65: {  	s28 =	rddreg [dreg:$0x4];
	[sflag:s24] =	ssyncset.done $0x0  }
0x66: {  	s29 =	sadd.s32 $0x0, s18;
	[sflag:s24] =	ssyncadd.s32 $0xFFFFF000;
	s28 =	sadd.s32 $0x0, s28  }
0x67: {  	[hbm4b:s28+s2] =	stream.linear.scatter [tilespmem:s15], [sflag:$0x3], $0x1000, $0x38;
	[tilespmem:$0x14500] =	vst v63  }
0x68: {  	s8 =	rddreg [dreg:$0x7];
	s28 =	sadd.s32 $0x200, s29  }
0x69: {  	[hbm4b:s28+s2] =	stream.linear.scatter [tilespmem:s16], [sflag:$0x3], $0x1000, $0x38;
	[tilespmem:$0x14500] =	vst v63  }
0x6a: {  	s6 =	sadd.s32 $0x0, s8  }
0x6b: {  	[hbm4b:s6+s2] =	stream.linear.scatter [tilespmem:s17], [sflag:$0x3], $0x1000, $0x38;
	[tilespmem:$0x14500] =	vst v63  }
0x6c: {  	s7 =	sadd.s32 $0x600, s29  }
0x6d: {  	[hbm4b:s7+s2] =	stream.linear.scatter [tilespmem:s19], [sflag:$0x3], $0x1000, $0x38;
	[tilespmem:$0x14500] =	vst v63  }
0x6e: {  	_ =	swait.ge [sflag:s31], $0x1000  }
0x6f: {  	[sflag:s31] =	ssyncset.done $0x0  }
0x70: {  	[sflag:s31] =	ssyncadd.s32 $0xFFFFF000  }
0x71: {  	_ =	swait.ge [sflag:s31], $0x1000  }
0x72: {  	[sflag:s31] =	ssyncset.done $0x0  }
0x73: {  	[sflag:s31] =	ssyncadd.s32 $0xFFFFF000  }
0x74: {  	_ =	swait.ge [sflag:s31], $0x1000  }
0x75: {  	[sflag:s31] =	ssyncset.done $0x0  }
0x76: {  	[sflag:s31] =	ssyncadd.s32 $0xFFFFF000  }
0x77: {  	_ =	swait.ge [sflag:s31], $0x1000  }
0x78: {  	s8 =	rddreg [dreg:$0x6];
	[sflag:s31] =	ssyncset.done $0x0  }
0x79: {  	[sflag:s31] =	ssyncadd.s32 $0xFFFFF000;
	s6 =	sadd.s32 $0x0, s8  }
0x7a: {  	[hbm4b:s6+s2] =	stream.linear.scatter [tilespmem:s20], [sflag:$0x4], $0x1000, $0x38;
	[tilespmem:$0x14500] =	vst v63  }
0x7b: {  	s7 =	sadd.s32 $0xA00, s29;
	s28 =	rddreg [dreg:$0x5]  }
0x7c: {  	[hbm4b:s7+s2] =	stream.linear.scatter [tilespmem:s21], [sflag:$0x4], $0x1000, $0x38;
	[tilespmem:$0x14500] =	vst v63  }
0x7d: {  	s8 =	sadd.s32 $0x0, s28  }
0x7e: {  	[hbm4b:s8+s2] =	stream.linear.scatter [tilespmem:s22], [sflag:$0x4], $0x1000, $0x38;
	[tilespmem:$0x14500] =	vst v63  }
0x7f: {  	s7 =	sadd.s32 $0xE00, s29  }
0x80: {  	[hbm4b:s7+s2] =	stream.linear.scatter [tilespmem:s23], [sflag:$0x4], $0x1000, $0x38;
	[tilespmem:$0x14500] =	vst v63  }
0x81: {  	_ =	swait.ge [sflag:s0], $0x1000  }
0x82: {  	[sflag:s0] =	ssyncset.done $0x0  }
0x83: {  	[sflag:s0] =	ssyncadd.s32 $0xFFFFF000  }
0x84: {  	_ =	swait.ge [sflag:s0], $0x1000  }
0x85: {  	[sflag:s0] =	ssyncset.done $0x0  }
0x86: {  	[sflag:s0] =	ssyncadd.s32 $0xFFFFF000  }
0x87: {  	_ =	swait.ge [sflag:s0], $0x1000  }
0x88: {  	[sflag:s0] =	ssyncset.done $0x0  }
0x89: {  	[sflag:s0] =	ssyncadd.s32 $0xFFFFF000  }
0x8a: {  	_ =	swait.ge [sflag:s0], $0x1000  }
0x8b: {  	[sflag:s0] =	ssyncset.done $0x0  }
0x8c: {  	s8 =	simm.s32 $0x400;
	[sflag:s0] =	ssyncadd.s32 $0xFFFFF000  }
0x8d: {  	[tilespmem:s15], [sflag:$0x1] =	stream.indirect.gather [hbm4b:s3+s4], $0x20, s8, s4, $0xb8;
	[tilespmem:$0x14500] =	vst v63  }
0x8e: {  	s7 =	simm.s32 $0x480  }
0x8f: {  	[tilespmem:s16], [sflag:$0x1] =	stream.indirect.gather [hbm4b:s3+s4], $0x20, s7, s4, $0xb8;
	[tilespmem:$0x14500] =	vst v63  }
0x90: {  	s8 =	simm.s32 $0x500  }
0x91: {  	[tilespmem:s17], [sflag:$0x1] =	stream.indirect.gather [hbm4b:s3+s4], $0x20, s8, s4, $0xb8;
	[tilespmem:$0x14500] =	vst v63  }
0x92: {  	s7 =	simm.s32 $0x580  }
0x93: {  	[tilespmem:s19], [sflag:$0x1] =	stream.indirect.gather [hbm4b:s3+s4], $0x20, s7, s4, $0xb8;
	[tilespmem:$0x14500] =	vst v63  }
0x94: {  	_ =	swait.ge [sflag:s1], $0x1000  }
0x95: {  	[sflag:s1] =	ssyncset.done $0x0  }
0x96: {  	[sflag:s1] =	ssyncadd.s32 $0xFFFFF000  }
0x97: {  	_ =	swait.ge [sflag:s1], $0x1000  }
0x98: {  	[sflag:s1] =	ssyncset.done $0x0  }
0x99: {  	[sflag:s1] =	ssyncadd.s32 $0xFFFFF000  }
0x9a: {  	_ =	swait.ge [sflag:s1], $0x1000  }
0x9b: {  	[sflag:s1] =	ssyncset.done $0x0  }
0x9c: {  	[sflag:s1] =	ssyncadd.s32 $0xFFFFF000  }
0x9d: {  	_ =	swait.ge [sflag:s1], $0x1000  }
0x9e: {  	[sflag:s1] =	ssyncset.done $0x0  }
0x9f: {  	s8 =	simm.s32 $0x600;
	[sflag:s1] =	ssyncadd.s32 $0xFFFFF000  }
0xa0: {  	[tilespmem:s20], [sflag:$0x2] =	stream.indirect.gather [hbm4b:s3+s4], $0x20, s8, s4, $0xb8;
	[tilespmem:$0x14500] =	vst v63  }
0xa1: {  	s7 =	simm.s32 $0x680  }
0xa2: {  	[tilespmem:s21], [sflag:$0x2] =	stream.indirect.gather [hbm4b:s3+s4], $0x20, s7, s4, $0xb8;
	[tilespmem:$0x14500] =	vst v63  }
0xa3: {  	s28 =	simm.s32 $0x1000;
	s29 =	simm.s32 $0x780;
	s8 =	simm.s32 $0x700  }
0xa4: {  	[tilespmem:s22], [sflag:$0x2] =	stream.indirect.gather [hbm4b:s3+s4], $0x20, s8, s4, $0xb8;
	[tilespmem:$0x14500] =	vst v63  }
.LBB2_2:
0xa5: {  	[tilespmem:s23], [sflag:$0x2] =	stream.indirect.gather [hbm4b:s3+s4], $0x20, s29, s4, $0xb8;
	[tilespmem:$0x14500] =	vst v63  }
0xa6: {  	_ =	swait.ge [sflag:s24], $0x1000  }
0xa7: {  	[sflag:s24] =	ssyncset.done $0x0  }
0xa8: {  	[sflag:s24] =	ssyncadd.s32 $0xFFFFF000  }
0xa9: {  	_ =	swait.ge [sflag:s24], $0x1000  }
0xaa: {  	[sflag:s24] =	ssyncset.done $0x0  }
0xab: {  	[sflag:s24] =	ssyncadd.s32 $0xFFFFF000  }
0xac: {  	_ =	swait.ge [sflag:s24], $0x1000  }
0xad: {  	[sflag:s24] =	ssyncset.done $0x0  }
0xae: {  	[sflag:s24] =	ssyncadd.s32 $0xFFFFF000  }
0xaf: {  	_ =	swait.ge [sflag:s24], $0x1000  }
0xb0: {  	s29 =	smov.u32 s28;
	s6 =	rddreg [dreg:$0x4];
	[sflag:s24] =	ssyncset.done $0x0  }
0xb1: {  	s7 =	sadd.s32 s29, s18;
	[sflag:s24] =	ssyncadd.s32 $0xFFFFF000;
	s6 =	sadd.s32 s29, s6  }
0xb2: {  	[hbm4b:s6+s2] =	stream.linear.scatter [tilespmem:s15], [sflag:$0x3], $0x1000, $0x38;
	[tilespmem:$0x14500] =	vst v63  }
0xb3: {  	s8 =	rddreg [dreg:$0x7];
	s6 =	sadd.s32 $0x200, s7  }
0xb4: {  	[hbm4b:s6+s2] =	stream.linear.scatter [tilespmem:s16], [sflag:$0x3], $0x1000, $0x38;
	[tilespmem:$0x14500] =	vst v63  }
0xb5: {  	s8 =	sadd.s32 s29, s8  }
0xb6: {  	[hbm4b:s8+s2] =	stream.linear.scatter [tilespmem:s17], [sflag:$0x3], $0x1000, $0x38;
	[tilespmem:$0x14500] =	vst v63  }
0xb7: {  	s8 =	sadd.s32 $0x600, s7  }
0xb8: {  	[hbm4b:s8+s2] =	stream.linear.scatter [tilespmem:s19], [sflag:$0x3], $0x1000, $0x38;
	[tilespmem:$0x14500] =	vst v63  }
0xb9: {  	_ =	swait.ge [sflag:s31], $0x1000  }
0xba: {  	[sflag:s31] =	ssyncset.done $0x0  }
0xbb: {  	[sflag:s31] =	ssyncadd.s32 $0xFFFFF000  }
0xbc: {  	_ =	swait.ge [sflag:s31], $0x1000  }
0xbd: {  	[sflag:s31] =	ssyncset.done $0x0  }
0xbe: {  	[sflag:s31] =	ssyncadd.s32 $0xFFFFF000  }
0xbf: {  	_ =	swait.ge [sflag:s31], $0x1000  }
0xc0: {  	[sflag:s31] =	ssyncset.done $0x0  }
0xc1: {  	[sflag:s31] =	ssyncadd.s32 $0xFFFFF000  }
0xc2: {  	_ =	swait.ge [sflag:s31], $0x1000  }
0xc3: {  	s8 =	rddreg [dreg:$0x6];
	[sflag:s31] =	ssyncset.done $0x0  }
0xc4: {  	[sflag:s31] =	ssyncadd.s32 $0xFFFFF000;
	s6 =	sadd.s32 s29, s8  }
0xc5: {  	[hbm4b:s6+s2] =	stream.linear.scatter [tilespmem:s20], [sflag:$0x4], $0x1000, $0x38;
	[tilespmem:$0x14500] =	vst v63  }
0xc6: {  	s8 =	rddreg [dreg:$0x5];
	s6 =	sadd.s32 $0xA00, s7  }
0xc7: {  	[hbm4b:s6+s2] =	stream.linear.scatter [tilespmem:s21], [sflag:$0x4], $0x1000, $0x38;
	[tilespmem:$0x14500] =	vst v63  }
0xc8: {  	s8 =	sadd.s32 s29, s8  }
0xc9: {  	[hbm4b:s8+s2] =	stream.linear.scatter [tilespmem:s22], [sflag:$0x4], $0x1000, $0x38;
	[tilespmem:$0x14500] =	vst v63  }
0xca: {  	s7 =	sadd.s32 $0xE00, s7  }
0xcb: {  	[hbm4b:s7+s2] =	stream.linear.scatter [tilespmem:s23], [sflag:$0x4], $0x1000, $0x38;
	[tilespmem:$0x14500] =	vst v63  }
0xcc: {  	_ =	swait.ge [sflag:s0], $0x1000  }
0xcd: {  	[sflag:s0] =	ssyncset.done $0x0  }
0xce: {  	[sflag:s0] =	ssyncadd.s32 $0xFFFFF000  }
0xcf: {  	_ =	swait.ge [sflag:s0], $0x1000  }
0xd0: {  	[sflag:s0] =	ssyncset.done $0x0  }
0xd1: {  	[sflag:s0] =	ssyncadd.s32 $0xFFFFF000  }
0xd2: {  	_ =	swait.ge [sflag:s0], $0x1000  }
0xd3: {  	[sflag:s0] =	ssyncset.done $0x0  }
0xd4: {  	[sflag:s0] =	ssyncadd.s32 $0xFFFFF000  }
0xd5: {  	_ =	swait.ge [sflag:s0], $0x1000  }
0xd6: {  	s6 =	sshra.s32 s29, $0x2;
	[sflag:s0] =	ssyncset.done $0x0  }
0xd7: {  	s8 =	sadd.s32 $0x400, s6;
	[sflag:s0] =	ssyncadd.s32 $0xFFFFF000  }
0xd8: {  	[tilespmem:s15], [sflag:$0x1] =	stream.indirect.gather [hbm4b:s3+s4], $0x20, s8, s4, $0xb8;
	[tilespmem:$0x14500] =	vst v63  }
0xd9: {  	s8 =	sadd.s32 $0x480, s6  }
0xda: {  	[tilespmem:s16], [sflag:$0x1] =	stream.indirect.gather [hbm4b:s3+s4], $0x20, s8, s4, $0xb8;
	[tilespmem:$0x14500] =	vst v63  }
0xdb: {  	s8 =	sadd.s32 $0x500, s6  }
0xdc: {  	[tilespmem:s17], [sflag:$0x1] =	stream.indirect.gather [hbm4b:s3+s4], $0x20, s8, s4, $0xb8;
	[tilespmem:$0x14500] =	vst v63  }
0xdd: {  	s8 =	sadd.s32 $0x580, s6  }
0xde: {  	[tilespmem:s19], [sflag:$0x1] =	stream.indirect.gather [hbm4b:s3+s4], $0x20, s8, s4, $0xb8;
	[tilespmem:$0x14500] =	vst v63  }
0xdf: {  	_ =	swait.ge [sflag:s1], $0x1000  }
0xe0: {  	[sflag:s1] =	ssyncset.done $0x0  }
0xe1: {  	[sflag:s1] =	ssyncadd.s32 $0xFFFFF000  }
0xe2: {  	_ =	swait.ge [sflag:s1], $0x1000  }
0xe3: {  	[sflag:s1] =	ssyncset.done $0x0  }
0xe4: {  	[sflag:s1] =	ssyncadd.s32 $0xFFFFF000  }
0xe5: {  	_ =	swait.ge [sflag:s1], $0x1000  }
0xe6: {  	[sflag:s1] =	ssyncset.done $0x0  }
0xe7: {  	[sflag:s1] =	ssyncadd.s32 $0xFFFFF000  }
0xe8: {  	_ =	swait.ge [sflag:s1], $0x1000  }
0xe9: {  	[sflag:s1] =	ssyncset.done $0x0  }
0xea: {  	p0 =	sne.s32 s28, $0x6000;
	s8 =	sadd.s32 $0x600, s6;
	[sflag:s1] =	ssyncadd.s32 $0xFFFFF000  }
0xeb: {  	[tilespmem:s20], [sflag:$0x2] =	stream.indirect.gather [hbm4b:s3+s4], $0x20, s8, s4, $0xb8;
	[tilespmem:$0x14500] =	vst v63  }
.Ltmp0:
0xec: {  	_ = 	snop;
	(pc) =	sbr.rel @p0 .LBB2_2-.Ltmp0, $4  }
0xed: {  	s8 =	sadd.s32 $0x680, s6  }
0xee: {  	[tilespmem:s21], [sflag:$0x2] =	stream.indirect.gather [hbm4b:s3+s4], $0x20, s8, s4, $0xb8;
	[tilespmem:$0x14500] =	vst v63  }
0xef: {  	s28 =	sadd.s32 $0x1000, s28;
	s29 =	sadd.s32 $0x780, s6;
	s8 =	sadd.s32 $0x700, s6  }
0xf0: {  	[tilespmem:s22], [sflag:$0x2] =	stream.indirect.gather [hbm4b:s3+s4], $0x20, s8, s4, $0xb8;
	[tilespmem:$0x14500] =	vst v63  }
0xf1: {  	[tilespmem:s23], [sflag:$0x2] =	stream.indirect.gather [hbm4b:s3+s4], $0x20, s29, s4, $0xb8;
	[tilespmem:$0x14500] =	vst v63  }
0xf2: {  	_ =	swait.ge [sflag:s24], $0x1000  }
0xf3: {  	[sflag:s24] =	ssyncset.done $0x0  }
0xf4: {  	[sflag:s24] =	ssyncadd.s32 $0xFFFFF000  }
0xf5: {  	_ =	swait.ge [sflag:s24], $0x1000  }
0xf6: {  	[sflag:s24] =	ssyncset.done $0x0  }
0xf7: {  	[sflag:s24] =	ssyncadd.s32 $0xFFFFF000  }
0xf8: {  	_ =	swait.ge [sflag:s24], $0x1000  }
0xf9: {  	[sflag:s24] =	ssyncset.done $0x0  }
0xfa: {  	[sflag:s24] =	ssyncadd.s32 $0xFFFFF000  }
0xfb: {  	_ =	swait.ge [sflag:s24], $0x1000  }
0xfc: {  	[sflag:s24] =	ssyncset.done $0x0  }
0xfd: {  	s6 =	rddreg [dreg:$0xd];
	[sflag:s24] =	ssyncadd.s32 $0xFFFFF000  }
0xfe: {  	[hbm4b:s6+s2] =	stream.linear.scatter [tilespmem:s15], [sflag:$0x3], $0x1000, $0x38;
	[tilespmem:$0x14500] =	vst v63  }
0xff: {  	s28 =	rddreg [dreg:$0xe]  }
0x100: {  	[hbm4b:s28+s2] =	stream.linear.scatter [tilespmem:s16], [sflag:$0x3], $0x1000, $0x38;
	[tilespmem:$0x14500] =	vst v63  }
0x101: {  	s7 =	rddreg [dreg:$0xf]  }
0x102: {  	[hbm4b:s7+s2] =	stream.linear.scatter [tilespmem:s17], [sflag:$0x3], $0x1000, $0x38;
	[tilespmem:$0x14500] =	vst v63  }
0x103: {  	s8 =	rddreg [dreg:$0x10]  }
0x104: {  	[hbm4b:s8+s2] =	stream.linear.scatter [tilespmem:s19], [sflag:$0x3], $0x1000, $0x38;
	[tilespmem:$0x14500] =	vst v63  }
0x105: {  	_ =	swait.ge [sflag:s31], $0x1000  }
0x106: {  	[sflag:s31] =	ssyncset.done $0x0  }
0x107: {  	[sflag:s31] =	ssyncadd.s32 $0xFFFFF000  }
0x108: {  	_ =	swait.ge [sflag:s31], $0x1000  }
0x109: {  	[sflag:s31] =	ssyncset.done $0x0  }
0x10a: {  	[sflag:s31] =	ssyncadd.s32 $0xFFFFF000  }
0x10b: {  	_ =	swait.ge [sflag:s31], $0x1000  }
0x10c: {  	[sflag:s31] =	ssyncset.done $0x0  }
0x10d: {  	[sflag:s31] =	ssyncadd.s32 $0xFFFFF000  }
0x10e: {  	_ =	swait.ge [sflag:s31], $0x1000  }
0x10f: {  	[sflag:s31] =	ssyncset.done $0x0  }
0x110: {  	s28 =	rddreg [dreg:$0x11];
	[sflag:s31] =	ssyncadd.s32 $0xFFFFF000  }
0x111: {  	[hbm4b:s28+s2] =	stream.linear.scatter [tilespmem:s20], [sflag:$0x4], $0x1000, $0x38;
	[tilespmem:$0x14500] =	vst v63  }
0x112: {  	s7 =	rddreg [dreg:$0x12]  }
0x113: {  	[hbm4b:s7+s2] =	stream.linear.scatter [tilespmem:s21], [sflag:$0x4], $0x1000, $0x38;
	[tilespmem:$0x14500] =	vst v63  }
0x114: {  	s8 =	rddreg [dreg:$0x13]  }
0x115: {  	[hbm4b:s8+s2] =	stream.linear.scatter [tilespmem:s22], [sflag:$0x4], $0x1000, $0x38;
	[tilespmem:$0x14500] =	vst v63  }
0x116: {  	s28 =	rddreg [dreg:$0x14]  }
0x117: {  	[hbm4b:s28+s2] =	stream.linear.scatter [tilespmem:s23], [sflag:$0x4], $0x1000, $0x38;
	[tilespmem:$0x14500] =	vst v63  }
0x118: {  	_ =	swait.ge [sflag:s0], $0x1000  }
0x119: {  	[sflag:s0] =	ssyncset.done $0x0  }
0x11a: {  	[sflag:s0] =	ssyncadd.s32 $0xFFFFF000  }
0x11b: {  	_ =	swait.ge [sflag:s0], $0x1000  }
0x11c: {  	[sflag:s0] =	ssyncset.done $0x0  }
0x11d: {  	[sflag:s0] =	ssyncadd.s32 $0xFFFFF000  }
0x11e: {  	_ =	swait.ge [sflag:s0], $0x1000  }
0x11f: {  	[sflag:s0] =	ssyncset.done $0x0  }
0x120: {  	[sflag:s0] =	ssyncadd.s32 $0xFFFFF000  }
0x121: {  	_ =	swait.ge [sflag:s0], $0x1000  }
0x122: {  	[sflag:s0] =	ssyncset.done $0x0  }
0x123: {  	[sflag:s0] =	ssyncadd.s32 $0xFFFFF000  }
0x124: {  	_ =	swait.ge [sflag:s1], $0x1000  }
0x125: {  	[sflag:s1] =	ssyncset.done $0x0  }
0x126: {  	[sflag:s1] =	ssyncadd.s32 $0xFFFFF000  }
0x127: {  	_ =	swait.ge [sflag:s1], $0x1000  }
0x128: {  	[sflag:s1] =	ssyncset.done $0x0  }
0x129: {  	[sflag:s1] =	ssyncadd.s32 $0xFFFFF000  }
0x12a: {  	_ =	swait.ge [sflag:s1], $0x1000  }
0x12b: {  	[sflag:s1] =	ssyncset.done $0x0  }
0x12c: {  	[sflag:s1] =	ssyncadd.s32 $0xFFFFF000  }
0x12d: {  	_ =	swait.ge [sflag:s1], $0x1000  }
0x12e: {  	[sflag:s1] =	ssyncset.done $0x0  }
0x12f: {  	[sflag:s1] =	ssyncadd.s32 $0xFFFFF000  }
0x130: {  	_ =	swait.ge [sflag:s25], $0x1000  }
0x131: {  	[sflag:s25] =	ssyncset.done $0x0  }
0x132: {  	[sflag:s25] =	ssyncadd.s32 $0xFFFFF000  }
0x133: {  	_ =	swait.ge [sflag:s25], $0x1000  }
0x134: {  	[sflag:s25] =	ssyncset.done $0x0  }
0x135: {  	[sflag:s25] =	ssyncadd.s32 $0xFFFFF000  }
0x136: {  	_ =	swait.ge [sflag:s25], $0x1000  }
0x137: {  	[sflag:s25] =	ssyncset.done $0x0  }
0x138: {  	[sflag:s25] =	ssyncadd.s32 $0xFFFFF000  }
0x139: {  	_ =	swait.ge [sflag:s25], $0x1000  }
0x13a: {  	[sflag:s25] =	ssyncset.done $0x0  }
0x13b: {  	[sflag:s25] =	ssyncadd.s32 $0xFFFFF000  }
0x13c: {  	_ =	swait.ge [sflag:s25], $0x1000  }
0x13d: {  	[sflag:s25] =	ssyncset.done $0x0  }
0x13e: {  	[sflag:s25] =	ssyncadd.s32 $0xFFFFF000  }
0x13f: {  	_ =	swait.ge [sflag:s25], $0x1000  }
0x140: {  	[sflag:s25] =	ssyncset.done $0x0  }
0x141: {  	[sflag:s25] =	ssyncadd.s32 $0xFFFFF000  }
0x142: {  	_ =	swait.ge [sflag:s25], $0x1000  }
0x143: {  	[sflag:s25] =	ssyncset.done $0x0  }
0x144: {  	[sflag:s25] =	ssyncadd.s32 $0xFFFFF000  }
0x145: {  	_ =	swait.ge [sflag:s25], $0x1000  }
0x146: {  	[sflag:s25] =	ssyncset.done $0x0  }
0x147: {  	[sflag:s25] =	ssyncadd.s32 $0xFFFFF000  }
0x148: {  	_ =	swait.ge [sflag:s25], $0x1000  }
0x149: {  	[sflag:s25] =	ssyncset.done $0x0  }
0x14a: {  	[sflag:s25] =	ssyncadd.s32 $0xFFFFF000  }
0x14b: {  	_ =	swait.ge [sflag:s25], $0x1000  }
0x14c: {  	[sflag:s25] =	ssyncset.done $0x0  }
0x14d: {  	s29 =	simm.s32 $0xA500;
	s7 =	rddreg [dreg:$0x15];
	[sflag:s25] =	ssyncadd.s32 $0xFFFFF000  }
0x14e: {  	[hbm4b:s7+s2] =	stream.linear.scatter [tilespmem:s29], [sflag:$0x6], $0x1000, $0x38;
	[tilespmem:$0x14500] =	vst v63  }
0x14f: {  	s8 =	rddreg [dreg:$0x16];
	s7 =	simm.s32 $0xB500  }
0x150: {  	[hbm4b:s8+s2] =	stream.linear.scatter [tilespmem:s7], [sflag:$0x6], $0x1000, $0x38;
	[tilespmem:$0x14500] =	vst v63  }
0x151: {  	s28 =	rddreg [dreg:$0x17]  }
0x152: {  	[hbm4b:s28+s2] =	stream.linear.scatter [tilespmem:s9], [sflag:$0x6], $0x1000, $0x38;
	[tilespmem:$0x14500] =	vst v63  }
0x153: {  	s7 =	rddreg [dreg:$0x18];
	s8 =	simm.s32 $0xD500  }
0x154: {  	[hbm4b:s7+s2] =	stream.linear.scatter [tilespmem:s8], [sflag:$0x6], $0x1000, $0x38;
	[tilespmem:$0x14500] =	vst v63  }
0x155: {  	s9 =	rddreg [dreg:$0x19]  }
0x156: {  	[hbm4b:s9+s2] =	stream.linear.scatter [tilespmem:s10], [sflag:$0x6], $0x1000, $0x38;
	[tilespmem:$0x14500] =	vst v63  }
0x157: {  	s28 =	simm.s32 $0xF500;
	s10 =	rddreg [dreg:$0x1a]  }
0x158: {  	[hbm4b:s10+s2] =	stream.linear.scatter [tilespmem:s28], [sflag:$0x6], $0x1000, $0x38;
	[tilespmem:$0x14500] =	vst v63  }
0x159: {  	s8 =	rddreg [dreg:$0x1b]  }
0x15a: {  	[hbm4b:s8+s2] =	stream.linear.scatter [tilespmem:s11], [sflag:$0x6], $0x1000, $0x38;
	[tilespmem:$0x14500] =	vst v63  }
0x15b: {  	s9 =	rddreg [dreg:$0x1c]  }
0x15c: {  	[hbm4b:s9+s2] =	stream.linear.scatter [tilespmem:s12], [sflag:$0x6], $0x1000, $0x38;
	[tilespmem:$0x14500] =	vst v63  }
0x15d: {  	s10 =	rddreg [dreg:$0x1d]  }
0x15e: {  	[hbm4b:s10+s2] =	stream.linear.scatter [tilespmem:s13], [sflag:$0x6], $0x1000, $0x38;
	[tilespmem:$0x14500] =	vst v63  }
0x15f: {  	s11 =	rddreg [dreg:$0x1e]  }
0x160: {  	[hbm4b:s11+s2] =	stream.linear.scatter [tilespmem:s14], [sflag:$0x6], $0x1000, $0x38;
	[tilespmem:$0x14500] =	vst v63  }
0x161: {  	_ =	swait.ge [sflag:s26], $0x1000  }
0x162: {  	[sflag:s26] =	ssyncset.done $0x0  }
0x163: {  	[sflag:s26] =	ssyncadd.s32 $0xFFFFF000  }
0x164: {  	_ =	swait.ge [sflag:s26], $0x1000  }
0x165: {  	[sflag:s26] =	ssyncset.done $0x0  }
0x166: {  	[sflag:s26] =	ssyncadd.s32 $0xFFFFF000  }
0x167: {  	_ =	swait.ge [sflag:s26], $0x1000  }
0x168: {  	[sflag:s26] =	ssyncset.done $0x0  }
0x169: {  	[sflag:s26] =	ssyncadd.s32 $0xFFFFF000  }
0x16a: {  	_ =	swait.ge [sflag:s26], $0x1000  }
0x16b: {  	[sflag:s26] =	ssyncset.done $0x0  }
0x16c: {  	[sflag:s26] =	ssyncadd.s32 $0xFFFFF000  }
0x16d: {  	_ =	swait.ge [sflag:s26], $0x1000  }
0x16e: {  	[sflag:s26] =	ssyncset.done $0x0  }
0x16f: {  	[sflag:s26] =	ssyncadd.s32 $0xFFFFF000  }
0x170: {  	_ =	swait.ge [sflag:s26], $0x1000  }
0x171: {  	[sflag:s26] =	ssyncset.done $0x0  }
0x172: {  	[sflag:s26] =	ssyncadd.s32 $0xFFFFF000  }
0x173: {  	_ =	swait.ge [sflag:s26], $0x1000  }
0x174: {  	[sflag:s26] =	ssyncset.done $0x0  }
0x175: {  	[sflag:s26] =	ssyncadd.s32 $0xFFFFF000  }
0x176: {  	_ =	swait.ge [sflag:s26], $0x1000  }
0x177: {  	[sflag:s26] =	ssyncset.done $0x0  }
0x178: {  	[sflag:s26] =	ssyncadd.s32 $0xFFFFF000  }
0x179: {  	_ =	swait.ge [sflag:s26], $0x1000  }
0x17a: {  	[sflag:s26] =	ssyncset.done $0x0  }
0x17b: {  	[sflag:s26] =	ssyncadd.s32 $0xFFFFF000  }
0x17c: {  	_ =	swait.ge [sflag:s26], $0x1000  }
0x17d: {  	s5 =	sadd.s32 $0x1, s5;
	s28 =	rddreg [dreg:$0x1f]  }
0x17e: {  	p0 =	sne.s32 s5, s28  }
.Ltmp1:
0x17f: {  	_ = 	snop;
	(pc) =	sbr.rel @p0 .LBB2_1-.Ltmp1, $3  }
0x180: {  	_ =	sdelay $0x1  }
0x181: {  	[sflag:s26] =	ssyncset.done $0x0  }
0x182: {  	[sflag:s26] =	ssyncadd.s32 $0xFFFFF000  }
0x183: {  	_ =	sfence.sel $0x180000  }
0x184: {  	[bflag:$0x0] =	sbarrier.arrive $0xFFFF  }
0x185: {  	_ =	strace $0x90000047  }
0x186: {  	s0 =	stileid.u32;
	[bflag:$0x2] =	sbarrier.arrive $0xFFFF  }
0x187: {  	p0 =	sne.s32 s0, $0x0;
	s0 =	rddreg [dreg:$0x3]  }
0x188: {  	s0 =	sadd.s32 @!p0 $0x100000, s0  }
0x189: {  	[sflag:s0] =	ssyncadd.tile.s32 @!p0 $0x1;
	_ =	shalt  }
.Lfunc_end2:
_tile_overlayer_lowered:
.L_overlay_start_2:
0x18a: {  	(tag) =	ssettag $0x2  }
0x18b: {  	s0 =	rddreg [dreg:$0x0];
	s2 =	stileid.u32  }
0x18c: {  	s1 =	rddreg [dreg:$0x1];
	p0 =	sne.s32 s2, $0x0  }
0x18d: {  	s3 =	rddreg [dreg:$0x2];
	[bflag:$0x3] =	sbarrier.arrive $0xFFFF;
	s2 =	simm.s32 @!p0 $0x1C07  }
0x18e: {  	[timem:s3], [sflag:s2] =	dma.local @!p0 [hbm:s0], s1  }
0x18f: {  	s0 =	simm.s32 @!p0 $0x7  }
0x190: {  	_ =	swait.ge @!p0 [sflag:s0], s1  }
0x191: {  	s1 =	ssub.s32 @!p0 $0x0, s1;
	[sflag:s0] =	ssyncset.done @!p0 $0x0  }
0x192: {  	[sflag:s0] =	ssyncadd.s32 @!p0 s1  }
0x193: {  	[bflag:$0x3] =	sbarrier.arrive $0xFFFF  }
0x194: {  	_ =	shalt  }

</sc_bundles>
